<compile_context>
chip_gen: v7x
topology: tpu7x:2x2x1
jax: 0.10.2.dev20260603
libtpu: 0.0.44.dev20260713+nightly
codegen_flags: <defaults>
</compile_context>

<pallas_src>
import functools

import jax
import jax.numpy as jnp
from jax import lax
from jax.experimental import pallas as pl
from jax.experimental.pallas import tpu as pltpu
from jax.experimental.pallas import tpu_sc as plsc

N = 16384
B = 64
NNZ_PER_ROW = 16
CH = 32
CHN = CH * NNZ_PER_ROW
GRP = 4

_GATHER_DIM_NUMS = lax.GatherDimensionNumbers(
    offset_dims=(), collapsed_slice_dims=(0,), start_index_map=(0,))


def _splat_lane(vec, j):
    idx = jnp.full((16, 1), j, dtype=jnp.int32)
    return lax.gather(vec, idx, _GATHER_DIM_NUMS, slice_sizes=(1,),
                      mode=lax.GatherScatterMode.PROMISE_IN_BOUNDS)


def _make_kernel():
    info = plsc.get_sparse_core_info()
    nc, ns = info.num_cores, info.num_subcores
    nw = nc * ns
    rows_per_w = N // nw
    n_chunks = rows_per_w // CH
    nnz_per_w = rows_per_w * NNZ_PER_ROW

    mesh = plsc.VectorSubcoreMesh(core_axis_name="c", subcore_axis_name="s")

    @functools.partial(
        pl.kernel,
        out_type=jax.ShapeDtypeStruct((B, N), jnp.float32),
        mesh=mesh,
        compiler_params=pltpu.CompilerParams(use_tc_tiling_on_sc=False,
                                             needs_layout_passes=False),
        scratch_types=[
            pltpu.VMEM((nnz_per_w,), jnp.int32),
            pltpu.VMEM((nnz_per_w,), jnp.float32),
            pltpu.VMEM((rows_per_w,), jnp.float32),
            [pltpu.VMEM((CHN, B), jnp.bfloat16)] * 2,
            [pltpu.VMEM((B, CH), jnp.float32)] * 2,
            [pltpu.SemaphoreType.DMA] * 2,
            [pltpu.SemaphoreType.DMA] * 2,
        ],
    )
    def k(xt_hbm, col_hbm, val_hbm, bias_hbm, out_hbm,
          col_v, val_v, bias_v, gbufs, obufs, gsems, ssems):
        wid = lax.axis_index("s") * nc + lax.axis_index("c")
        row0 = wid * rows_per_w

        two_iota = 2 * lax.iota(jnp.int32, 16)

        pltpu.sync_copy(col_hbm.at[pl.ds(wid * nnz_per_w, nnz_per_w)], col_v)
        pltpu.sync_copy(val_hbm.at[pl.ds(wid * nnz_per_w, nnz_per_w)], val_v)
        pltpu.sync_copy(bias_hbm.at[pl.ds(row0, rows_per_w)], bias_v)

        def fire_gather(t, gbuf, sem):
            for h in range(CHN // 128):
                pltpu.async_copy(
                    xt_hbm.at[col_v.at[pl.ds(t * CHN + h * 128, 128)]],
                    gbuf.at[pl.ds(h * 128, 128)], sem)

        def wait_gather(gbuf, sem):
            for h in range(CHN // 128):
                pltpu.make_async_copy(xt_hbm.at[pl.ds(0, 128)],
                                      gbuf.at[pl.ds(h * 128, 128)],
                                      sem).wait()

        def wait_store(obuf, sem):
            pltpu.make_async_copy(obuf, out_hbm.at[:, pl.ds(0, CH)],
                                  sem).wait()

        col_idx = [two_iota, two_iota + 1, two_iota + 32, two_iota + 33]

        def compute(t, gbuf, obuf, sem):
            @plsc.parallel_loop(0, CH, unroll=8)
            def _row(i):
                vv = val_v[pl.ds((t * CH + i) * NNZ_PER_ROW, 16)]
                bv = bias_v[pl.ds(t * CH + (i // 16) * 16, 16)]
                bb = _splat_lane(bv, i % 16)
                accs = [bb, bb, bb, bb]
                for g0 in range(0, NNZ_PER_ROW, GRP):
                    s_lo = s_hi = None
                    for j in range(g0, g0 + GRP):
                        wf = _splat_lane(vv, j)
                        wv = plsc.pack(wf, wf,
                                       format=plsc.PackFormat.INTERLEAVED)
                        gr = i * NNZ_PER_ROW + j
                        p_lo = wv * gbuf[gr, pl.ds(0, 32)]
                        p_hi = wv * gbuf[gr, pl.ds(32, 32)]
                        s_lo = p_lo if s_lo is None else s_lo + p_lo
                        s_hi = p_hi if s_hi is None else s_hi + p_hi
                    lo = plsc.unpack(s_lo, format=plsc.PackFormat.INTERLEAVED)
                    hi = plsc.unpack(s_hi, format=plsc.PackFormat.INTERLEAVED)
                    for c, part in enumerate((lo[0], lo[1], hi[0], hi[1])):
                        accs[c] = accs[c] + part
                row_idx = jnp.full((16,), i, jnp.int32)
                for c in range(4):
                    plsc.store_scatter(obuf, [col_idx[c], row_idx], accs[c])

            pltpu.async_copy(obuf, out_hbm.at[:, pl.ds(row0 + t * CH, CH)],
                             sem)

        fire_gather(0, gbufs[0], gsems[0])

        def body(tt, _):
            for u in range(2):
                t = 2 * tt + u
                wait_gather(gbufs[u], gsems[u])

                @pl.when(t >= 2)
                def _():
                    wait_store(obufs[u], ssems[u])

                @pl.when(t + 1 < n_chunks)
                def _():
                    fire_gather(t + 1, gbufs[(u + 1) % 2],
                                gsems[(u + 1) % 2])

                compute(t, gbufs[u], obufs[u], ssems[u])
            return ()

        lax.fori_loop(0, n_chunks // 2, body, ())
        for u in range(2):
            wait_store(obufs[u], ssems[u])

    return k


def kernel(X, values, bias, crow_indices, col_indices):
    del crow_indices
    xtb = X.T.astype(jnp.bfloat16).reshape(N, B)
    return _make_kernel()(xtb, col_indices, values, bias)

# --- scband reference (transcript-rebuilt; emitter-appended) ---
"""Pipeline reference for scband-sparse-linear-8856222564675 (READ-ONLY COPY).

The authoritative reference and input builder live on the scoring server;
editing this copy changes nothing except your own understanding.
"""

import jax, jax.numpy as jnp
import numpy as np

N = 16384          # in_features == out_features (module uses size=(in,out) so square avoids the shape bug)
NNZ_PER_ROW = 16   # density ~ 0.001
NNZ = N * NNZ_PER_ROW
B = 64


def setup_inputs(seed: int = 0) -> dict:
    key = jax.random.key(seed)
    k1, k2, k3, k4 = jax.random.split(key, 4)
    X = jax.random.normal(k1, (B, N), dtype=jnp.float32)
    # CSR sparsity pattern: fixed nnz per row (realization of the boolean mask)
    col = jax.random.randint(k2, (N, NNZ_PER_ROW), 0, N, dtype=jnp.int32)
    col_indices = jnp.sort(col, axis=1).reshape(-1)
    crow_indices = jnp.arange(0, NNZ + 1, NNZ_PER_ROW, dtype=jnp.int32)
    # values init: uniform(-sqrt(6/in_features), +sqrt(6/in_features)) per _initialize_weights
    bound_w = float(np.sqrt(6.0 / N))
    values = jax.random.uniform(k3, (NNZ,), minval=-bound_w, maxval=bound_w, dtype=jnp.float32)
    # bias init: uniform(-1/sqrt(fan_in), 1/sqrt(fan_in))
    bound_b = 1.0 / float(np.sqrt(N))
    bias = jax.random.uniform(k4, (N,), minval=-bound_b, maxval=bound_b, dtype=jnp.float32)
    return {
        "X": X,
        "values": values,
        "bias": bias,
        "crow_indices": crow_indices,
        "col_indices": col_indices,
    }


def reference(X, values, bias, crow_indices, col_indices):
    # F.linear(X, W_csr, bias) where W_csr is [out, in] CSR: y = X @ W.T + b
    nnz = values.shape[0]
    n_rows = crow_indices.shape[0] - 1
    # CSR row-ids for every nonzero
    row_ids = jnp.searchsorted(crow_indices,
                               jnp.arange(nnz, dtype=crow_indices.dtype),
                               side="right") - 1
    # gather input columns for each nonzero and scale by value: [B, nnz]
    gathered = jnp.take(X, col_indices, axis=1) * values[None, :]
    # scatter-add into output rows: [n_rows, B]
    yT = jax.ops.segment_sum(gathered.T, row_ids, num_segments=n_rows)
    return yT.T + bias[None, :]

if __name__ == "__main__":
    import jax
    _d = setup_inputs()
    print(jax.jit(kernel)(*tuple(_d.values())))

</pallas_src>

<mosaic_0001>
#map = affine_map<(d0, d1) -> (0, 0)>
#map1 = affine_map<(d0, d1) -> (0)>
module attributes {stable_mosaic.version = 14 : i64} {
  func.func @k(%arg0: i32, %arg1: i32, %arg2: memref<16384x64xbf16, #tpu.memory_space<hbm>>, %arg3: memref<262144xi32, #tpu.memory_space<hbm>>, %arg4: memref<262144xf32, #tpu.memory_space<hbm>>, %arg5: memref<16384xf32, #tpu.memory_space<hbm>>, %arg6: memref<64x16384xf32, #tpu.memory_space<hbm>>, %arg7: memref<8192xi32, #tpu.memory_space<vmem>>, %arg8: memref<8192xf32, #tpu.memory_space<vmem>>, %arg9: memref<512xf32, #tpu.memory_space<vmem>>, %arg10: memref<512x64xbf16, #tpu.memory_space<vmem>>, %arg11: memref<512x64xbf16, #tpu.memory_space<vmem>>, %arg12: memref<64x32xf32, #tpu.memory_space<vmem>>, %arg13: memref<64x32xf32, #tpu.memory_space<vmem>>, %arg14: memref<!tpu.dma_semaphore, #tpu.memory_space<semaphore_mem>>, %arg15: memref<!tpu.dma_semaphore, #tpu.memory_space<semaphore_mem>>, %arg16: memref<!tpu.dma_semaphore, #tpu.memory_space<semaphore_mem>>, %arg17: memref<!tpu.dma_semaphore, #tpu.memory_space<semaphore_mem>>) attributes {dimension_semantics = [#tpu.dimension_semantics<core_parallel>, #tpu.dimension_semantics<subcore_parallel>], iteration_bounds = array<i64: 2, 16>, scalar_prefetch = 0 : i64, scratch_operands = 11 : i64, tpu.core_type = #tpu.core_type<sc_vector_subcore>, window_params = [{transform_indices = #map}, {transform_indices = #map1}, {transform_indices = #map1}, {transform_indices = #map1}, {transform_indices = #map}]} {
    %mul3A = arith.constant 2 : i32
    %mul3A_0 = arith.muli %arg1, %mul3A : i32
    %add3A = arith.addi %mul3A_0, %arg0 : i32
    %mul3A_1 = arith.constant 512 : i32
    %mul3A_2 = arith.muli %add3A, %mul3A_1 : i32
    %iota3A = tpu.iota {dimensions = array<i32: 0>} : vector<16xi32>
    %mul3A_3 = arith.constant 2 : i32
    %mul3A_4 = vector.broadcast %mul3A_3 : i32 to vector<16xi32>
    %mul3A_5 = arith.muli %mul3A_4, %iota3A : vector<16xi32>
    %mul3A_6 = arith.constant 8192 : i32
    %mul3A_7 = arith.muli %add3A, %mul3A_6 : i32
    "tpu.region"() ({
      %run_scoped3A = tpu.sem_alloc : memref<!tpu.dma_semaphore, #tpu.memory_space<semaphore_mem>>
      %dma_start3A_65 = tpu.memref_slice %arg3[%mul3A_7] : memref<262144xi32, #tpu.memory_space<hbm>> -> memref<8192xi32, #tpu.memory_space<hbm>>
      %dma_start3A_66 = tpu.memref_slice %arg3[%mul3A_7] : memref<262144xi32, #tpu.memory_space<hbm>> -> memref<8192xi32, #tpu.memory_space<hbm>>
      tpu.enqueue_dma source(%dma_start3A_66 : memref<8192xi32, #tpu.memory_space<hbm>>) target(%arg7 : memref<8192xi32, #tpu.memory_space<vmem>>) target_semaphore(%run_scoped3A : memref<!tpu.dma_semaphore, #tpu.memory_space<semaphore_mem>>)
      %dma_wait3A_67 = tpu.memref_slice %arg3[%mul3A_7] : memref<262144xi32, #tpu.memory_space<hbm>> -> memref<8192xi32, #tpu.memory_space<hbm>>
      %dma_wait3A_68 = tpu.memref_slice %arg3[%mul3A_7] : memref<262144xi32, #tpu.memory_space<hbm>> -> memref<8192xi32, #tpu.memory_space<hbm>>
      tpu.wait_dma2 semaphore(%run_scoped3A : memref<!tpu.dma_semaphore, #tpu.memory_space<semaphore_mem>>) src(%dma_wait3A_68 : memref<8192xi32, #tpu.memory_space<hbm>>) dst(%arg7 : memref<8192xi32, #tpu.memory_space<vmem>>)
      tpu.yield
    }) : () -> ()
    %mul3A_8 = arith.constant 8192 : i32
    %mul3A_9 = arith.muli %add3A, %mul3A_8 : i32
    "tpu.region"() ({
      %run_scoped3A = tpu.sem_alloc : memref<!tpu.dma_semaphore, #tpu.memory_space<semaphore_mem>>
      %dma_start3A_65 = tpu.memref_slice %arg4[%mul3A_9] : memref<262144xf32, #tpu.memory_space<hbm>> -> memref<8192xf32, #tpu.memory_space<hbm>>
      %dma_start3A_66 = tpu.memref_slice %arg4[%mul3A_9] : memref<262144xf32, #tpu.memory_space<hbm>> -> memref<8192xf32, #tpu.memory_space<hbm>>
      tpu.enqueue_dma source(%dma_start3A_66 : memref<8192xf32, #tpu.memory_space<hbm>>) target(%arg8 : memref<8192xf32, #tpu.memory_space<vmem>>) target_semaphore(%run_scoped3A : memref<!tpu.dma_semaphore, #tpu.memory_space<semaphore_mem>>)
      %dma_wait3A_67 = tpu.memref_slice %arg4[%mul3A_9] : memref<262144xf32, #tpu.memory_space<hbm>> -> memref<8192xf32, #tpu.memory_space<hbm>>
      %dma_wait3A_68 = tpu.memref_slice %arg4[%mul3A_9] : memref<262144xf32, #tpu.memory_space<hbm>> -> memref<8192xf32, #tpu.memory_space<hbm>>
      tpu.wait_dma2 semaphore(%run_scoped3A : memref<!tpu.dma_semaphore, #tpu.memory_space<semaphore_mem>>) src(%dma_wait3A_68 : memref<8192xf32, #tpu.memory_space<hbm>>) dst(%arg8 : memref<8192xf32, #tpu.memory_space<vmem>>)
      tpu.yield
    }) : () -> ()
    "tpu.region"() ({
      %run_scoped3A = tpu.sem_alloc : memref<!tpu.dma_semaphore, #tpu.memory_space<semaphore_mem>>
      %dma_start3A_65 = tpu.memref_slice %arg5[%mul3A_2] : memref<16384xf32, #tpu.memory_space<hbm>> -> memref<512xf32, #tpu.memory_space<hbm>>
      %dma_start3A_66 = tpu.memref_slice %arg5[%mul3A_2] : memref<16384xf32, #tpu.memory_space<hbm>> -> memref<512xf32, #tpu.memory_space<hbm>>
      tpu.enqueue_dma source(%dma_start3A_66 : memref<512xf32, #tpu.memory_space<hbm>>) target(%arg9 : memref<512xf32, #tpu.memory_space<vmem>>) target_semaphore(%run_scoped3A : memref<!tpu.dma_semaphore, #tpu.memory_space<semaphore_mem>>)
      %dma_wait3A_67 = tpu.memref_slice %arg5[%mul3A_2] : memref<16384xf32, #tpu.memory_space<hbm>> -> memref<512xf32, #tpu.memory_space<hbm>>
      %dma_wait3A_68 = tpu.memref_slice %arg5[%mul3A_2] : memref<16384xf32, #tpu.memory_space<hbm>> -> memref<512xf32, #tpu.memory_space<hbm>>
      tpu.wait_dma2 semaphore(%run_scoped3A : memref<!tpu.dma_semaphore, #tpu.memory_space<semaphore_mem>>) src(%dma_wait3A_68 : memref<512xf32, #tpu.memory_space<hbm>>) dst(%arg9 : memref<512xf32, #tpu.memory_space<vmem>>)
      tpu.yield
    }) : () -> ()
    %add3A_10 = arith.constant 1 : i32
    %add3A_11 = vector.broadcast %add3A_10 : i32 to vector<16xi32>
    %add3A_12 = arith.addi %mul3A_5, %add3A_11 : vector<16xi32>
    %add3A_13 = arith.constant 32 : i32
    %add3A_14 = vector.broadcast %add3A_13 : i32 to vector<16xi32>
    %add3A_15 = arith.addi %mul3A_5, %add3A_14 : vector<16xi32>
    %add3A_16 = arith.constant 33 : i32
    %add3A_17 = vector.broadcast %add3A_16 : i32 to vector<16xi32>
    %add3A_18 = arith.addi %mul3A_5, %add3A_17 : vector<16xi32>
    %dma_start3A = arith.constant 0 : i32
    %dma_start3A_19 = arith.constant 0 : i32
    %dma_start3A_20 = tpu.memref_slice %arg10[%dma_start3A, %dma_start3A_19] : memref<512x64xbf16, #tpu.memory_space<vmem>> -> memref<128x64xbf16, #tpu.memory_space<vmem>>
    %dma_start3A_21 = arith.constant 0 : i32
    %dma_start3A_22 = tpu.memref_slice %arg7[%dma_start3A_21] : memref<8192xi32, #tpu.memory_space<vmem>> -> memref<128xi32, #tpu.memory_space<vmem>>
    %dma_start3A_23 = arith.constant 0 : i32
    %dma_start3A_24 = arith.constant 0 : i32
    %dma_start3A_25 = tpu.memref_slice %arg2[%dma_start3A_23, %dma_start3A_24] : memref<16384x64xbf16, #tpu.memory_space<hbm>> -> memref<16384x64xbf16, #tpu.memory_space<hbm>>
    tpu.enqueue_indirect_dma source(%dma_start3A_25 : memref<16384x64xbf16, #tpu.memory_space<hbm>>) target(%dma_start3A_20 : memref<128x64xbf16, #tpu.memory_space<vmem>>) offsets(%dma_start3A_22 : memref<128xi32, #tpu.memory_space<vmem>>) semaphore(%arg14 : memref<!tpu.dma_semaphore, #tpu.memory_space<semaphore_mem>>)
    %dma_start3A_26 = arith.constant 128 : i32
    %dma_start3A_27 = arith.constant 0 : i32
    %dma_start3A_28 = tpu.memref_slice %arg10[%dma_start3A_26, %dma_start3A_27] : memref<512x64xbf16, #tpu.memory_space<vmem>> -> memref<128x64xbf16, #tpu.memory_space<vmem>>
    %dma_start3A_29 = arith.constant 128 : i32
    %dma_start3A_30 = tpu.memref_slice %arg7[%dma_start3A_29] : memref<8192xi32, #tpu.memory_space<vmem>> -> memref<128xi32, #tpu.memory_space<vmem>>
    %dma_start3A_31 = arith.constant 0 : i32
    %dma_start3A_32 = arith.constant 0 : i32
    %dma_start3A_33 = tpu.memref_slice %arg2[%dma_start3A_31, %dma_start3A_32] : memref<16384x64xbf16, #tpu.memory_space<hbm>> -> memref<16384x64xbf16, #tpu.memory_space<hbm>>
    tpu.enqueue_indirect_dma source(%dma_start3A_33 : memref<16384x64xbf16, #tpu.memory_space<hbm>>) target(%dma_start3A_28 : memref<128x64xbf16, #tpu.memory_space<vmem>>) offsets(%dma_start3A_30 : memref<128xi32, #tpu.memory_space<vmem>>) semaphore(%arg14 : memref<!tpu.dma_semaphore, #tpu.memory_space<semaphore_mem>>)
    %dma_start3A_34 = arith.constant 256 : i32
    %dma_start3A_35 = arith.constant 0 : i32
    %dma_start3A_36 = tpu.memref_slice %arg10[%dma_start3A_34, %dma_start3A_35] : memref<512x64xbf16, #tpu.memory_space<vmem>> -> memref<128x64xbf16, #tpu.memory_space<vmem>>
    %dma_start3A_37 = arith.constant 256 : i32
    %dma_start3A_38 = tpu.memref_slice %arg7[%dma_start3A_37] : memref<8192xi32, #tpu.memory_space<vmem>> -> memref<128xi32, #tpu.memory_space<vmem>>
    %dma_start3A_39 = arith.constant 0 : i32
    %dma_start3A_40 = arith.constant 0 : i32
    %dma_start3A_41 = tpu.memref_slice %arg2[%dma_start3A_39, %dma_start3A_40] : memref<16384x64xbf16, #tpu.memory_space<hbm>> -> memref<16384x64xbf16, #tpu.memory_space<hbm>>
    tpu.enqueue_indirect_dma source(%dma_start3A_41 : memref<16384x64xbf16, #tpu.memory_space<hbm>>) target(%dma_start3A_36 : memref<128x64xbf16, #tpu.memory_space<vmem>>) offsets(%dma_start3A_38 : memref<128xi32, #tpu.memory_space<vmem>>) semaphore(%arg14 : memref<!tpu.dma_semaphore, #tpu.memory_space<semaphore_mem>>)
    %dma_start3A_42 = arith.constant 384 : i32
    %dma_start3A_43 = arith.constant 0 : i32
    %dma_start3A_44 = tpu.memref_slice %arg10[%dma_start3A_42, %dma_start3A_43] : memref<512x64xbf16, #tpu.memory_space<vmem>> -> memref<128x64xbf16, #tpu.memory_space<vmem>>
    %dma_start3A_45 = arith.constant 384 : i32
    %dma_start3A_46 = tpu.memref_slice %arg7[%dma_start3A_45] : memref<8192xi32, #tpu.memory_space<vmem>> -> memref<128xi32, #tpu.memory_space<vmem>>
    %dma_start3A_47 = arith.constant 0 : i32
    %dma_start3A_48 = arith.constant 0 : i32
    %dma_start3A_49 = tpu.memref_slice %arg2[%dma_start3A_47, %dma_start3A_48] : memref<16384x64xbf16, #tpu.memory_space<hbm>> -> memref<16384x64xbf16, #tpu.memory_space<hbm>>
    tpu.enqueue_indirect_dma source(%dma_start3A_49 : memref<16384x64xbf16, #tpu.memory_space<hbm>>) target(%dma_start3A_44 : memref<128x64xbf16, #tpu.memory_space<vmem>>) offsets(%dma_start3A_46 : memref<128xi32, #tpu.memory_space<vmem>>) semaphore(%arg14 : memref<!tpu.dma_semaphore, #tpu.memory_space<semaphore_mem>>)
    %scan3A = arith.constant 0 : i32
    %scan3A_50 = arith.constant 8 : i32
    %scan3A_51 = arith.addi %scan3A, %scan3A_50 : i32
    %scan3A_52 = arith.constant 1 : i32
    scf.for %scan3A_65 = %scan3A to %scan3A_51 step %scan3A_52  : i32 {
      %mul3A_66 = arith.constant 2 : i32
      %mul3A_67 = arith.muli %mul3A_66, %scan3A_65 : i32
      %add3A_68 = arith.constant 0 : i32
      %add3A_69 = arith.addi %mul3A_67, %add3A_68 : i32
      %dma_wait3A_70 = arith.constant 0 : i32
      %dma_wait3A_71 = arith.constant 0 : i32
      %dma_wait3A_72 = tpu.memref_slice %arg10[%dma_wait3A_70, %dma_wait3A_71] : memref<512x64xbf16, #tpu.memory_space<vmem>> -> memref<128x64xbf16, #tpu.memory_space<vmem>>
      %dma_wait3A_73 = arith.constant 0 : i32
      %dma_wait3A_74 = arith.constant 0 : i32
      %dma_wait3A_75 = tpu.memref_slice %arg2[%dma_wait3A_73, %dma_wait3A_74] : memref<16384x64xbf16, #tpu.memory_space<hbm>> -> memref<128x64xbf16, #tpu.memory_space<hbm>>
      %dma_wait3A_76 = arith.constant 0 : i32
      %dma_wait3A_77 = arith.constant 0 : i32
      %dma_wait3A_78 = tpu.memref_slice %arg10[%dma_wait3A_76, %dma_wait3A_77] : memref<512x64xbf16, #tpu.memory_space<vmem>> -> memref<128x64xbf16, #tpu.memory_space<vmem>>
      %dma_wait3A_79 = arith.constant 0 : i32
      %dma_wait3A_80 = arith.constant 0 : i32
      %dma_wait3A_81 = tpu.memref_slice %arg2[%dma_wait3A_79, %dma_wait3A_80] : memref<16384x64xbf16, #tpu.memory_space<hbm>> -> memref<128x64xbf16, #tpu.memory_space<hbm>>
      tpu.wait_dma2 semaphore(%arg14 : memref<!tpu.dma_semaphore, #tpu.memory_space<semaphore_mem>>) src(%dma_wait3A_81 : memref<128x64xbf16, #tpu.memory_space<hbm>>) dst(%dma_wait3A_78 : memref<128x64xbf16, #tpu.memory_space<vmem>>)
      %dma_wait3A_82 = arith.constant 128 : i32
      %dma_wait3A_83 = arith.constant 0 : i32
      %dma_wait3A_84 = tpu.memref_slice %arg10[%dma_wait3A_82, %dma_wait3A_83] : memref<512x64xbf16, #tpu.memory_space<vmem>> -> memref<128x64xbf16, #tpu.memory_space<vmem>>
      %dma_wait3A_85 = arith.constant 0 : i32
      %dma_wait3A_86 = arith.constant 0 : i32
      %dma_wait3A_87 = tpu.memref_slice %arg2[%dma_wait3A_85, %dma_wait3A_86] : memref<16384x64xbf16, #tpu.memory_space<hbm>> -> memref<128x64xbf16, #tpu.memory_space<hbm>>
      %dma_wait3A_88 = arith.constant 128 : i32
      %dma_wait3A_89 = arith.constant 0 : i32
      %dma_wait3A_90 = tpu.memref_slice %arg10[%dma_wait3A_88, %dma_wait3A_89] : memref<512x64xbf16, #tpu.memory_space<vmem>> -> memref<128x64xbf16, #tpu.memory_space<vmem>>
      %dma_wait3A_91 = arith.constant 0 : i32
      %dma_wait3A_92 = arith.constant 0 : i32
      %dma_wait3A_93 = tpu.memref_slice %arg2[%dma_wait3A_91, %dma_wait3A_92] : memref<16384x64xbf16, #tpu.memory_space<hbm>> -> memref<128x64xbf16, #tpu.memory_space<hbm>>
      tpu.wait_dma2 semaphore(%arg14 : memref<!tpu.dma_semaphore, #tpu.memory_space<semaphore_mem>>) src(%dma_wait3A_93 : memref<128x64xbf16, #tpu.memory_space<hbm>>) dst(%dma_wait3A_90 : memref<128x64xbf16, #tpu.memory_space<vmem>>)
      %dma_wait3A_94 = arith.constant 256 : i32
      %dma_wait3A_95 = arith.constant 0 : i32
      %dma_wait3A_96 = tpu.memref_slice %arg10[%dma_wait3A_94, %dma_wait3A_95] : memref<512x64xbf16, #tpu.memory_space<vmem>> -> memref<128x64xbf16, #tpu.memory_space<vmem>>
      %dma_wait3A_97 = arith.constant 0 : i32
      %dma_wait3A_98 = arith.constant 0 : i32
      %dma_wait3A_99 = tpu.memref_slice %arg2[%dma_wait3A_97, %dma_wait3A_98] : memref<16384x64xbf16, #tpu.memory_space<hbm>> -> memref<128x64xbf16, #tpu.memory_space<hbm>>
      %dma_wait3A_100 = arith.constant 256 : i32
      %dma_wait3A_101 = arith.constant 0 : i32
      %dma_wait3A_102 = tpu.memref_slice %arg10[%dma_wait3A_100, %dma_wait3A_101] : memref<512x64xbf16, #tpu.memory_space<vmem>> -> memref<128x64xbf16, #tpu.memory_space<vmem>>
      %dma_wait3A_103 = arith.constant 0 : i32
      %dma_wait3A_104 = arith.constant 0 : i32
      %dma_wait3A_105 = tpu.memref_slice %arg2[%dma_wait3A_103, %dma_wait3A_104] : memref<16384x64xbf16, #tpu.memory_space<hbm>> -> memref<128x64xbf16, #tpu.memory_space<hbm>>
      tpu.wait_dma2 semaphore(%arg14 : memref<!tpu.dma_semaphore, #tpu.memory_space<semaphore_mem>>) src(%dma_wait3A_105 : memref<128x64xbf16, #tpu.memory_space<hbm>>) dst(%dma_wait3A_102 : memref<128x64xbf16, #tpu.memory_space<vmem>>)
      %dma_wait3A_106 = arith.constant 384 : i32
      %dma_wait3A_107 = arith.constant 0 : i32
      %dma_wait3A_108 = tpu.memref_slice %arg10[%dma_wait3A_106, %dma_wait3A_107] : memref<512x64xbf16, #tpu.memory_space<vmem>> -> memref<128x64xbf16, #tpu.memory_space<vmem>>
      %dma_wait3A_109 = arith.constant 0 : i32
      %dma_wait3A_110 = arith.constant 0 : i32
      %dma_wait3A_111 = tpu.memref_slice %arg2[%dma_wait3A_109, %dma_wait3A_110] : memref<16384x64xbf16, #tpu.memory_space<hbm>> -> memref<128x64xbf16, #tpu.memory_space<hbm>>
      %dma_wait3A_112 = arith.constant 384 : i32
      %dma_wait3A_113 = arith.constant 0 : i32
      %dma_wait3A_114 = tpu.memref_slice %arg10[%dma_wait3A_112, %dma_wait3A_113] : memref<512x64xbf16, #tpu.memory_space<vmem>> -> memref<128x64xbf16, #tpu.memory_space<vmem>>
      %dma_wait3A_115 = arith.constant 0 : i32
      %dma_wait3A_116 = arith.constant 0 : i32
      %dma_wait3A_117 = tpu.memref_slice %arg2[%dma_wait3A_115, %dma_wait3A_116] : memref<16384x64xbf16, #tpu.memory_space<hbm>> -> memref<128x64xbf16, #tpu.memory_space<hbm>>
      tpu.wait_dma2 semaphore(%arg14 : memref<!tpu.dma_semaphore, #tpu.memory_space<semaphore_mem>>) src(%dma_wait3A_117 : memref<128x64xbf16, #tpu.memory_space<hbm>>) dst(%dma_wait3A_114 : memref<128x64xbf16, #tpu.memory_space<vmem>>)
      %ge3A = arith.constant 2 : i32
      %ge3A_118 = arith.cmpi sge, %add3A_69, %ge3A : i32
      %convert_element_type3A = arith.extui %ge3A_118 : i1 to i32
      %cond3A = arith.constant 0 : i32
      %cond3A_119 = arith.cmpi ne, %convert_element_type3A, %cond3A : i32
      scf.if %cond3A_119 {
        %dma_wait3A_209 = arith.constant 0 : i32
        %dma_wait3A_210 = arith.constant 0 : i32
        %dma_wait3A_211 = tpu.memref_slice %arg6[%dma_wait3A_209, %dma_wait3A_210] : memref<64x16384xf32, #tpu.memory_space<hbm>> -> memref<64x32xf32, #tpu.memory_space<hbm>>
        %dma_wait3A_212 = arith.constant 0 : i32
        %dma_wait3A_213 = arith.constant 0 : i32
        %dma_wait3A_214 = tpu.memref_slice %arg6[%dma_wait3A_212, %dma_wait3A_213] : memref<64x16384xf32, #tpu.memory_space<hbm>> -> memref<64x32xf32, #tpu.memory_space<hbm>>
        tpu.wait_dma2 semaphore(%arg16 : memref<!tpu.dma_semaphore, #tpu.memory_space<semaphore_mem>>) src(%arg12 : memref<64x32xf32, #tpu.memory_space<vmem>>) dst(%dma_wait3A_214 : memref<64x32xf32, #tpu.memory_space<hbm>>)
      } else {
      }
      %add3A_120 = arith.constant 1 : i32
      %add3A_121 = arith.addi %add3A_69, %add3A_120 : i32
      %lt3A = arith.constant 16 : i32
      %lt3A_122 = arith.cmpi slt, %add3A_121, %lt3A : i32
      %convert_element_type3A_123 = arith.extui %lt3A_122 : i1 to i32
      %cond3A_124 = arith.constant 0 : i32
      %cond3A_125 = arith.cmpi ne, %convert_element_type3A_123, %cond3A_124 : i32
      scf.if %cond3A_125 {
        %add3A_209 = arith.constant 1 : i32
        %add3A_210 = arith.addi %add3A_69, %add3A_209 : i32
        %mul3A_211 = arith.constant 512 : i32
        %mul3A_212 = arith.muli %add3A_210, %mul3A_211 : i32
        %add3A_213 = arith.constant 0 : i32
        %add3A_214 = arith.addi %mul3A_212, %add3A_213 : i32
        %dma_start3A_215 = arith.constant 0 : i32
        %dma_start3A_216 = arith.constant 0 : i32
        %dma_start3A_217 = tpu.memref_slice %arg11[%dma_start3A_215, %dma_start3A_216] : memref<512x64xbf16, #tpu.memory_space<vmem>> -> memref<128x64xbf16, #tpu.memory_space<vmem>>
        %dma_start3A_218 = tpu.memref_slice %arg7[%add3A_214] : memref<8192xi32, #tpu.memory_space<vmem>> -> memref<128xi32, #tpu.memory_space<vmem>>
        %dma_start3A_219 = arith.constant 0 : i32
        %dma_start3A_220 = arith.constant 0 : i32
        %dma_start3A_221 = tpu.memref_slice %arg2[%dma_start3A_219, %dma_start3A_220] : memref<16384x64xbf16, #tpu.memory_space<hbm>> -> memref<16384x64xbf16, #tpu.memory_space<hbm>>
        tpu.enqueue_indirect_dma source(%dma_start3A_221 : memref<16384x64xbf16, #tpu.memory_space<hbm>>) target(%dma_start3A_217 : memref<128x64xbf16, #tpu.memory_space<vmem>>) offsets(%dma_start3A_218 : memref<128xi32, #tpu.memory_space<vmem>>) semaphore(%arg15 : memref<!tpu.dma_semaphore, #tpu.memory_space<semaphore_mem>>)
        %mul3A_222 = arith.constant 512 : i32
        %mul3A_223 = arith.muli %add3A_210, %mul3A_222 : i32
        %add3A_224 = arith.constant 128 : i32
        %add3A_225 = arith.addi %mul3A_223, %add3A_224 : i32
        %dma_start3A_226 = arith.constant 128 : i32
        %dma_start3A_227 = arith.constant 0 : i32
        %dma_start3A_228 = tpu.memref_slice %arg11[%dma_start3A_226, %dma_start3A_227] : memref<512x64xbf16, #tpu.memory_space<vmem>> -> memref<128x64xbf16, #tpu.memory_space<vmem>>
        %dma_start3A_229 = tpu.memref_slice %arg7[%add3A_225] : memref<8192xi32, #tpu.memory_space<vmem>> -> memref<128xi32, #tpu.memory_space<vmem>>
        %dma_start3A_230 = arith.constant 0 : i32
        %dma_start3A_231 = arith.constant 0 : i32
        %dma_start3A_232 = tpu.memref_slice %arg2[%dma_start3A_230, %dma_start3A_231] : memref<16384x64xbf16, #tpu.memory_space<hbm>> -> memref<16384x64xbf16, #tpu.memory_space<hbm>>
        tpu.enqueue_indirect_dma source(%dma_start3A_232 : memref<16384x64xbf16, #tpu.memory_space<hbm>>) target(%dma_start3A_228 : memref<128x64xbf16, #tpu.memory_space<vmem>>) offsets(%dma_start3A_229 : memref<128xi32, #tpu.memory_space<vmem>>) semaphore(%arg15 : memref<!tpu.dma_semaphore, #tpu.memory_space<semaphore_mem>>)
        %mul3A_233 = arith.constant 512 : i32
        %mul3A_234 = arith.muli %add3A_210, %mul3A_233 : i32
        %add3A_235 = arith.constant 256 : i32
        %add3A_236 = arith.addi %mul3A_234, %add3A_235 : i32
        %dma_start3A_237 = arith.constant 256 : i32
        %dma_start3A_238 = arith.constant 0 : i32
        %dma_start3A_239 = tpu.memref_slice %arg11[%dma_start3A_237, %dma_start3A_238] : memref<512x64xbf16, #tpu.memory_space<vmem>> -> memref<128x64xbf16, #tpu.memory_space<vmem>>
        %dma_start3A_240 = tpu.memref_slice %arg7[%add3A_236] : memref<8192xi32, #tpu.memory_space<vmem>> -> memref<128xi32, #tpu.memory_space<vmem>>
        %dma_start3A_241 = arith.constant 0 : i32
        %dma_start3A_242 = arith.constant 0 : i32
        %dma_start3A_243 = tpu.memref_slice %arg2[%dma_start3A_241, %dma_start3A_242] : memref<16384x64xbf16, #tpu.memory_space<hbm>> -> memref<16384x64xbf16, #tpu.memory_space<hbm>>
        tpu.enqueue_indirect_dma source(%dma_start3A_243 : memref<16384x64xbf16, #tpu.memory_space<hbm>>) target(%dma_start3A_239 : memref<128x64xbf16, #tpu.memory_space<vmem>>) offsets(%dma_start3A_240 : memref<128xi32, #tpu.memory_space<vmem>>) semaphore(%arg15 : memref<!tpu.dma_semaphore, #tpu.memory_space<semaphore_mem>>)
        %mul3A_244 = arith.constant 512 : i32
        %mul3A_245 = arith.muli %add3A_210, %mul3A_244 : i32
        %add3A_246 = arith.constant 384 : i32
        %add3A_247 = arith.addi %mul3A_245, %add3A_246 : i32
        %dma_start3A_248 = arith.constant 384 : i32
        %dma_start3A_249 = arith.constant 0 : i32
        %dma_start3A_250 = tpu.memref_slice %arg11[%dma_start3A_248, %dma_start3A_249] : memref<512x64xbf16, #tpu.memory_space<vmem>> -> memref<128x64xbf16, #tpu.memory_space<vmem>>
        %dma_start3A_251 = tpu.memref_slice %arg7[%add3A_247] : memref<8192xi32, #tpu.memory_space<vmem>> -> memref<128xi32, #tpu.memory_space<vmem>>
        %dma_start3A_252 = arith.constant 0 : i32
        %dma_start3A_253 = arith.constant 0 : i32
        %dma_start3A_254 = tpu.memref_slice %arg2[%dma_start3A_252, %dma_start3A_253] : memref<16384x64xbf16, #tpu.memory_space<hbm>> -> memref<16384x64xbf16, #tpu.memory_space<hbm>>
        tpu.enqueue_indirect_dma source(%dma_start3A_254 : memref<16384x64xbf16, #tpu.memory_space<hbm>>) target(%dma_start3A_250 : memref<128x64xbf16, #tpu.memory_space<vmem>>) offsets(%dma_start3A_251 : memref<128xi32, #tpu.memory_space<vmem>>) semaphore(%arg15 : memref<!tpu.dma_semaphore, #tpu.memory_space<semaphore_mem>>)
      } else {
      }
      %parallel_loop3A = arith.constant 0 : i32
      %parallel_loop3A_126 = arith.constant 32 : i32
      %parallel_loop3A_127 = arith.constant 1 : i32
      scf.for %parallel_loop3A_209 = %parallel_loop3A to %parallel_loop3A_126 step %parallel_loop3A_127  : i32 {
        %parallel_loop3A_210 = arith.constant 32 : i32
        %parallel_loop3A_211 = arith.muli %add3A_69, %parallel_loop3A_210 : i32
        %parallel_loop3A_212 = arith.addi %parallel_loop3A_211, %parallel_loop3A_209 : i32
        %parallel_loop3A_213 = arith.constant 16 : i32
        %parallel_loop3A_214 = arith.muli %parallel_loop3A_212, %parallel_loop3A_213 : i32
        %parallel_loop3A_215 = arith.index_cast %parallel_loop3A_214 : i32 to index
        %parallel_loop3A_216 = tpu.vector_load %arg8[%parallel_loop3A_215] {strides = array<i32>} : memref<8192xf32, #tpu.memory_space<vmem>>, vector<16xf32>,
        %parallel_loop3A_217 = arith.constant 32 : i32
        %parallel_loop3A_218 = arith.muli %add3A_69, %parallel_loop3A_217 : i32
        %parallel_loop3A_219 = arith.constant 16 : i32
        %parallel_loop3A_220 = arith.divsi %parallel_loop3A_209, %parallel_loop3A_219 : i32
        %parallel_loop3A_221 = arith.constant 0 : i32
        %parallel_loop3A_222 = arith.cmpi sgt, %parallel_loop3A_209, %parallel_loop3A_221 : i32
        %parallel_loop3A_223 = arith.extui %parallel_loop3A_222 : i1 to i32
        %parallel_loop3A_224 = arith.constant 0 : i32
        %parallel_loop3A_225 = arith.cmpi slt, %parallel_loop3A_209, %parallel_loop3A_224 : i32
        %parallel_loop3A_226 = arith.extui %parallel_loop3A_225 : i1 to i32
        %parallel_loop3A_227 = arith.subi %parallel_loop3A_223, %parallel_loop3A_226 : i32
        %parallel_loop3A_228 = arith.constant 0 : i32
        %parallel_loop3A_229 = arith.cmpi sgt, %parallel_loop3A_219, %parallel_loop3A_228 : i32
        %parallel_loop3A_230 = arith.extui %parallel_loop3A_229 : i1 to i32
        %parallel_loop3A_231 = arith.constant 0 : i32
        %parallel_loop3A_232 = arith.cmpi slt, %parallel_loop3A_219, %parallel_loop3A_231 : i32
        %parallel_loop3A_233 = arith.extui %parallel_loop3A_232 : i1 to i32
        %parallel_loop3A_234 = arith.subi %parallel_loop3A_230, %parallel_loop3A_233 : i32
        %parallel_loop3A_235 = arith.cmpi ne, %parallel_loop3A_227, %parallel_loop3A_234 : i32
        %parallel_loop3A_236 = arith.remsi %parallel_loop3A_209, %parallel_loop3A_219 : i32
        %parallel_loop3A_237 = arith.constant 0 : i32
        %parallel_loop3A_238 = arith.cmpi ne, %parallel_loop3A_236, %parallel_loop3A_237 : i32
        %parallel_loop3A_239 = arith.andi %parallel_loop3A_235, %parallel_loop3A_238 : i1
        %parallel_loop3A_240 = arith.constant 1 : i32
        %parallel_loop3A_241 = arith.subi %parallel_loop3A_220, %parallel_loop3A_240 : i32
        %parallel_loop3A_242 = arith.select %parallel_loop3A_239, %parallel_loop3A_241, %parallel_loop3A_220 : i32
        %parallel_loop3A_243 = arith.constant 16 : i32
        %parallel_loop3A_244 = arith.muli %parallel_loop3A_242, %parallel_loop3A_243 : i32
        %parallel_loop3A_245 = arith.addi %parallel_loop3A_218, %parallel_loop3A_244 : i32
        %parallel_loop3A_246 = arith.index_cast %parallel_loop3A_245 : i32 to index
        %parallel_loop3A_247 = tpu.vector_load %arg9[%parallel_loop3A_246] {strides = array<i32>} : memref<512xf32, #tpu.memory_space<vmem>>, vector<16xf32>,
        %parallel_loop3A_248 = arith.constant 16 : i32
        %parallel_loop3A_249 = arith.constant 0 : i32
        %parallel_loop3A_250 = arith.cmpi eq, %parallel_loop3A_248, %parallel_loop3A_249 : i32
        %parallel_loop3A_251 = arith.constant 1 : i32
        %parallel_loop3A_252 = arith.select %parallel_loop3A_250, %parallel_loop3A_251, %parallel_loop3A_248 : i32
        %parallel_loop3A_253 = arith.remsi %parallel_loop3A_209, %parallel_loop3A_252 : i32
        %parallel_loop3A_254 = arith.constant 0 : i32
        %parallel_loop3A_255 = arith.cmpi ne, %parallel_loop3A_253, %parallel_loop3A_254 : i32
        %parallel_loop3A_256 = arith.constant 0 : i32
        %parallel_loop3A_257 = arith.cmpi slt, %parallel_loop3A_253, %parallel_loop3A_256 : i32
        %parallel_loop3A_258 = arith.constant 0 : i32
        %parallel_loop3A_259 = arith.cmpi slt, %parallel_loop3A_252, %parallel_loop3A_258 : i32
        %parallel_loop3A_260 = arith.xori %parallel_loop3A_257, %parallel_loop3A_259 : i1
        %parallel_loop3A_261 = arith.andi %parallel_loop3A_260, %parallel_loop3A_255 : i1
        %parallel_loop3A_262 = arith.addi %parallel_loop3A_253, %parallel_loop3A_252 : i32
        %parallel_loop3A_263 = arith.select %parallel_loop3A_261, %parallel_loop3A_262, %parallel_loop3A_253 : i32
        %parallel_loop3A_264 = vector.broadcast %parallel_loop3A_263 : i32 to vector<16x1xi32>
        %parallel_loop3A_265 = vector.shape_cast %parallel_loop3A_264 : vector<16x1xi32> to vector<16xi32>
        %parallel_loop3A_266 = tpu.dynamic_gather %parallel_loop3A_247[%parallel_loop3A_265] in [0] : vector<16xf32>, vector<16xi32> -> vector<16xf32>
        %parallel_loop3A_267 = arith.constant 0 : i32
        %parallel_loop3A_268 = vector.broadcast %parallel_loop3A_267 : i32 to vector<16x1xi32>
        %parallel_loop3A_269 = vector.shape_cast %parallel_loop3A_268 : vector<16x1xi32> to vector<16xi32>
        %parallel_loop3A_270 = tpu.dynamic_gather %parallel_loop3A_216[%parallel_loop3A_269] in [0] : vector<16xf32>, vector<16xi32> -> vector<16xf32>
        %parallel_loop3A_271 = tpu.pack_subelements %parallel_loop3A_270, %parallel_loop3A_270 {pack_format = #tpu.pack_format<interleaved>, positions = array<i32: 0, 1>} : vector<16xf32>, vector<16xf32> -> vector<32xbf16>
        %parallel_loop3A_272 = arith.constant 16 : i32
        %parallel_loop3A_273 = arith.muli %parallel_loop3A_209, %parallel_loop3A_272 : i32
        %parallel_loop3A_274 = arith.constant 0 : i32
        %parallel_loop3A_275 = arith.addi %parallel_loop3A_273, %parallel_loop3A_274 : i32
        %parallel_loop3A_276 = arith.index_cast %parallel_loop3A_275 : i32 to index
        %parallel_loop3A_277 = arith.constant 0 : index
        %parallel_loop3A_278 = tpu.vector_load %arg10[%parallel_loop3A_276, %parallel_loop3A_277] {strides = array<i32>} : memref<512x64xbf16, #tpu.memory_space<vmem>>, vector<32xbf16>,
        %parallel_loop3A_279 = arith.mulf %parallel_loop3A_271, %parallel_loop3A_278 : vector<32xbf16>
        %parallel_loop3A_280 = arith.index_cast %parallel_loop3A_275 : i32 to index
        %parallel_loop3A_281 = arith.constant 32 : index
        %parallel_loop3A_282 = tpu.vector_load %arg10[%parallel_loop3A_280, %parallel_loop3A_281] {strides = array<i32>} : memref<512x64xbf16, #tpu.memory_space<vmem>>, vector<32xbf16>,
        %parallel_loop3A_283 = arith.mulf %parallel_loop3A_271, %parallel_loop3A_282 : vector<32xbf16>
        %parallel_loop3A_284 = arith.constant 1 : i32
        %parallel_loop3A_285 = vector.broadcast %parallel_loop3A_284 : i32 to vector<16x1xi32>
        %parallel_loop3A_286 = vector.shape_cast %parallel_loop3A_285 : vector<16x1xi32> to vector<16xi32>
        %parallel_loop3A_287 = tpu.dynamic_gather %parallel_loop3A_216[%parallel_loop3A_286] in [0] : vector<16xf32>, vector<16xi32> -> vector<16xf32>
        %parallel_loop3A_288 = tpu.pack_subelements %parallel_loop3A_287, %parallel_loop3A_287 {pack_format = #tpu.pack_format<interleaved>, positions = array<i32: 0, 1>} : vector<16xf32>, vector<16xf32> -> vector<32xbf16>
        %parallel_loop3A_289 = arith.constant 16 : i32
        %parallel_loop3A_290 = arith.muli %parallel_loop3A_209, %parallel_loop3A_289 : i32
        %parallel_loop3A_291 = arith.constant 1 : i32
        %parallel_loop3A_292 = arith.addi %parallel_loop3A_290, %parallel_loop3A_291 : i32
        %parallel_loop3A_293 = arith.index_cast %parallel_loop3A_292 : i32 to index
        %parallel_loop3A_294 = arith.constant 0 : index
        %parallel_loop3A_295 = tpu.vector_load %arg10[%parallel_loop3A_293, %parallel_loop3A_294] {strides = array<i32>} : memref<512x64xbf16, #tpu.memory_space<vmem>>, vector<32xbf16>,
        %parallel_loop3A_296 = arith.mulf %parallel_loop3A_288, %parallel_loop3A_295 : vector<32xbf16>
        %parallel_loop3A_297 = arith.index_cast %parallel_loop3A_292 : i32 to index
        %parallel_loop3A_298 = arith.constant 32 : index
        %parallel_loop3A_299 = tpu.vector_load %arg10[%parallel_loop3A_297, %parallel_loop3A_298] {strides = array<i32>} : memref<512x64xbf16, #tpu.memory_space<vmem>>, vector<32xbf16>,
        %parallel_loop3A_300 = arith.mulf %parallel_loop3A_288, %parallel_loop3A_299 : vector<32xbf16>
        %parallel_loop3A_301 = arith.addf %parallel_loop3A_279, %parallel_loop3A_296 : vector<32xbf16>
        %parallel_loop3A_302 = arith.addf %parallel_loop3A_283, %parallel_loop3A_300 : vector<32xbf16>
        %parallel_loop3A_303 = arith.constant 2 : i32
        %parallel_loop3A_304 = vector.broadcast %parallel_loop3A_303 : i32 to vector<16x1xi32>
        %parallel_loop3A_305 = vector.shape_cast %parallel_loop3A_304 : vector<16x1xi32> to vector<16xi32>
        %parallel_loop3A_306 = tpu.dynamic_gather %parallel_loop3A_216[%parallel_loop3A_305] in [0] : vector<16xf32>, vector<16xi32> -> vector<16xf32>
        %parallel_loop3A_307 = tpu.pack_subelements %parallel_loop3A_306, %parallel_loop3A_306 {pack_format = #tpu.pack_format<interleaved>, positions = array<i32: 0, 1>} : vector<16xf32>, vector<16xf32> -> vector<32xbf16>
        %parallel_loop3A_308 = arith.constant 16 : i32
        %parallel_loop3A_309 = arith.muli %parallel_loop3A_209, %parallel_loop3A_308 : i32
        %parallel_loop3A_310 = arith.constant 2 : i32
        %parallel_loop3A_311 = arith.addi %parallel_loop3A_309, %parallel_loop3A_310 : i32
        %parallel_loop3A_312 = arith.index_cast %parallel_loop3A_311 : i32 to index
        %parallel_loop3A_313 = arith.constant 0 : index
        %parallel_loop3A_314 = tpu.vector_load %arg10[%parallel_loop3A_312, %parallel_loop3A_313] {strides = array<i32>} : memref<512x64xbf16, #tpu.memory_space<vmem>>, vector<32xbf16>,
        %parallel_loop3A_315 = arith.mulf %parallel_loop3A_307, %parallel_loop3A_314 : vector<32xbf16>
        %parallel_loop3A_316 = arith.index_cast %parallel_loop3A_311 : i32 to index
        %parallel_loop3A_317 = arith.constant 32 : index
        %parallel_loop3A_318 = tpu.vector_load %arg10[%parallel_loop3A_316, %parallel_loop3A_317] {strides = array<i32>} : memref<512x64xbf16, #tpu.memory_space<vmem>>, vector<32xbf16>,
        %parallel_loop3A_319 = arith.mulf %parallel_loop3A_307, %parallel_loop3A_318 : vector<32xbf16>
        %parallel_loop3A_320 = arith.addf %parallel_loop3A_301, %parallel_loop3A_315 : vector<32xbf16>
        %parallel_loop3A_321 = arith.addf %parallel_loop3A_302, %parallel_loop3A_319 : vector<32xbf16>
        %parallel_loop3A_322 = arith.constant 3 : i32
        %parallel_loop3A_323 = vector.broadcast %parallel_loop3A_322 : i32 to vector<16x1xi32>
        %parallel_loop3A_324 = vector.shape_cast %parallel_loop3A_323 : vector<16x1xi32> to vector<16xi32>
        %parallel_loop3A_325 = tpu.dynamic_gather %parallel_loop3A_216[%parallel_loop3A_324] in [0] : vector<16xf32>, vector<16xi32> -> vector<16xf32>
        %parallel_loop3A_326 = tpu.pack_subelements %parallel_loop3A_325, %parallel_loop3A_325 {pack_format = #tpu.pack_format<interleaved>, positions = array<i32: 0, 1>} : vector<16xf32>, vector<16xf32> -> vector<32xbf16>
        %parallel_loop3A_327 = arith.constant 16 : i32
        %parallel_loop3A_328 = arith.muli %parallel_loop3A_209, %parallel_loop3A_327 : i32
        %parallel_loop3A_329 = arith.constant 3 : i32
        %parallel_loop3A_330 = arith.addi %parallel_loop3A_328, %parallel_loop3A_329 : i32
        %parallel_loop3A_331 = arith.index_cast %parallel_loop3A_330 : i32 to index
        %parallel_loop3A_332 = arith.constant 0 : index
        %parallel_loop3A_333 = tpu.vector_load %arg10[%parallel_loop3A_331, %parallel_loop3A_332] {strides = array<i32>} : memref<512x64xbf16, #tpu.memory_space<vmem>>, vector<32xbf16>,
        %parallel_loop3A_334 = arith.mulf %parallel_loop3A_326, %parallel_loop3A_333 : vector<32xbf16>
        %parallel_loop3A_335 = arith.index_cast %parallel_loop3A_330 : i32 to index
        %parallel_loop3A_336 = arith.constant 32 : index
        %parallel_loop3A_337 = tpu.vector_load %arg10[%parallel_loop3A_335, %parallel_loop3A_336] {strides = array<i32>} : memref<512x64xbf16, #tpu.memory_space<vmem>>, vector<32xbf16>,
        %parallel_loop3A_338 = arith.mulf %parallel_loop3A_326, %parallel_loop3A_337 : vector<32xbf16>
        %parallel_loop3A_339 = arith.addf %parallel_loop3A_320, %parallel_loop3A_334 : vector<32xbf16>
        %parallel_loop3A_340 = arith.addf %parallel_loop3A_321, %parallel_loop3A_338 : vector<32xbf16>
        %parallel_loop3A_341 = tpu.unpack_subelements %parallel_loop3A_339, 0 {pack_format = #tpu.pack_format<interleaved>} : vector<32xbf16> -> vector<16xf32>
        %parallel_loop3A_342 = tpu.unpack_subelements %parallel_loop3A_339, 1 {pack_format = #tpu.pack_format<interleaved>} : vector<32xbf16> -> vector<16xf32>
        %parallel_loop3A_343 = tpu.unpack_subelements %parallel_loop3A_340, 0 {pack_format = #tpu.pack_format<interleaved>} : vector<32xbf16> -> vector<16xf32>
        %parallel_loop3A_344 = tpu.unpack_subelements %parallel_loop3A_340, 1 {pack_format = #tpu.pack_format<interleaved>} : vector<32xbf16> -> vector<16xf32>
        %parallel_loop3A_345 = arith.addf %parallel_loop3A_266, %parallel_loop3A_341 : vector<16xf32>
        %parallel_loop3A_346 = arith.addf %parallel_loop3A_266, %parallel_loop3A_342 : vector<16xf32>
        %parallel_loop3A_347 = arith.addf %parallel_loop3A_266, %parallel_loop3A_343 : vector<16xf32>
        %parallel_loop3A_348 = arith.addf %parallel_loop3A_266, %parallel_loop3A_344 : vector<16xf32>
        %parallel_loop3A_349 = arith.constant 4 : i32
        %parallel_loop3A_350 = vector.broadcast %parallel_loop3A_349 : i32 to vector<16x1xi32>
        %parallel_loop3A_351 = vector.shape_cast %parallel_loop3A_350 : vector<16x1xi32> to vector<16xi32>
        %parallel_loop3A_352 = tpu.dynamic_gather %parallel_loop3A_216[%parallel_loop3A_351] in [0] : vector<16xf32>, vector<16xi32> -> vector<16xf32>
        %parallel_loop3A_353 = tpu.pack_subelements %parallel_loop3A_352, %parallel_loop3A_352 {pack_format = #tpu.pack_format<interleaved>, positions = array<i32: 0, 1>} : vector<16xf32>, vector<16xf32> -> vector<32xbf16>
        %parallel_loop3A_354 = arith.constant 16 : i32
        %parallel_loop3A_355 = arith.muli %parallel_loop3A_209, %parallel_loop3A_354 : i32
        %parallel_loop3A_356 = arith.constant 4 : i32
        %parallel_loop3A_357 = arith.addi %parallel_loop3A_355, %parallel_loop3A_356 : i32
        %parallel_loop3A_358 = arith.index_cast %parallel_loop3A_357 : i32 to index
        %parallel_loop3A_359 = arith.constant 0 : index
        %parallel_loop3A_360 = tpu.vector_load %arg10[%parallel_loop3A_358, %parallel_loop3A_359] {strides = array<i32>} : memref<512x64xbf16, #tpu.memory_space<vmem>>, vector<32xbf16>,
        %parallel_loop3A_361 = arith.mulf %parallel_loop3A_353, %parallel_loop3A_360 : vector<32xbf16>
        %parallel_loop3A_362 = arith.index_cast %parallel_loop3A_357 : i32 to index
        %parallel_loop3A_363 = arith.constant 32 : index
        %parallel_loop3A_364 = tpu.vector_load %arg10[%parallel_loop3A_362, %parallel_loop3A_363] {strides = array<i32>} : memref<512x64xbf16, #tpu.memory_space<vmem>>, vector<32xbf16>,
        %parallel_loop3A_365 = arith.mulf %parallel_loop3A_353, %parallel_loop3A_364 : vector<32xbf16>
        %parallel_loop3A_366 = arith.constant 5 : i32
        %parallel_loop3A_367 = vector.broadcast %parallel_loop3A_366 : i32 to vector<16x1xi32>
        %parallel_loop3A_368 = vector.shape_cast %parallel_loop3A_367 : vector<16x1xi32> to vector<16xi32>
        %parallel_loop3A_369 = tpu.dynamic_gather %parallel_loop3A_216[%parallel_loop3A_368] in [0] : vector<16xf32>, vector<16xi32> -> vector<16xf32>
        %parallel_loop3A_370 = tpu.pack_subelements %parallel_loop3A_369, %parallel_loop3A_369 {pack_format = #tpu.pack_format<interleaved>, positions = array<i32: 0, 1>} : vector<16xf32>, vector<16xf32> -> vector<32xbf16>
        %parallel_loop3A_371 = arith.constant 16 : i32
        %parallel_loop3A_372 = arith.muli %parallel_loop3A_209, %parallel_loop3A_371 : i32
        %parallel_loop3A_373 = arith.constant 5 : i32
        %parallel_loop3A_374 = arith.addi %parallel_loop3A_372, %parallel_loop3A_373 : i32
        %parallel_loop3A_375 = arith.index_cast %parallel_loop3A_374 : i32 to index
        %parallel_loop3A_376 = arith.constant 0 : index
        %parallel_loop3A_377 = tpu.vector_load %arg10[%parallel_loop3A_375, %parallel_loop3A_376] {strides = array<i32>} : memref<512x64xbf16, #tpu.memory_space<vmem>>, vector<32xbf16>,
        %parallel_loop3A_378 = arith.mulf %parallel_loop3A_370, %parallel_loop3A_377 : vector<32xbf16>
        %parallel_loop3A_379 = arith.index_cast %parallel_loop3A_374 : i32 to index
        %parallel_loop3A_380 = arith.constant 32 : index
        %parallel_loop3A_381 = tpu.vector_load %arg10[%parallel_loop3A_379, %parallel_loop3A_380] {strides = array<i32>} : memref<512x64xbf16, #tpu.memory_space<vmem>>, vector<32xbf16>,
        %parallel_loop3A_382 = arith.mulf %parallel_loop3A_370, %parallel_loop3A_381 : vector<32xbf16>
        %parallel_loop3A_383 = arith.addf %parallel_loop3A_361, %parallel_loop3A_378 : vector<32xbf16>
        %parallel_loop3A_384 = arith.addf %parallel_loop3A_365, %parallel_loop3A_382 : vector<32xbf16>
        %parallel_loop3A_385 = arith.constant 6 : i32
        %parallel_loop3A_386 = vector.broadcast %parallel_loop3A_385 : i32 to vector<16x1xi32>
        %parallel_loop3A_387 = vector.shape_cast %parallel_loop3A_386 : vector<16x1xi32> to vector<16xi32>
        %parallel_loop3A_388 = tpu.dynamic_gather %parallel_loop3A_216[%parallel_loop3A_387] in [0] : vector<16xf32>, vector<16xi32> -> vector<16xf32>
        %parallel_loop3A_389 = tpu.pack_subelements %parallel_loop3A_388, %parallel_loop3A_388 {pack_format = #tpu.pack_format<interleaved>, positions = array<i32: 0, 1>} : vector<16xf32>, vector<16xf32> -> vector<32xbf16>
        %parallel_loop3A_390 = arith.constant 16 : i32
        %parallel_loop3A_391 = arith.muli %parallel_loop3A_209, %parallel_loop3A_390 : i32
        %parallel_loop3A_392 = arith.constant 6 : i32
        %parallel_loop3A_393 = arith.addi %parallel_loop3A_391, %parallel_loop3A_392 : i32
        %parallel_loop3A_394 = arith.index_cast %parallel_loop3A_393 : i32 to index
        %parallel_loop3A_395 = arith.constant 0 : index
        %parallel_loop3A_396 = tpu.vector_load %arg10[%parallel_loop3A_394, %parallel_loop3A_395] {strides = array<i32>} : memref<512x64xbf16, #tpu.memory_space<vmem>>, vector<32xbf16>,
        %parallel_loop3A_397 = arith.mulf %parallel_loop3A_389, %parallel_loop3A_396 : vector<32xbf16>
        %parallel_loop3A_398 = arith.index_cast %parallel_loop3A_393 : i32 to index
        %parallel_loop3A_399 = arith.constant 32 : index
        %parallel_loop3A_400 = tpu.vector_load %arg10[%parallel_loop3A_398, %parallel_loop3A_399] {strides = array<i32>} : memref<512x64xbf16, #tpu.memory_space<vmem>>, vector<32xbf16>,
        %parallel_loop3A_401 = arith.mulf %parallel_loop3A_389, %parallel_loop3A_400 : vector<32xbf16>
        %parallel_loop3A_402 = arith.addf %parallel_loop3A_383, %parallel_loop3A_397 : vector<32xbf16>
        %parallel_loop3A_403 = arith.addf %parallel_loop3A_384, %parallel_loop3A_401 : vector<32xbf16>
        %parallel_loop3A_404 = arith.constant 7 : i32
        %parallel_loop3A_405 = vector.broadcast %parallel_loop3A_404 : i32 to vector<16x1xi32>
        %parallel_loop3A_406 = vector.shape_cast %parallel_loop3A_405 : vector<16x1xi32> to vector<16xi32>
        %parallel_loop3A_407 = tpu.dynamic_gather %parallel_loop3A_216[%parallel_loop3A_406] in [0] : vector<16xf32>, vector<16xi32> -> vector<16xf32>
        %parallel_loop3A_408 = tpu.pack_subelements %parallel_loop3A_407, %parallel_loop3A_407 {pack_format = #tpu.pack_format<interleaved>, positions = array<i32: 0, 1>} : vector<16xf32>, vector<16xf32> -> vector<32xbf16>
        %parallel_loop3A_409 = arith.constant 16 : i32
        %parallel_loop3A_410 = arith.muli %parallel_loop3A_209, %parallel_loop3A_409 : i32
        %parallel_loop3A_411 = arith.constant 7 : i32
        %parallel_loop3A_412 = arith.addi %parallel_loop3A_410, %parallel_loop3A_411 : i32
        %parallel_loop3A_413 = arith.index_cast %parallel_loop3A_412 : i32 to index
        %parallel_loop3A_414 = arith.constant 0 : index
        %parallel_loop3A_415 = tpu.vector_load %arg10[%parallel_loop3A_413, %parallel_loop3A_414] {strides = array<i32>} : memref<512x64xbf16, #tpu.memory_space<vmem>>, vector<32xbf16>,
        %parallel_loop3A_416 = arith.mulf %parallel_loop3A_408, %parallel_loop3A_415 : vector<32xbf16>
        %parallel_loop3A_417 = arith.index_cast %parallel_loop3A_412 : i32 to index
        %parallel_loop3A_418 = arith.constant 32 : index
        %parallel_loop3A_419 = tpu.vector_load %arg10[%parallel_loop3A_417, %parallel_loop3A_418] {strides = array<i32>} : memref<512x64xbf16, #tpu.memory_space<vmem>>, vector<32xbf16>,
        %parallel_loop3A_420 = arith.mulf %parallel_loop3A_408, %parallel_loop3A_419 : vector<32xbf16>
        %parallel_loop3A_421 = arith.addf %parallel_loop3A_402, %parallel_loop3A_416 : vector<32xbf16>
        %parallel_loop3A_422 = arith.addf %parallel_loop3A_403, %parallel_loop3A_420 : vector<32xbf16>
        %parallel_loop3A_423 = tpu.unpack_subelements %parallel_loop3A_421, 0 {pack_format = #tpu.pack_format<interleaved>} : vector<32xbf16> -> vector<16xf32>
        %parallel_loop3A_424 = tpu.unpack_subelements %parallel_loop3A_421, 1 {pack_format = #tpu.pack_format<interleaved>} : vector<32xbf16> -> vector<16xf32>
        %parallel_loop3A_425 = tpu.unpack_subelements %parallel_loop3A_422, 0 {pack_format = #tpu.pack_format<interleaved>} : vector<32xbf16> -> vector<16xf32>
        %parallel_loop3A_426 = tpu.unpack_subelements %parallel_loop3A_422, 1 {pack_format = #tpu.pack_format<interleaved>} : vector<32xbf16> -> vector<16xf32>
        %parallel_loop3A_427 = arith.addf %parallel_loop3A_345, %parallel_loop3A_423 : vector<16xf32>
        %parallel_loop3A_428 = arith.addf %parallel_loop3A_346, %parallel_loop3A_424 : vector<16xf32>
        %parallel_loop3A_429 = arith.addf %parallel_loop3A_347, %parallel_loop3A_425 : vector<16xf32>
        %parallel_loop3A_430 = arith.addf %parallel_loop3A_348, %parallel_loop3A_426 : vector<16xf32>
        %parallel_loop3A_431 = arith.constant 8 : i32
        %parallel_loop3A_432 = vector.broadcast %parallel_loop3A_431 : i32 to vector<16x1xi32>
        %parallel_loop3A_433 = vector.shape_cast %parallel_loop3A_432 : vector<16x1xi32> to vector<16xi32>
        %parallel_loop3A_434 = tpu.dynamic_gather %parallel_loop3A_216[%parallel_loop3A_433] in [0] : vector<16xf32>, vector<16xi32> -> vector<16xf32>
        %parallel_loop3A_435 = tpu.pack_subelements %parallel_loop3A_434, %parallel_loop3A_434 {pack_format = #tpu.pack_format<interleaved>, positions = array<i32: 0, 1>} : vector<16xf32>, vector<16xf32> -> vector<32xbf16>
        %parallel_loop3A_436 = arith.constant 16 : i32
        %parallel_loop3A_437 = arith.muli %parallel_loop3A_209, %parallel_loop3A_436 : i32
        %parallel_loop3A_438 = arith.constant 8 : i32
        %parallel_loop3A_439 = arith.addi %parallel_loop3A_437, %parallel_loop3A_438 : i32
        %parallel_loop3A_440 = arith.index_cast %parallel_loop3A_439 : i32 to index
        %parallel_loop3A_441 = arith.constant 0 : index
        %parallel_loop3A_442 = tpu.vector_load %arg10[%parallel_loop3A_440, %parallel_loop3A_441] {strides = array<i32>} : memref<512x64xbf16, #tpu.memory_space<vmem>>, vector<32xbf16>,
        %parallel_loop3A_443 = arith.mulf %parallel_loop3A_435, %parallel_loop3A_442 : vector<32xbf16>
        %parallel_loop3A_444 = arith.index_cast %parallel_loop3A_439 : i32 to index
        %parallel_loop3A_445 = arith.constant 32 : index
        %parallel_loop3A_446 = tpu.vector_load %arg10[%parallel_loop3A_444, %parallel_loop3A_445] {strides = array<i32>} : memref<512x64xbf16, #tpu.memory_space<vmem>>, vector<32xbf16>,
        %parallel_loop3A_447 = arith.mulf %parallel_loop3A_435, %parallel_loop3A_446 : vector<32xbf16>
        %parallel_loop3A_448 = arith.constant 9 : i32
        %parallel_loop3A_449 = vector.broadcast %parallel_loop3A_448 : i32 to vector<16x1xi32>
        %parallel_loop3A_450 = vector.shape_cast %parallel_loop3A_449 : vector<16x1xi32> to vector<16xi32>
        %parallel_loop3A_451 = tpu.dynamic_gather %parallel_loop3A_216[%parallel_loop3A_450] in [0] : vector<16xf32>, vector<16xi32> -> vector<16xf32>
        %parallel_loop3A_452 = tpu.pack_subelements %parallel_loop3A_451, %parallel_loop3A_451 {pack_format = #tpu.pack_format<interleaved>, positions = array<i32: 0, 1>} : vector<16xf32>, vector<16xf32> -> vector<32xbf16>
        %parallel_loop3A_453 = arith.constant 16 : i32
        %parallel_loop3A_454 = arith.muli %parallel_loop3A_209, %parallel_loop3A_453 : i32
        %parallel_loop3A_455 = arith.constant 9 : i32
        %parallel_loop3A_456 = arith.addi %parallel_loop3A_454, %parallel_loop3A_455 : i32
        %parallel_loop3A_457 = arith.index_cast %parallel_loop3A_456 : i32 to index
        %parallel_loop3A_458 = arith.constant 0 : index
        %parallel_loop3A_459 = tpu.vector_load %arg10[%parallel_loop3A_457, %parallel_loop3A_458] {strides = array<i32>} : memref<512x64xbf16, #tpu.memory_space<vmem>>, vector<32xbf16>,
        %parallel_loop3A_460 = arith.mulf %parallel_loop3A_452, %parallel_loop3A_459 : vector<32xbf16>
        %parallel_loop3A_461 = arith.index_cast %parallel_loop3A_456 : i32 to index
        %parallel_loop3A_462 = arith.constant 32 : index
        %parallel_loop3A_463 = tpu.vector_load %arg10[%parallel_loop3A_461, %parallel_loop3A_462] {strides = array<i32>} : memref<512x64xbf16, #tpu.memory_space<vmem>>, vector<32xbf16>,
        %parallel_loop3A_464 = arith.mulf %parallel_loop3A_452, %parallel_loop3A_463 : vector<32xbf16>
        %parallel_loop3A_465 = arith.addf %parallel_loop3A_443, %parallel_loop3A_460 : vector<32xbf16>
        %parallel_loop3A_466 = arith.addf %parallel_loop3A_447, %parallel_loop3A_464 : vector<32xbf16>
        %parallel_loop3A_467 = arith.constant 10 : i32
        %parallel_loop3A_468 = vector.broadcast %parallel_loop3A_467 : i32 to vector<16x1xi32>
        %parallel_loop3A_469 = vector.shape_cast %parallel_loop3A_468 : vector<16x1xi32> to vector<16xi32>
        %parallel_loop3A_470 = tpu.dynamic_gather %parallel_loop3A_216[%parallel_loop3A_469] in [0] : vector<16xf32>, vector<16xi32> -> vector<16xf32>
        %parallel_loop3A_471 = tpu.pack_subelements %parallel_loop3A_470, %parallel_loop3A_470 {pack_format = #tpu.pack_format<interleaved>, positions = array<i32: 0, 1>} : vector<16xf32>, vector<16xf32> -> vector<32xbf16>
        %parallel_loop3A_472 = arith.constant 16 : i32
        %parallel_loop3A_473 = arith.muli %parallel_loop3A_209, %parallel_loop3A_472 : i32
        %parallel_loop3A_474 = arith.constant 10 : i32
        %parallel_loop3A_475 = arith.addi %parallel_loop3A_473, %parallel_loop3A_474 : i32
        %parallel_loop3A_476 = arith.index_cast %parallel_loop3A_475 : i32 to index
        %parallel_loop3A_477 = arith.constant 0 : index
        %parallel_loop3A_478 = tpu.vector_load %arg10[%parallel_loop3A_476, %parallel_loop3A_477] {strides = array<i32>} : memref<512x64xbf16, #tpu.memory_space<vmem>>, vector<32xbf16>,
        %parallel_loop3A_479 = arith.mulf %parallel_loop3A_471, %parallel_loop3A_478 : vector<32xbf16>
        %parallel_loop3A_480 = arith.index_cast %parallel_loop3A_475 : i32 to index
        %parallel_loop3A_481 = arith.constant 32 : index
        %parallel_loop3A_482 = tpu.vector_load %arg10[%parallel_loop3A_480, %parallel_loop3A_481] {strides = array<i32>} : memref<512x64xbf16, #tpu.memory_space<vmem>>, vector<32xbf16>,
        %parallel_loop3A_483 = arith.mulf %parallel_loop3A_471, %parallel_loop3A_482 : vector<32xbf16>
        %parallel_loop3A_484 = arith.addf %parallel_loop3A_465, %parallel_loop3A_479 : vector<32xbf16>
        %parallel_loop3A_485 = arith.addf %parallel_loop3A_466, %parallel_loop3A_483 : vector<32xbf16>
        %parallel_loop3A_486 = arith.constant 11 : i32
        %parallel_loop3A_487 = vector.broadcast %parallel_loop3A_486 : i32 to vector<16x1xi32>
        %parallel_loop3A_488 = vector.shape_cast %parallel_loop3A_487 : vector<16x1xi32> to vector<16xi32>
        %parallel_loop3A_489 = tpu.dynamic_gather %parallel_loop3A_216[%parallel_loop3A_488] in [0] : vector<16xf32>, vector<16xi32> -> vector<16xf32>
        %parallel_loop3A_490 = tpu.pack_subelements %parallel_loop3A_489, %parallel_loop3A_489 {pack_format = #tpu.pack_format<interleaved>, positions = array<i32: 0, 1>} : vector<16xf32>, vector<16xf32> -> vector<32xbf16>
        %parallel_loop3A_491 = arith.constant 16 : i32
        %parallel_loop3A_492 = arith.muli %parallel_loop3A_209, %parallel_loop3A_491 : i32
        %parallel_loop3A_493 = arith.constant 11 : i32
        %parallel_loop3A_494 = arith.addi %parallel_loop3A_492, %parallel_loop3A_493 : i32
        %parallel_loop3A_495 = arith.index_cast %parallel_loop3A_494 : i32 to index
        %parallel_loop3A_496 = arith.constant 0 : index
        %parallel_loop3A_497 = tpu.vector_load %arg10[%parallel_loop3A_495, %parallel_loop3A_496] {strides = array<i32>} : memref<512x64xbf16, #tpu.memory_space<vmem>>, vector<32xbf16>,
        %parallel_loop3A_498 = arith.mulf %parallel_loop3A_490, %parallel_loop3A_497 : vector<32xbf16>
        %parallel_loop3A_499 = arith.index_cast %parallel_loop3A_494 : i32 to index
        %parallel_loop3A_500 = arith.constant 32 : index
        %parallel_loop3A_501 = tpu.vector_load %arg10[%parallel_loop3A_499, %parallel_loop3A_500] {strides = array<i32>} : memref<512x64xbf16, #tpu.memory_space<vmem>>, vector<32xbf16>,
        %parallel_loop3A_502 = arith.mulf %parallel_loop3A_490, %parallel_loop3A_501 : vector<32xbf16>
        %parallel_loop3A_503 = arith.addf %parallel_loop3A_484, %parallel_loop3A_498 : vector<32xbf16>
        %parallel_loop3A_504 = arith.addf %parallel_loop3A_485, %parallel_loop3A_502 : vector<32xbf16>
        %parallel_loop3A_505 = tpu.unpack_subelements %parallel_loop3A_503, 0 {pack_format = #tpu.pack_format<interleaved>} : vector<32xbf16> -> vector<16xf32>
        %parallel_loop3A_506 = tpu.unpack_subelements %parallel_loop3A_503, 1 {pack_format = #tpu.pack_format<interleaved>} : vector<32xbf16> -> vector<16xf32>
        %parallel_loop3A_507 = tpu.unpack_subelements %parallel_loop3A_504, 0 {pack_format = #tpu.pack_format<interleaved>} : vector<32xbf16> -> vector<16xf32>
        %parallel_loop3A_508 = tpu.unpack_subelements %parallel_loop3A_504, 1 {pack_format = #tpu.pack_format<interleaved>} : vector<32xbf16> -> vector<16xf32>
        %parallel_loop3A_509 = arith.addf %parallel_loop3A_427, %parallel_loop3A_505 : vector<16xf32>
        %parallel_loop3A_510 = arith.addf %parallel_loop3A_428, %parallel_loop3A_506 : vector<16xf32>
        %parallel_loop3A_511 = arith.addf %parallel_loop3A_429, %parallel_loop3A_507 : vector<16xf32>
        %parallel_loop3A_512 = arith.addf %parallel_loop3A_430, %parallel_loop3A_508 : vector<16xf32>
        %parallel_loop3A_513 = arith.constant 12 : i32
        %parallel_loop3A_514 = vector.broadcast %parallel_loop3A_513 : i32 to vector<16x1xi32>
        %parallel_loop3A_515 = vector.shape_cast %parallel_loop3A_514 : vector<16x1xi32> to vector<16xi32>
        %parallel_loop3A_516 = tpu.dynamic_gather %parallel_loop3A_216[%parallel_loop3A_515] in [0] : vector<16xf32>, vector<16xi32> -> vector<16xf32>
        %parallel_loop3A_517 = tpu.pack_subelements %parallel_loop3A_516, %parallel_loop3A_516 {pack_format = #tpu.pack_format<interleaved>, positions = array<i32: 0, 1>} : vector<16xf32>, vector<16xf32> -> vector<32xbf16>
        %parallel_loop3A_518 = arith.constant 16 : i32
        %parallel_loop3A_519 = arith.muli %parallel_loop3A_209, %parallel_loop3A_518 : i32
        %parallel_loop3A_520 = arith.constant 12 : i32
        %parallel_loop3A_521 = arith.addi %parallel_loop3A_519, %parallel_loop3A_520 : i32
        %parallel_loop3A_522 = arith.index_cast %parallel_loop3A_521 : i32 to index
        %parallel_loop3A_523 = arith.constant 0 : index
        %parallel_loop3A_524 = tpu.vector_load %arg10[%parallel_loop3A_522, %parallel_loop3A_523] {strides = array<i32>} : memref<512x64xbf16, #tpu.memory_space<vmem>>, vector<32xbf16>,
        %parallel_loop3A_525 = arith.mulf %parallel_loop3A_517, %parallel_loop3A_524 : vector<32xbf16>
        %parallel_loop3A_526 = arith.index_cast %parallel_loop3A_521 : i32 to index
        %parallel_loop3A_527 = arith.constant 32 : index
        %parallel_loop3A_528 = tpu.vector_load %arg10[%parallel_loop3A_526, %parallel_loop3A_527] {strides = array<i32>} : memref<512x64xbf16, #tpu.memory_space<vmem>>, vector<32xbf16>,
        %parallel_loop3A_529 = arith.mulf %parallel_loop3A_517, %parallel_loop3A_528 : vector<32xbf16>
        %parallel_loop3A_530 = arith.constant 13 : i32
        %parallel_loop3A_531 = vector.broadcast %parallel_loop3A_530 : i32 to vector<16x1xi32>
        %parallel_loop3A_532 = vector.shape_cast %parallel_loop3A_531 : vector<16x1xi32> to vector<16xi32>
        %parallel_loop3A_533 = tpu.dynamic_gather %parallel_loop3A_216[%parallel_loop3A_532] in [0] : vector<16xf32>, vector<16xi32> -> vector<16xf32>
        %parallel_loop3A_534 = tpu.pack_subelements %parallel_loop3A_533, %parallel_loop3A_533 {pack_format = #tpu.pack_format<interleaved>, positions = array<i32: 0, 1>} : vector<16xf32>, vector<16xf32> -> vector<32xbf16>
        %parallel_loop3A_535 = arith.constant 16 : i32
        %parallel_loop3A_536 = arith.muli %parallel_loop3A_209, %parallel_loop3A_535 : i32
        %parallel_loop3A_537 = arith.constant 13 : i32
        %parallel_loop3A_538 = arith.addi %parallel_loop3A_536, %parallel_loop3A_537 : i32
        %parallel_loop3A_539 = arith.index_cast %parallel_loop3A_538 : i32 to index
        %parallel_loop3A_540 = arith.constant 0 : index
        %parallel_loop3A_541 = tpu.vector_load %arg10[%parallel_loop3A_539, %parallel_loop3A_540] {strides = array<i32>} : memref<512x64xbf16, #tpu.memory_space<vmem>>, vector<32xbf16>,
        %parallel_loop3A_542 = arith.mulf %parallel_loop3A_534, %parallel_loop3A_541 : vector<32xbf16>
        %parallel_loop3A_543 = arith.index_cast %parallel_loop3A_538 : i32 to index
        %parallel_loop3A_544 = arith.constant 32 : index
        %parallel_loop3A_545 = tpu.vector_load %arg10[%parallel_loop3A_543, %parallel_loop3A_544] {strides = array<i32>} : memref<512x64xbf16, #tpu.memory_space<vmem>>, vector<32xbf16>,
        %parallel_loop3A_546 = arith.mulf %parallel_loop3A_534, %parallel_loop3A_545 : vector<32xbf16>
        %parallel_loop3A_547 = arith.addf %parallel_loop3A_525, %parallel_loop3A_542 : vector<32xbf16>
        %parallel_loop3A_548 = arith.addf %parallel_loop3A_529, %parallel_loop3A_546 : vector<32xbf16>
        %parallel_loop3A_549 = arith.constant 14 : i32
        %parallel_loop3A_550 = vector.broadcast %parallel_loop3A_549 : i32 to vector<16x1xi32>
        %parallel_loop3A_551 = vector.shape_cast %parallel_loop3A_550 : vector<16x1xi32> to vector<16xi32>
        %parallel_loop3A_552 = tpu.dynamic_gather %parallel_loop3A_216[%parallel_loop3A_551] in [0] : vector<16xf32>, vector<16xi32> -> vector<16xf32>
        %parallel_loop3A_553 = tpu.pack_subelements %parallel_loop3A_552, %parallel_loop3A_552 {pack_format = #tpu.pack_format<interleaved>, positions = array<i32: 0, 1>} : vector<16xf32>, vector<16xf32> -> vector<32xbf16>
        %parallel_loop3A_554 = arith.constant 16 : i32
        %parallel_loop3A_555 = arith.muli %parallel_loop3A_209, %parallel_loop3A_554 : i32
        %parallel_loop3A_556 = arith.constant 14 : i32
        %parallel_loop3A_557 = arith.addi %parallel_loop3A_555, %parallel_loop3A_556 : i32
        %parallel_loop3A_558 = arith.index_cast %parallel_loop3A_557 : i32 to index
        %parallel_loop3A_559 = arith.constant 0 : index
        %parallel_loop3A_560 = tpu.vector_load %arg10[%parallel_loop3A_558, %parallel_loop3A_559] {strides = array<i32>} : memref<512x64xbf16, #tpu.memory_space<vmem>>, vector<32xbf16>,
        %parallel_loop3A_561 = arith.mulf %parallel_loop3A_553, %parallel_loop3A_560 : vector<32xbf16>
        %parallel_loop3A_562 = arith.index_cast %parallel_loop3A_557 : i32 to index
        %parallel_loop3A_563 = arith.constant 32 : index
        %parallel_loop3A_564 = tpu.vector_load %arg10[%parallel_loop3A_562, %parallel_loop3A_563] {strides = array<i32>} : memref<512x64xbf16, #tpu.memory_space<vmem>>, vector<32xbf16>,
        %parallel_loop3A_565 = arith.mulf %parallel_loop3A_553, %parallel_loop3A_564 : vector<32xbf16>
        %parallel_loop3A_566 = arith.addf %parallel_loop3A_547, %parallel_loop3A_561 : vector<32xbf16>
        %parallel_loop3A_567 = arith.addf %parallel_loop3A_548, %parallel_loop3A_565 : vector<32xbf16>
        %parallel_loop3A_568 = arith.constant 15 : i32
        %parallel_loop3A_569 = vector.broadcast %parallel_loop3A_568 : i32 to vector<16x1xi32>
        %parallel_loop3A_570 = vector.shape_cast %parallel_loop3A_569 : vector<16x1xi32> to vector<16xi32>
        %parallel_loop3A_571 = tpu.dynamic_gather %parallel_loop3A_216[%parallel_loop3A_570] in [0] : vector<16xf32>, vector<16xi32> -> vector<16xf32>
        %parallel_loop3A_572 = tpu.pack_subelements %parallel_loop3A_571, %parallel_loop3A_571 {pack_format = #tpu.pack_format<interleaved>, positions = array<i32: 0, 1>} : vector<16xf32>, vector<16xf32> -> vector<32xbf16>
        %parallel_loop3A_573 = arith.constant 16 : i32
        %parallel_loop3A_574 = arith.muli %parallel_loop3A_209, %parallel_loop3A_573 : i32
        %parallel_loop3A_575 = arith.constant 15 : i32
        %parallel_loop3A_576 = arith.addi %parallel_loop3A_574, %parallel_loop3A_575 : i32
        %parallel_loop3A_577 = arith.index_cast %parallel_loop3A_576 : i32 to index
        %parallel_loop3A_578 = arith.constant 0 : index
        %parallel_loop3A_579 = tpu.vector_load %arg10[%parallel_loop3A_577, %parallel_loop3A_578] {strides = array<i32>} : memref<512x64xbf16, #tpu.memory_space<vmem>>, vector<32xbf16>,
        %parallel_loop3A_580 = arith.mulf %parallel_loop3A_572, %parallel_loop3A_579 : vector<32xbf16>
        %parallel_loop3A_581 = arith.index_cast %parallel_loop3A_576 : i32 to index
        %parallel_loop3A_582 = arith.constant 32 : index
        %parallel_loop3A_583 = tpu.vector_load %arg10[%parallel_loop3A_581, %parallel_loop3A_582] {strides = array<i32>} : memref<512x64xbf16, #tpu.memory_space<vmem>>, vector<32xbf16>,
        %parallel_loop3A_584 = arith.mulf %parallel_loop3A_572, %parallel_loop3A_583 : vector<32xbf16>
        %parallel_loop3A_585 = arith.addf %parallel_loop3A_566, %parallel_loop3A_580 : vector<32xbf16>
        %parallel_loop3A_586 = arith.addf %parallel_loop3A_567, %parallel_loop3A_584 : vector<32xbf16>
        %parallel_loop3A_587 = tpu.unpack_subelements %parallel_loop3A_585, 0 {pack_format = #tpu.pack_format<interleaved>} : vector<32xbf16> -> vector<16xf32>
        %parallel_loop3A_588 = tpu.unpack_subelements %parallel_loop3A_585, 1 {pack_format = #tpu.pack_format<interleaved>} : vector<32xbf16> -> vector<16xf32>
        %parallel_loop3A_589 = tpu.unpack_subelements %parallel_loop3A_586, 0 {pack_format = #tpu.pack_format<interleaved>} : vector<32xbf16> -> vector<16xf32>
        %parallel_loop3A_590 = tpu.unpack_subelements %parallel_loop3A_586, 1 {pack_format = #tpu.pack_format<interleaved>} : vector<32xbf16> -> vector<16xf32>
        %parallel_loop3A_591 = arith.addf %parallel_loop3A_509, %parallel_loop3A_587 : vector<16xf32>
        %parallel_loop3A_592 = arith.addf %parallel_loop3A_510, %parallel_loop3A_588 : vector<16xf32>
        %parallel_loop3A_593 = arith.addf %parallel_loop3A_511, %parallel_loop3A_589 : vector<16xf32>
        %parallel_loop3A_594 = arith.addf %parallel_loop3A_512, %parallel_loop3A_590 : vector<16xf32>
        %parallel_loop3A_595 = vector.broadcast %parallel_loop3A_209 : i32 to vector<16xi32>
        tpu.vector_store_idx %arg12[%mul3A_5, %parallel_loop3A_595], %parallel_loop3A_591 : memref<64x32xf32, #tpu.memory_space<vmem>>[vector<16xi32>, vector<16xi32>], vector<16xf32>,
        tpu.vector_store_idx %arg12[%add3A_12, %parallel_loop3A_595], %parallel_loop3A_592 : memref<64x32xf32, #tpu.memory_space<vmem>>[vector<16xi32>, vector<16xi32>], vector<16xf32>,
        tpu.vector_store_idx %arg12[%add3A_15, %parallel_loop3A_595], %parallel_loop3A_593 : memref<64x32xf32, #tpu.memory_space<vmem>>[vector<16xi32>, vector<16xi32>], vector<16xf32>,
        tpu.vector_store_idx %arg12[%add3A_18, %parallel_loop3A_595], %parallel_loop3A_594 : memref<64x32xf32, #tpu.memory_space<vmem>>[vector<16xi32>, vector<16xi32>], vector<16xf32>,
      } {sc.loop_unroll_factor = 8 : i64, sc.parallel_access}
      %mul3A_128 = arith.constant 32 : i32
      %mul3A_129 = arith.muli %add3A_69, %mul3A_128 : i32
      %add3A_130 = arith.addi %mul3A_2, %mul3A_129 : i32
      %dma_start3A_131 = arith.constant 0 : i32
      %dma_start3A_132 = tpu.memref_slice %arg6[%dma_start3A_131, %add3A_130] : memref<64x16384xf32, #tpu.memory_space<hbm>> -> memref<64x32xf32, #tpu.memory_space<hbm>>
      %dma_start3A_133 = arith.constant 0 : i32
      %dma_start3A_134 = tpu.memref_slice %arg6[%dma_start3A_133, %add3A_130] : memref<64x16384xf32, #tpu.memory_space<hbm>> -> memref<64x32xf32, #tpu.memory_space<hbm>>
      tpu.enqueue_dma source(%arg12 : memref<64x32xf32, #tpu.memory_space<vmem>>) target(%dma_start3A_134 : memref<64x32xf32, #tpu.memory_space<hbm>>) target_semaphore(%arg16 : memref<!tpu.dma_semaphore, #tpu.memory_space<semaphore_mem>>)
      %mul3A_135 = arith.constant 2 : i32
      %mul3A_136 = arith.muli %mul3A_135, %scan3A_65 : i32
      %add3A_137 = arith.constant 1 : i32
      %add3A_138 = arith.addi %mul3A_136, %add3A_137 : i32
      %dma_wait3A_139 = arith.constant 0 : i32
      %dma_wait3A_140 = arith.constant 0 : i32
      %dma_wait3A_141 = tpu.memref_slice %arg11[%dma_wait3A_139, %dma_wait3A_140] : memref<512x64xbf16, #tpu.memory_space<vmem>> -> memref<128x64xbf16, #tpu.memory_space<vmem>>
      %dma_wait3A_142 = arith.constant 0 : i32
      %dma_wait3A_143 = arith.constant 0 : i32
      %dma_wait3A_144 = tpu.memref_slice %arg2[%dma_wait3A_142, %dma_wait3A_143] : memref<16384x64xbf16, #tpu.memory_space<hbm>> -> memref<128x64xbf16, #tpu.memory_space<hbm>>
      %dma_wait3A_145 = arith.constant 0 : i32
      %dma_wait3A_146 = arith.constant 0 : i32
      %dma_wait3A_147 = tpu.memref_slice %arg11[%dma_wait3A_145, %dma_wait3A_146] : memref<512x64xbf16, #tpu.memory_space<vmem>> -> memref<128x64xbf16, #tpu.memory_space<vmem>>
      %dma_wait3A_148 = arith.constant 0 : i32
      %dma_wait3A_149 = arith.constant 0 : i32
      %dma_wait3A_150 = tpu.memref_slice %arg2[%dma_wait3A_148, %dma_wait3A_149] : memref<16384x64xbf16, #tpu.memory_space<hbm>> -> memref<128x64xbf16, #tpu.memory_space<hbm>>
      tpu.wait_dma2 semaphore(%arg15 : memref<!tpu.dma_semaphore, #tpu.memory_space<semaphore_mem>>) src(%dma_wait3A_150 : memref<128x64xbf16, #tpu.memory_space<hbm>>) dst(%dma_wait3A_147 : memref<128x64xbf16, #tpu.memory_space<vmem>>)
      %dma_wait3A_151 = arith.constant 128 : i32
      %dma_wait3A_152 = arith.constant 0 : i32
      %dma_wait3A_153 = tpu.memref_slice %arg11[%dma_wait3A_151, %dma_wait3A_152] : memref<512x64xbf16, #tpu.memory_space<vmem>> -> memref<128x64xbf16, #tpu.memory_space<vmem>>
      %dma_wait3A_154 = arith.constant 0 : i32
      %dma_wait3A_155 = arith.constant 0 : i32
      %dma_wait3A_156 = tpu.memref_slice %arg2[%dma_wait3A_154, %dma_wait3A_155] : memref<16384x64xbf16, #tpu.memory_space<hbm>> -> memref<128x64xbf16, #tpu.memory_space<hbm>>
      %dma_wait3A_157 = arith.constant 128 : i32
      %dma_wait3A_158 = arith.constant 0 : i32
      %dma_wait3A_159 = tpu.memref_slice %arg11[%dma_wait3A_157, %dma_wait3A_158] : memref<512x64xbf16, #tpu.memory_space<vmem>> -> memref<128x64xbf16, #tpu.memory_space<vmem>>
      %dma_wait3A_160 = arith.constant 0 : i32
      %dma_wait3A_161 = arith.constant 0 : i32
      %dma_wait3A_162 = tpu.memref_slice %arg2[%dma_wait3A_160, %dma_wait3A_161] : memref<16384x64xbf16, #tpu.memory_space<hbm>> -> memref<128x64xbf16, #tpu.memory_space<hbm>>
      tpu.wait_dma2 semaphore(%arg15 : memref<!tpu.dma_semaphore, #tpu.memory_space<semaphore_mem>>) src(%dma_wait3A_162 : memref<128x64xbf16, #tpu.memory_space<hbm>>) dst(%dma_wait3A_159 : memref<128x64xbf16, #tpu.memory_space<vmem>>)
      %dma_wait3A_163 = arith.constant 256 : i32
      %dma_wait3A_164 = arith.constant 0 : i32
      %dma_wait3A_165 = tpu.memref_slice %arg11[%dma_wait3A_163, %dma_wait3A_164] : memref<512x64xbf16, #tpu.memory_space<vmem>> -> memref<128x64xbf16, #tpu.memory_space<vmem>>
      %dma_wait3A_166 = arith.constant 0 : i32
      %dma_wait3A_167 = arith.constant 0 : i32
      %dma_wait3A_168 = tpu.memref_slice %arg2[%dma_wait3A_166, %dma_wait3A_167] : memref<16384x64xbf16, #tpu.memory_space<hbm>> -> memref<128x64xbf16, #tpu.memory_space<hbm>>
      %dma_wait3A_169 = arith.constant 256 : i32
      %dma_wait3A_170 = arith.constant 0 : i32
      %dma_wait3A_171 = tpu.memref_slice %arg11[%dma_wait3A_169, %dma_wait3A_170] : memref<512x64xbf16, #tpu.memory_space<vmem>> -> memref<128x64xbf16, #tpu.memory_space<vmem>>
      %dma_wait3A_172 = arith.constant 0 : i32
      %dma_wait3A_173 = arith.constant 0 : i32
      %dma_wait3A_174 = tpu.memref_slice %arg2[%dma_wait3A_172, %dma_wait3A_173] : memref<16384x64xbf16, #tpu.memory_space<hbm>> -> memref<128x64xbf16, #tpu.memory_space<hbm>>
      tpu.wait_dma2 semaphore(%arg15 : memref<!tpu.dma_semaphore, #tpu.memory_space<semaphore_mem>>) src(%dma_wait3A_174 : memref<128x64xbf16, #tpu.memory_space<hbm>>) dst(%dma_wait3A_171 : memref<128x64xbf16, #tpu.memory_space<vmem>>)
      %dma_wait3A_175 = arith.constant 384 : i32
      %dma_wait3A_176 = arith.constant 0 : i32
      %dma_wait3A_177 = tpu.memref_slice %arg11[%dma_wait3A_175, %dma_wait3A_176] : memref<512x64xbf16, #tpu.memory_space<vmem>> -> memref<128x64xbf16, #tpu.memory_space<vmem>>
      %dma_wait3A_178 = arith.constant 0 : i32
      %dma_wait3A_179 = arith.constant 0 : i32
      %dma_wait3A_180 = tpu.memref_slice %arg2[%dma_wait3A_178, %dma_wait3A_179] : memref<16384x64xbf16, #tpu.memory_space<hbm>> -> memref<128x64xbf16, #tpu.memory_space<hbm>>
      %dma_wait3A_181 = arith.constant 384 : i32
      %dma_wait3A_182 = arith.constant 0 : i32
      %dma_wait3A_183 = tpu.memref_slice %arg11[%dma_wait3A_181, %dma_wait3A_182] : memref<512x64xbf16, #tpu.memory_space<vmem>> -> memref<128x64xbf16, #tpu.memory_space<vmem>>
      %dma_wait3A_184 = arith.constant 0 : i32
      %dma_wait3A_185 = arith.constant 0 : i32
      %dma_wait3A_186 = tpu.memref_slice %arg2[%dma_wait3A_184, %dma_wait3A_185] : memref<16384x64xbf16, #tpu.memory_space<hbm>> -> memref<128x64xbf16, #tpu.memory_space<hbm>>
      tpu.wait_dma2 semaphore(%arg15 : memref<!tpu.dma_semaphore, #tpu.memory_space<semaphore_mem>>) src(%dma_wait3A_186 : memref<128x64xbf16, #tpu.memory_space<hbm>>) dst(%dma_wait3A_183 : memref<128x64xbf16, #tpu.memory_space<vmem>>)
      %ge3A_187 = arith.constant 2 : i32
      %ge3A_188 = arith.cmpi sge, %add3A_138, %ge3A_187 : i32
      %convert_element_type3A_189 = arith.extui %ge3A_188 : i1 to i32
      %cond3A_190 = arith.constant 0 : i32
      %cond3A_191 = arith.cmpi ne, %convert_element_type3A_189, %cond3A_190 : i32
      scf.if %cond3A_191 {
        %dma_wait3A_209 = arith.constant 0 : i32
        %dma_wait3A_210 = arith.constant 0 : i32
        %dma_wait3A_211 = tpu.memref_slice %arg6[%dma_wait3A_209, %dma_wait3A_210] : memref<64x16384xf32, #tpu.memory_space<hbm>> -> memref<64x32xf32, #tpu.memory_space<hbm>>
        %dma_wait3A_212 = arith.constant 0 : i32
        %dma_wait3A_213 = arith.constant 0 : i32
        %dma_wait3A_214 = tpu.memref_slice %arg6[%dma_wait3A_212, %dma_wait3A_213] : memref<64x16384xf32, #tpu.memory_space<hbm>> -> memref<64x32xf32, #tpu.memory_space<hbm>>
        tpu.wait_dma2 semaphore(%arg17 : memref<!tpu.dma_semaphore, #tpu.memory_space<semaphore_mem>>) src(%arg13 : memref<64x32xf32, #tpu.memory_space<vmem>>) dst(%dma_wait3A_214 : memref<64x32xf32, #tpu.memory_space<hbm>>)
      } else {
      }
      %add3A_192 = arith.constant 1 : i32
      %add3A_193 = arith.addi %add3A_138, %add3A_192 : i32
      %lt3A_194 = arith.constant 16 : i32
      %lt3A_195 = arith.cmpi slt, %add3A_193, %lt3A_194 : i32
      %convert_element_type3A_196 = arith.extui %lt3A_195 : i1 to i32
      %cond3A_197 = arith.constant 0 : i32
      %cond3A_198 = arith.cmpi ne, %convert_element_type3A_196, %cond3A_197 : i32
      scf.if %cond3A_198 {
        %add3A_209 = arith.constant 1 : i32
        %add3A_210 = arith.addi %add3A_138, %add3A_209 : i32
        %mul3A_211 = arith.constant 512 : i32
        %mul3A_212 = arith.muli %add3A_210, %mul3A_211 : i32
        %add3A_213 = arith.constant 0 : i32
        %add3A_214 = arith.addi %mul3A_212, %add3A_213 : i32
        %dma_start3A_215 = arith.constant 0 : i32
        %dma_start3A_216 = arith.constant 0 : i32
        %dma_start3A_217 = tpu.memref_slice %arg10[%dma_start3A_215, %dma_start3A_216] : memref<512x64xbf16, #tpu.memory_space<vmem>> -> memref<128x64xbf16, #tpu.memory_space<vmem>>
        %dma_start3A_218 = tpu.memref_slice %arg7[%add3A_214] : memref<8192xi32, #tpu.memory_space<vmem>> -> memref<128xi32, #tpu.memory_space<vmem>>
        %dma_start3A_219 = arith.constant 0 : i32
        %dma_start3A_220 = arith.constant 0 : i32
        %dma_start3A_221 = tpu.memref_slice %arg2[%dma_start3A_219, %dma_start3A_220] : memref<16384x64xbf16, #tpu.memory_space<hbm>> -> memref<16384x64xbf16, #tpu.memory_space<hbm>>
        tpu.enqueue_indirect_dma source(%dma_start3A_221 : memref<16384x64xbf16, #tpu.memory_space<hbm>>) target(%dma_start3A_217 : memref<128x64xbf16, #tpu.memory_space<vmem>>) offsets(%dma_start3A_218 : memref<128xi32, #tpu.memory_space<vmem>>) semaphore(%arg14 : memref<!tpu.dma_semaphore, #tpu.memory_space<semaphore_mem>>)
        %mul3A_222 = arith.constant 512 : i32
        %mul3A_223 = arith.muli %add3A_210, %mul3A_222 : i32
        %add3A_224 = arith.constant 128 : i32
        %add3A_225 = arith.addi %mul3A_223, %add3A_224 : i32
        %dma_start3A_226 = arith.constant 128 : i32
        %dma_start3A_227 = arith.constant 0 : i32
        %dma_start3A_228 = tpu.memref_slice %arg10[%dma_start3A_226, %dma_start3A_227] : memref<512x64xbf16, #tpu.memory_space<vmem>> -> memref<128x64xbf16, #tpu.memory_space<vmem>>
        %dma_start3A_229 = tpu.memref_slice %arg7[%add3A_225] : memref<8192xi32, #tpu.memory_space<vmem>> -> memref<128xi32, #tpu.memory_space<vmem>>
        %dma_start3A_230 = arith.constant 0 : i32
        %dma_start3A_231 = arith.constant 0 : i32
        %dma_start3A_232 = tpu.memref_slice %arg2[%dma_start3A_230, %dma_start3A_231] : memref<16384x64xbf16, #tpu.memory_space<hbm>> -> memref<16384x64xbf16, #tpu.memory_space<hbm>>
        tpu.enqueue_indirect_dma source(%dma_start3A_232 : memref<16384x64xbf16, #tpu.memory_space<hbm>>) target(%dma_start3A_228 : memref<128x64xbf16, #tpu.memory_space<vmem>>) offsets(%dma_start3A_229 : memref<128xi32, #tpu.memory_space<vmem>>) semaphore(%arg14 : memref<!tpu.dma_semaphore, #tpu.memory_space<semaphore_mem>>)
        %mul3A_233 = arith.constant 512 : i32
        %mul3A_234 = arith.muli %add3A_210, %mul3A_233 : i32
        %add3A_235 = arith.constant 256 : i32
        %add3A_236 = arith.addi %mul3A_234, %add3A_235 : i32
        %dma_start3A_237 = arith.constant 256 : i32
        %dma_start3A_238 = arith.constant 0 : i32
        %dma_start3A_239 = tpu.memref_slice %arg10[%dma_start3A_237, %dma_start3A_238] : memref<512x64xbf16, #tpu.memory_space<vmem>> -> memref<128x64xbf16, #tpu.memory_space<vmem>>
        %dma_start3A_240 = tpu.memref_slice %arg7[%add3A_236] : memref<8192xi32, #tpu.memory_space<vmem>> -> memref<128xi32, #tpu.memory_space<vmem>>
        %dma_start3A_241 = arith.constant 0 : i32
        %dma_start3A_242 = arith.constant 0 : i32
        %dma_start3A_243 = tpu.memref_slice %arg2[%dma_start3A_241, %dma_start3A_242] : memref<16384x64xbf16, #tpu.memory_space<hbm>> -> memref<16384x64xbf16, #tpu.memory_space<hbm>>
        tpu.enqueue_indirect_dma source(%dma_start3A_243 : memref<16384x64xbf16, #tpu.memory_space<hbm>>) target(%dma_start3A_239 : memref<128x64xbf16, #tpu.memory_space<vmem>>) offsets(%dma_start3A_240 : memref<128xi32, #tpu.memory_space<vmem>>) semaphore(%arg14 : memref<!tpu.dma_semaphore, #tpu.memory_space<semaphore_mem>>)
        %mul3A_244 = arith.constant 512 : i32
        %mul3A_245 = arith.muli %add3A_210, %mul3A_244 : i32
        %add3A_246 = arith.constant 384 : i32
        %add3A_247 = arith.addi %mul3A_245, %add3A_246 : i32
        %dma_start3A_248 = arith.constant 384 : i32
        %dma_start3A_249 = arith.constant 0 : i32
        %dma_start3A_250 = tpu.memref_slice %arg10[%dma_start3A_248, %dma_start3A_249] : memref<512x64xbf16, #tpu.memory_space<vmem>> -> memref<128x64xbf16, #tpu.memory_space<vmem>>
        %dma_start3A_251 = tpu.memref_slice %arg7[%add3A_247] : memref<8192xi32, #tpu.memory_space<vmem>> -> memref<128xi32, #tpu.memory_space<vmem>>
        %dma_start3A_252 = arith.constant 0 : i32
        %dma_start3A_253 = arith.constant 0 : i32
        %dma_start3A_254 = tpu.memref_slice %arg2[%dma_start3A_252, %dma_start3A_253] : memref<16384x64xbf16, #tpu.memory_space<hbm>> -> memref<16384x64xbf16, #tpu.memory_space<hbm>>
        tpu.enqueue_indirect_dma source(%dma_start3A_254 : memref<16384x64xbf16, #tpu.memory_space<hbm>>) target(%dma_start3A_250 : memref<128x64xbf16, #tpu.memory_space<vmem>>) offsets(%dma_start3A_251 : memref<128xi32, #tpu.memory_space<vmem>>) semaphore(%arg14 : memref<!tpu.dma_semaphore, #tpu.memory_space<semaphore_mem>>)
      } else {
      }
      %parallel_loop3A_199 = arith.constant 0 : i32
      %parallel_loop3A_200 = arith.constant 32 : i32
      %parallel_loop3A_201 = arith.constant 1 : i32
      scf.for %parallel_loop3A_209 = %parallel_loop3A_199 to %parallel_loop3A_200 step %parallel_loop3A_201  : i32 {
        %parallel_loop3A_210 = arith.constant 32 : i32
        %parallel_loop3A_211 = arith.muli %add3A_138, %parallel_loop3A_210 : i32
        %parallel_loop3A_212 = arith.addi %parallel_loop3A_211, %parallel_loop3A_209 : i32
        %parallel_loop3A_213 = arith.constant 16 : i32
        %parallel_loop3A_214 = arith.muli %parallel_loop3A_212, %parallel_loop3A_213 : i32
        %parallel_loop3A_215 = arith.index_cast %parallel_loop3A_214 : i32 to index
        %parallel_loop3A_216 = tpu.vector_load %arg8[%parallel_loop3A_215] {strides = array<i32>} : memref<8192xf32, #tpu.memory_space<vmem>>, vector<16xf32>,
        %parallel_loop3A_217 = arith.constant 32 : i32
        %parallel_loop3A_218 = arith.muli %add3A_138, %parallel_loop3A_217 : i32
        %parallel_loop3A_219 = arith.constant 16 : i32
        %parallel_loop3A_220 = arith.divsi %parallel_loop3A_209, %parallel_loop3A_219 : i32
        %parallel_loop3A_221 = arith.constant 0 : i32
        %parallel_loop3A_222 = arith.cmpi sgt, %parallel_loop3A_209, %parallel_loop3A_221 : i32
        %parallel_loop3A_223 = arith.extui %parallel_loop3A_222 : i1 to i32
        %parallel_loop3A_224 = arith.constant 0 : i32
        %parallel_loop3A_225 = arith.cmpi slt, %parallel_loop3A_209, %parallel_loop3A_224 : i32
        %parallel_loop3A_226 = arith.extui %parallel_loop3A_225 : i1 to i32
        %parallel_loop3A_227 = arith.subi %parallel_loop3A_223, %parallel_loop3A_226 : i32
        %parallel_loop3A_228 = arith.constant 0 : i32
        %parallel_loop3A_229 = arith.cmpi sgt, %parallel_loop3A_219, %parallel_loop3A_228 : i32
        %parallel_loop3A_230 = arith.extui %parallel_loop3A_229 : i1 to i32
        %parallel_loop3A_231 = arith.constant 0 : i32
        %parallel_loop3A_232 = arith.cmpi slt, %parallel_loop3A_219, %parallel_loop3A_231 : i32
        %parallel_loop3A_233 = arith.extui %parallel_loop3A_232 : i1 to i32
        %parallel_loop3A_234 = arith.subi %parallel_loop3A_230, %parallel_loop3A_233 : i32
        %parallel_loop3A_235 = arith.cmpi ne, %parallel_loop3A_227, %parallel_loop3A_234 : i32
        %parallel_loop3A_236 = arith.remsi %parallel_loop3A_209, %parallel_loop3A_219 : i32
        %parallel_loop3A_237 = arith.constant 0 : i32
        %parallel_loop3A_238 = arith.cmpi ne, %parallel_loop3A_236, %parallel_loop3A_237 : i32
        %parallel_loop3A_239 = arith.andi %parallel_loop3A_235, %parallel_loop3A_238 : i1
        %parallel_loop3A_240 = arith.constant 1 : i32
        %parallel_loop3A_241 = arith.subi %parallel_loop3A_220, %parallel_loop3A_240 : i32
        %parallel_loop3A_242 = arith.select %parallel_loop3A_239, %parallel_loop3A_241, %parallel_loop3A_220 : i32
        %parallel_loop3A_243 = arith.constant 16 : i32
        %parallel_loop3A_244 = arith.muli %parallel_loop3A_242, %parallel_loop3A_243 : i32
        %parallel_loop3A_245 = arith.addi %parallel_loop3A_218, %parallel_loop3A_244 : i32
        %parallel_loop3A_246 = arith.index_cast %parallel_loop3A_245 : i32 to index
        %parallel_loop3A_247 = tpu.vector_load %arg9[%parallel_loop3A_246] {strides = array<i32>} : memref<512xf32, #tpu.memory_space<vmem>>, vector<16xf32>,
        %parallel_loop3A_248 = arith.constant 16 : i32
        %parallel_loop3A_249 = arith.constant 0 : i32
        %parallel_loop3A_250 = arith.cmpi eq, %parallel_loop3A_248, %parallel_loop3A_249 : i32
        %parallel_loop3A_251 = arith.constant 1 : i32
        %parallel_loop3A_252 = arith.select %parallel_loop3A_250, %parallel_loop3A_251, %parallel_loop3A_248 : i32
        %parallel_loop3A_253 = arith.remsi %parallel_loop3A_209, %parallel_loop3A_252 : i32
        %parallel_loop3A_254 = arith.constant 0 : i32
        %parallel_loop3A_255 = arith.cmpi ne, %parallel_loop3A_253, %parallel_loop3A_254 : i32
        %parallel_loop3A_256 = arith.constant 0 : i32
        %parallel_loop3A_257 = arith.cmpi slt, %parallel_loop3A_253, %parallel_loop3A_256 : i32
        %parallel_loop3A_258 = arith.constant 0 : i32
        %parallel_loop3A_259 = arith.cmpi slt, %parallel_loop3A_252, %parallel_loop3A_258 : i32
        %parallel_loop3A_260 = arith.xori %parallel_loop3A_257, %parallel_loop3A_259 : i1
        %parallel_loop3A_261 = arith.andi %parallel_loop3A_260, %parallel_loop3A_255 : i1
        %parallel_loop3A_262 = arith.addi %parallel_loop3A_253, %parallel_loop3A_252 : i32
        %parallel_loop3A_263 = arith.select %parallel_loop3A_261, %parallel_loop3A_262, %parallel_loop3A_253 : i32
        %parallel_loop3A_264 = vector.broadcast %parallel_loop3A_263 : i32 to vector<16x1xi32>
        %parallel_loop3A_265 = vector.shape_cast %parallel_loop3A_264 : vector<16x1xi32> to vector<16xi32>
        %parallel_loop3A_266 = tpu.dynamic_gather %parallel_loop3A_247[%parallel_loop3A_265] in [0] : vector<16xf32>, vector<16xi32> -> vector<16xf32>
        %parallel_loop3A_267 = arith.constant 0 : i32
        %parallel_loop3A_268 = vector.broadcast %parallel_loop3A_267 : i32 to vector<16x1xi32>
        %parallel_loop3A_269 = vector.shape_cast %parallel_loop3A_268 : vector<16x1xi32> to vector<16xi32>
        %parallel_loop3A_270 = tpu.dynamic_gather %parallel_loop3A_216[%parallel_loop3A_269] in [0] : vector<16xf32>, vector<16xi32> -> vector<16xf32>
        %parallel_loop3A_271 = tpu.pack_subelements %parallel_loop3A_270, %parallel_loop3A_270 {pack_format = #tpu.pack_format<interleaved>, positions = array<i32: 0, 1>} : vector<16xf32>, vector<16xf32> -> vector<32xbf16>
        %parallel_loop3A_272 = arith.constant 16 : i32
        %parallel_loop3A_273 = arith.muli %parallel_loop3A_209, %parallel_loop3A_272 : i32
        %parallel_loop3A_274 = arith.constant 0 : i32
        %parallel_loop3A_275 = arith.addi %parallel_loop3A_273, %parallel_loop3A_274 : i32
        %parallel_loop3A_276 = arith.index_cast %parallel_loop3A_275 : i32 to index
        %parallel_loop3A_277 = arith.constant 0 : index
        %parallel_loop3A_278 = tpu.vector_load %arg11[%parallel_loop3A_276, %parallel_loop3A_277] {strides = array<i32>} : memref<512x64xbf16, #tpu.memory_space<vmem>>, vector<32xbf16>,
        %parallel_loop3A_279 = arith.mulf %parallel_loop3A_271, %parallel_loop3A_278 : vector<32xbf16>
        %parallel_loop3A_280 = arith.index_cast %parallel_loop3A_275 : i32 to index
        %parallel_loop3A_281 = arith.constant 32 : index
        %parallel_loop3A_282 = tpu.vector_load %arg11[%parallel_loop3A_280, %parallel_loop3A_281] {strides = array<i32>} : memref<512x64xbf16, #tpu.memory_space<vmem>>, vector<32xbf16>,
        %parallel_loop3A_283 = arith.mulf %parallel_loop3A_271, %parallel_loop3A_282 : vector<32xbf16>
        %parallel_loop3A_284 = arith.constant 1 : i32
        %parallel_loop3A_285 = vector.broadcast %parallel_loop3A_284 : i32 to vector<16x1xi32>
        %parallel_loop3A_286 = vector.shape_cast %parallel_loop3A_285 : vector<16x1xi32> to vector<16xi32>
        %parallel_loop3A_287 = tpu.dynamic_gather %parallel_loop3A_216[%parallel_loop3A_286] in [0] : vector<16xf32>, vector<16xi32> -> vector<16xf32>
        %parallel_loop3A_288 = tpu.pack_subelements %parallel_loop3A_287, %parallel_loop3A_287 {pack_format = #tpu.pack_format<interleaved>, positions = array<i32: 0, 1>} : vector<16xf32>, vector<16xf32> -> vector<32xbf16>
        %parallel_loop3A_289 = arith.constant 16 : i32
        %parallel_loop3A_290 = arith.muli %parallel_loop3A_209, %parallel_loop3A_289 : i32
        %parallel_loop3A_291 = arith.constant 1 : i32
        %parallel_loop3A_292 = arith.addi %parallel_loop3A_290, %parallel_loop3A_291 : i32
        %parallel_loop3A_293 = arith.index_cast %parallel_loop3A_292 : i32 to index
        %parallel_loop3A_294 = arith.constant 0 : index
        %parallel_loop3A_295 = tpu.vector_load %arg11[%parallel_loop3A_293, %parallel_loop3A_294] {strides = array<i32>} : memref<512x64xbf16, #tpu.memory_space<vmem>>, vector<32xbf16>,
        %parallel_loop3A_296 = arith.mulf %parallel_loop3A_288, %parallel_loop3A_295 : vector<32xbf16>
        %parallel_loop3A_297 = arith.index_cast %parallel_loop3A_292 : i32 to index
        %parallel_loop3A_298 = arith.constant 32 : index
        %parallel_loop3A_299 = tpu.vector_load %arg11[%parallel_loop3A_297, %parallel_loop3A_298] {strides = array<i32>} : memref<512x64xbf16, #tpu.memory_space<vmem>>, vector<32xbf16>,
        %parallel_loop3A_300 = arith.mulf %parallel_loop3A_288, %parallel_loop3A_299 : vector<32xbf16>
        %parallel_loop3A_301 = arith.addf %parallel_loop3A_279, %parallel_loop3A_296 : vector<32xbf16>
        %parallel_loop3A_302 = arith.addf %parallel_loop3A_283, %parallel_loop3A_300 : vector<32xbf16>
        %parallel_loop3A_303 = arith.constant 2 : i32
        %parallel_loop3A_304 = vector.broadcast %parallel_loop3A_303 : i32 to vector<16x1xi32>
        %parallel_loop3A_305 = vector.shape_cast %parallel_loop3A_304 : vector<16x1xi32> to vector<16xi32>
        %parallel_loop3A_306 = tpu.dynamic_gather %parallel_loop3A_216[%parallel_loop3A_305] in [0] : vector<16xf32>, vector<16xi32> -> vector<16xf32>
        %parallel_loop3A_307 = tpu.pack_subelements %parallel_loop3A_306, %parallel_loop3A_306 {pack_format = #tpu.pack_format<interleaved>, positions = array<i32: 0, 1>} : vector<16xf32>, vector<16xf32> -> vector<32xbf16>
        %parallel_loop3A_308 = arith.constant 16 : i32
        %parallel_loop3A_309 = arith.muli %parallel_loop3A_209, %parallel_loop3A_308 : i32
        %parallel_loop3A_310 = arith.constant 2 : i32
        %parallel_loop3A_311 = arith.addi %parallel_loop3A_309, %parallel_loop3A_310 : i32
        %parallel_loop3A_312 = arith.index_cast %parallel_loop3A_311 : i32 to index
        %parallel_loop3A_313 = arith.constant 0 : index
        %parallel_loop3A_314 = tpu.vector_load %arg11[%parallel_loop3A_312, %parallel_loop3A_313] {strides = array<i32>} : memref<512x64xbf16, #tpu.memory_space<vmem>>, vector<32xbf16>,
        %parallel_loop3A_315 = arith.mulf %parallel_loop3A_307, %parallel_loop3A_314 : vector<32xbf16>
        %parallel_loop3A_316 = arith.index_cast %parallel_loop3A_311 : i32 to index
        %parallel_loop3A_317 = arith.constant 32 : index
        %parallel_loop3A_318 = tpu.vector_load %arg11[%parallel_loop3A_316, %parallel_loop3A_317] {strides = array<i32>} : memref<512x64xbf16, #tpu.memory_space<vmem>>, vector<32xbf16>,
        %parallel_loop3A_319 = arith.mulf %parallel_loop3A_307, %parallel_loop3A_318 : vector<32xbf16>
        %parallel_loop3A_320 = arith.addf %parallel_loop3A_301, %parallel_loop3A_315 : vector<32xbf16>
        %parallel_loop3A_321 = arith.addf %parallel_loop3A_302, %parallel_loop3A_319 : vector<32xbf16>
        %parallel_loop3A_322 = arith.constant 3 : i32
        %parallel_loop3A_323 = vector.broadcast %parallel_loop3A_322 : i32 to vector<16x1xi32>
        %parallel_loop3A_324 = vector.shape_cast %parallel_loop3A_323 : vector<16x1xi32> to vector<16xi32>
        %parallel_loop3A_325 = tpu.dynamic_gather %parallel_loop3A_216[%parallel_loop3A_324] in [0] : vector<16xf32>, vector<16xi32> -> vector<16xf32>
        %parallel_loop3A_326 = tpu.pack_subelements %parallel_loop3A_325, %parallel_loop3A_325 {pack_format = #tpu.pack_format<interleaved>, positions = array<i32: 0, 1>} : vector<16xf32>, vector<16xf32> -> vector<32xbf16>
        %parallel_loop3A_327 = arith.constant 16 : i32
        %parallel_loop3A_328 = arith.muli %parallel_loop3A_209, %parallel_loop3A_327 : i32
        %parallel_loop3A_329 = arith.constant 3 : i32
        %parallel_loop3A_330 = arith.addi %parallel_loop3A_328, %parallel_loop3A_329 : i32
        %parallel_loop3A_331 = arith.index_cast %parallel_loop3A_330 : i32 to index
        %parallel_loop3A_332 = arith.constant 0 : index
        %parallel_loop3A_333 = tpu.vector_load %arg11[%parallel_loop3A_331, %parallel_loop3A_332] {strides = array<i32>} : memref<512x64xbf16, #tpu.memory_space<vmem>>, vector<32xbf16>,
        %parallel_loop3A_334 = arith.mulf %parallel_loop3A_326, %parallel_loop3A_333 : vector<32xbf16>
        %parallel_loop3A_335 = arith.index_cast %parallel_loop3A_330 : i32 to index
        %parallel_loop3A_336 = arith.constant 32 : index
        %parallel_loop3A_337 = tpu.vector_load %arg11[%parallel_loop3A_335, %parallel_loop3A_336] {strides = array<i32>} : memref<512x64xbf16, #tpu.memory_space<vmem>>, vector<32xbf16>,
        %parallel_loop3A_338 = arith.mulf %parallel_loop3A_326, %parallel_loop3A_337 : vector<32xbf16>
        %parallel_loop3A_339 = arith.addf %parallel_loop3A_320, %parallel_loop3A_334 : vector<32xbf16>
        %parallel_loop3A_340 = arith.addf %parallel_loop3A_321, %parallel_loop3A_338 : vector<32xbf16>
        %parallel_loop3A_341 = tpu.unpack_subelements %parallel_loop3A_339, 0 {pack_format = #tpu.pack_format<interleaved>} : vector<32xbf16> -> vector<16xf32>
        %parallel_loop3A_342 = tpu.unpack_subelements %parallel_loop3A_339, 1 {pack_format = #tpu.pack_format<interleaved>} : vector<32xbf16> -> vector<16xf32>
        %parallel_loop3A_343 = tpu.unpack_subelements %parallel_loop3A_340, 0 {pack_format = #tpu.pack_format<interleaved>} : vector<32xbf16> -> vector<16xf32>
        %parallel_loop3A_344 = tpu.unpack_subelements %parallel_loop3A_340, 1 {pack_format = #tpu.pack_format<interleaved>} : vector<32xbf16> -> vector<16xf32>
        %parallel_loop3A_345 = arith.addf %parallel_loop3A_266, %parallel_loop3A_341 : vector<16xf32>
        %parallel_loop3A_346 = arith.addf %parallel_loop3A_266, %parallel_loop3A_342 : vector<16xf32>
        %parallel_loop3A_347 = arith.addf %parallel_loop3A_266, %parallel_loop3A_343 : vector<16xf32>
        %parallel_loop3A_348 = arith.addf %parallel_loop3A_266, %parallel_loop3A_344 : vector<16xf32>
        %parallel_loop3A_349 = arith.constant 4 : i32
        %parallel_loop3A_350 = vector.broadcast %parallel_loop3A_349 : i32 to vector<16x1xi32>
        %parallel_loop3A_351 = vector.shape_cast %parallel_loop3A_350 : vector<16x1xi32> to vector<16xi32>
        %parallel_loop3A_352 = tpu.dynamic_gather %parallel_loop3A_216[%parallel_loop3A_351] in [0] : vector<16xf32>, vector<16xi32> -> vector<16xf32>
        %parallel_loop3A_353 = tpu.pack_subelements %parallel_loop3A_352, %parallel_loop3A_352 {pack_format = #tpu.pack_format<interleaved>, positions = array<i32: 0, 1>} : vector<16xf32>, vector<16xf32> -> vector<32xbf16>
        %parallel_loop3A_354 = arith.constant 16 : i32
        %parallel_loop3A_355 = arith.muli %parallel_loop3A_209, %parallel_loop3A_354 : i32
        %parallel_loop3A_356 = arith.constant 4 : i32
        %parallel_loop3A_357 = arith.addi %parallel_loop3A_355, %parallel_loop3A_356 : i32
        %parallel_loop3A_358 = arith.index_cast %parallel_loop3A_357 : i32 to index
        %parallel_loop3A_359 = arith.constant 0 : index
        %parallel_loop3A_360 = tpu.vector_load %arg11[%parallel_loop3A_358, %parallel_loop3A_359] {strides = array<i32>} : memref<512x64xbf16, #tpu.memory_space<vmem>>, vector<32xbf16>,
        %parallel_loop3A_361 = arith.mulf %parallel_loop3A_353, %parallel_loop3A_360 : vector<32xbf16>
        %parallel_loop3A_362 = arith.index_cast %parallel_loop3A_357 : i32 to index
        %parallel_loop3A_363 = arith.constant 32 : index
        %parallel_loop3A_364 = tpu.vector_load %arg11[%parallel_loop3A_362, %parallel_loop3A_363] {strides = array<i32>} : memref<512x64xbf16, #tpu.memory_space<vmem>>, vector<32xbf16>,
        %parallel_loop3A_365 = arith.mulf %parallel_loop3A_353, %parallel_loop3A_364 : vector<32xbf16>
        %parallel_loop3A_366 = arith.constant 5 : i32
        %parallel_loop3A_367 = vector.broadcast %parallel_loop3A_366 : i32 to vector<16x1xi32>
        %parallel_loop3A_368 = vector.shape_cast %parallel_loop3A_367 : vector<16x1xi32> to vector<16xi32>
        %parallel_loop3A_369 = tpu.dynamic_gather %parallel_loop3A_216[%parallel_loop3A_368] in [0] : vector<16xf32>, vector<16xi32> -> vector<16xf32>
        %parallel_loop3A_370 = tpu.pack_subelements %parallel_loop3A_369, %parallel_loop3A_369 {pack_format = #tpu.pack_format<interleaved>, positions = array<i32: 0, 1>} : vector<16xf32>, vector<16xf32> -> vector<32xbf16>
        %parallel_loop3A_371 = arith.constant 16 : i32
        %parallel_loop3A_372 = arith.muli %parallel_loop3A_209, %parallel_loop3A_371 : i32
        %parallel_loop3A_373 = arith.constant 5 : i32
        %parallel_loop3A_374 = arith.addi %parallel_loop3A_372, %parallel_loop3A_373 : i32
        %parallel_loop3A_375 = arith.index_cast %parallel_loop3A_374 : i32 to index
        %parallel_loop3A_376 = arith.constant 0 : index
        %parallel_loop3A_377 = tpu.vector_load %arg11[%parallel_loop3A_375, %parallel_loop3A_376] {strides = array<i32>} : memref<512x64xbf16, #tpu.memory_space<vmem>>, vector<32xbf16>,
        %parallel_loop3A_378 = arith.mulf %parallel_loop3A_370, %parallel_loop3A_377 : vector<32xbf16>
        %parallel_loop3A_379 = arith.index_cast %parallel_loop3A_374 : i32 to index
        %parallel_loop3A_380 = arith.constant 32 : index
        %parallel_loop3A_381 = tpu.vector_load %arg11[%parallel_loop3A_379, %parallel_loop3A_380] {strides = array<i32>} : memref<512x64xbf16, #tpu.memory_space<vmem>>, vector<32xbf16>,
        %parallel_loop3A_382 = arith.mulf %parallel_loop3A_370, %parallel_loop3A_381 : vector<32xbf16>
        %parallel_loop3A_383 = arith.addf %parallel_loop3A_361, %parallel_loop3A_378 : vector<32xbf16>
        %parallel_loop3A_384 = arith.addf %parallel_loop3A_365, %parallel_loop3A_382 : vector<32xbf16>
        %parallel_loop3A_385 = arith.constant 6 : i32
        %parallel_loop3A_386 = vector.broadcast %parallel_loop3A_385 : i32 to vector<16x1xi32>
        %parallel_loop3A_387 = vector.shape_cast %parallel_loop3A_386 : vector<16x1xi32> to vector<16xi32>
        %parallel_loop3A_388 = tpu.dynamic_gather %parallel_loop3A_216[%parallel_loop3A_387] in [0] : vector<16xf32>, vector<16xi32> -> vector<16xf32>
        %parallel_loop3A_389 = tpu.pack_subelements %parallel_loop3A_388, %parallel_loop3A_388 {pack_format = #tpu.pack_format<interleaved>, positions = array<i32: 0, 1>} : vector<16xf32>, vector<16xf32> -> vector<32xbf16>
        %parallel_loop3A_390 = arith.constant 16 : i32
        %parallel_loop3A_391 = arith.muli %parallel_loop3A_209, %parallel_loop3A_390 : i32
        %parallel_loop3A_392 = arith.constant 6 : i32
        %parallel_loop3A_393 = arith.addi %parallel_loop3A_391, %parallel_loop3A_392 : i32
        %parallel_loop3A_394 = arith.index_cast %parallel_loop3A_393 : i32 to index
        %parallel_loop3A_395 = arith.constant 0 : index
        %parallel_loop3A_396 = tpu.vector_load %arg11[%parallel_loop3A_394, %parallel_loop3A_395] {strides = array<i32>} : memref<512x64xbf16, #tpu.memory_space<vmem>>, vector<32xbf16>,
        %parallel_loop3A_397 = arith.mulf %parallel_loop3A_389, %parallel_loop3A_396 : vector<32xbf16>
        %parallel_loop3A_398 = arith.index_cast %parallel_loop3A_393 : i32 to index
        %parallel_loop3A_399 = arith.constant 32 : index
        %parallel_loop3A_400 = tpu.vector_load %arg11[%parallel_loop3A_398, %parallel_loop3A_399] {strides = array<i32>} : memref<512x64xbf16, #tpu.memory_space<vmem>>, vector<32xbf16>,
        %parallel_loop3A_401 = arith.mulf %parallel_loop3A_389, %parallel_loop3A_400 : vector<32xbf16>
        %parallel_loop3A_402 = arith.addf %parallel_loop3A_383, %parallel_loop3A_397 : vector<32xbf16>
        %parallel_loop3A_403 = arith.addf %parallel_loop3A_384, %parallel_loop3A_401 : vector<32xbf16>
        %parallel_loop3A_404 = arith.constant 7 : i32
        %parallel_loop3A_405 = vector.broadcast %parallel_loop3A_404 : i32 to vector<16x1xi32>
        %parallel_loop3A_406 = vector.shape_cast %parallel_loop3A_405 : vector<16x1xi32> to vector<16xi32>
        %parallel_loop3A_407 = tpu.dynamic_gather %parallel_loop3A_216[%parallel_loop3A_406] in [0] : vector<16xf32>, vector<16xi32> -> vector<16xf32>
        %parallel_loop3A_408 = tpu.pack_subelements %parallel_loop3A_407, %parallel_loop3A_407 {pack_format = #tpu.pack_format<interleaved>, positions = array<i32: 0, 1>} : vector<16xf32>, vector<16xf32> -> vector<32xbf16>
        %parallel_loop3A_409 = arith.constant 16 : i32
        %parallel_loop3A_410 = arith.muli %parallel_loop3A_209, %parallel_loop3A_409 : i32
        %parallel_loop3A_411 = arith.constant 7 : i32
        %parallel_loop3A_412 = arith.addi %parallel_loop3A_410, %parallel_loop3A_411 : i32
        %parallel_loop3A_413 = arith.index_cast %parallel_loop3A_412 : i32 to index
        %parallel_loop3A_414 = arith.constant 0 : index
        %parallel_loop3A_415 = tpu.vector_load %arg11[%parallel_loop3A_413, %parallel_loop3A_414] {strides = array<i32>} : memref<512x64xbf16, #tpu.memory_space<vmem>>, vector<32xbf16>,
        %parallel_loop3A_416 = arith.mulf %parallel_loop3A_408, %parallel_loop3A_415 : vector<32xbf16>
        %parallel_loop3A_417 = arith.index_cast %parallel_loop3A_412 : i32 to index
        %parallel_loop3A_418 = arith.constant 32 : index
        %parallel_loop3A_419 = tpu.vector_load %arg11[%parallel_loop3A_417, %parallel_loop3A_418] {strides = array<i32>} : memref<512x64xbf16, #tpu.memory_space<vmem>>, vector<32xbf16>,
        %parallel_loop3A_420 = arith.mulf %parallel_loop3A_408, %parallel_loop3A_419 : vector<32xbf16>
        %parallel_loop3A_421 = arith.addf %parallel_loop3A_402, %parallel_loop3A_416 : vector<32xbf16>
        %parallel_loop3A_422 = arith.addf %parallel_loop3A_403, %parallel_loop3A_420 : vector<32xbf16>
        %parallel_loop3A_423 = tpu.unpack_subelements %parallel_loop3A_421, 0 {pack_format = #tpu.pack_format<interleaved>} : vector<32xbf16> -> vector<16xf32>
        %parallel_loop3A_424 = tpu.unpack_subelements %parallel_loop3A_421, 1 {pack_format = #tpu.pack_format<interleaved>} : vector<32xbf16> -> vector<16xf32>
        %parallel_loop3A_425 = tpu.unpack_subelements %parallel_loop3A_422, 0 {pack_format = #tpu.pack_format<interleaved>} : vector<32xbf16> -> vector<16xf32>
        %parallel_loop3A_426 = tpu.unpack_subelements %parallel_loop3A_422, 1 {pack_format = #tpu.pack_format<interleaved>} : vector<32xbf16> -> vector<16xf32>
        %parallel_loop3A_427 = arith.addf %parallel_loop3A_345, %parallel_loop3A_423 : vector<16xf32>
        %parallel_loop3A_428 = arith.addf %parallel_loop3A_346, %parallel_loop3A_424 : vector<16xf32>
        %parallel_loop3A_429 = arith.addf %parallel_loop3A_347, %parallel_loop3A_425 : vector<16xf32>
        %parallel_loop3A_430 = arith.addf %parallel_loop3A_348, %parallel_loop3A_426 : vector<16xf32>
        %parallel_loop3A_431 = arith.constant 8 : i32
        %parallel_loop3A_432 = vector.broadcast %parallel_loop3A_431 : i32 to vector<16x1xi32>
        %parallel_loop3A_433 = vector.shape_cast %parallel_loop3A_432 : vector<16x1xi32> to vector<16xi32>
        %parallel_loop3A_434 = tpu.dynamic_gather %parallel_loop3A_216[%parallel_loop3A_433] in [0] : vector<16xf32>, vector<16xi32> -> vector<16xf32>
        %parallel_loop3A_435 = tpu.pack_subelements %parallel_loop3A_434, %parallel_loop3A_434 {pack_format = #tpu.pack_format<interleaved>, positions = array<i32: 0, 1>} : vector<16xf32>, vector<16xf32> -> vector<32xbf16>
        %parallel_loop3A_436 = arith.constant 16 : i32
        %parallel_loop3A_437 = arith.muli %parallel_loop3A_209, %parallel_loop3A_436 : i32
        %parallel_loop3A_438 = arith.constant 8 : i32
        %parallel_loop3A_439 = arith.addi %parallel_loop3A_437, %parallel_loop3A_438 : i32
        %parallel_loop3A_440 = arith.index_cast %parallel_loop3A_439 : i32 to index
        %parallel_loop3A_441 = arith.constant 0 : index
        %parallel_loop3A_442 = tpu.vector_load %arg11[%parallel_loop3A_440, %parallel_loop3A_441] {strides = array<i32>} : memref<512x64xbf16, #tpu.memory_space<vmem>>, vector<32xbf16>,
        %parallel_loop3A_443 = arith.mulf %parallel_loop3A_435, %parallel_loop3A_442 : vector<32xbf16>
        %parallel_loop3A_444 = arith.index_cast %parallel_loop3A_439 : i32 to index
        %parallel_loop3A_445 = arith.constant 32 : index
        %parallel_loop3A_446 = tpu.vector_load %arg11[%parallel_loop3A_444, %parallel_loop3A_445] {strides = array<i32>} : memref<512x64xbf16, #tpu.memory_space<vmem>>, vector<32xbf16>,
        %parallel_loop3A_447 = arith.mulf %parallel_loop3A_435, %parallel_loop3A_446 : vector<32xbf16>
        %parallel_loop3A_448 = arith.constant 9 : i32
        %parallel_loop3A_449 = vector.broadcast %parallel_loop3A_448 : i32 to vector<16x1xi32>
        %parallel_loop3A_450 = vector.shape_cast %parallel_loop3A_449 : vector<16x1xi32> to vector<16xi32>
        %parallel_loop3A_451 = tpu.dynamic_gather %parallel_loop3A_216[%parallel_loop3A_450] in [0] : vector<16xf32>, vector<16xi32> -> vector<16xf32>
        %parallel_loop3A_452 = tpu.pack_subelements %parallel_loop3A_451, %parallel_loop3A_451 {pack_format = #tpu.pack_format<interleaved>, positions = array<i32: 0, 1>} : vector<16xf32>, vector<16xf32> -> vector<32xbf16>
        %parallel_loop3A_453 = arith.constant 16 : i32
        %parallel_loop3A_454 = arith.muli %parallel_loop3A_209, %parallel_loop3A_453 : i32
        %parallel_loop3A_455 = arith.constant 9 : i32
        %parallel_loop3A_456 = arith.addi %parallel_loop3A_454, %parallel_loop3A_455 : i32
        %parallel_loop3A_457 = arith.index_cast %parallel_loop3A_456 : i32 to index
        %parallel_loop3A_458 = arith.constant 0 : index
        %parallel_loop3A_459 = tpu.vector_load %arg11[%parallel_loop3A_457, %parallel_loop3A_458] {strides = array<i32>} : memref<512x64xbf16, #tpu.memory_space<vmem>>, vector<32xbf16>,
        %parallel_loop3A_460 = arith.mulf %parallel_loop3A_452, %parallel_loop3A_459 : vector<32xbf16>
        %parallel_loop3A_461 = arith.index_cast %parallel_loop3A_456 : i32 to index
        %parallel_loop3A_462 = arith.constant 32 : index
        %parallel_loop3A_463 = tpu.vector_load %arg11[%parallel_loop3A_461, %parallel_loop3A_462] {strides = array<i32>} : memref<512x64xbf16, #tpu.memory_space<vmem>>, vector<32xbf16>,
        %parallel_loop3A_464 = arith.mulf %parallel_loop3A_452, %parallel_loop3A_463 : vector<32xbf16>
        %parallel_loop3A_465 = arith.addf %parallel_loop3A_443, %parallel_loop3A_460 : vector<32xbf16>
        %parallel_loop3A_466 = arith.addf %parallel_loop3A_447, %parallel_loop3A_464 : vector<32xbf16>
        %parallel_loop3A_467 = arith.constant 10 : i32
        %parallel_loop3A_468 = vector.broadcast %parallel_loop3A_467 : i32 to vector<16x1xi32>
        %parallel_loop3A_469 = vector.shape_cast %parallel_loop3A_468 : vector<16x1xi32> to vector<16xi32>
        %parallel_loop3A_470 = tpu.dynamic_gather %parallel_loop3A_216[%parallel_loop3A_469] in [0] : vector<16xf32>, vector<16xi32> -> vector<16xf32>
        %parallel_loop3A_471 = tpu.pack_subelements %parallel_loop3A_470, %parallel_loop3A_470 {pack_format = #tpu.pack_format<interleaved>, positions = array<i32: 0, 1>} : vector<16xf32>, vector<16xf32> -> vector<32xbf16>
        %parallel_loop3A_472 = arith.constant 16 : i32
        %parallel_loop3A_473 = arith.muli %parallel_loop3A_209, %parallel_loop3A_472 : i32
        %parallel_loop3A_474 = arith.constant 10 : i32
        %parallel_loop3A_475 = arith.addi %parallel_loop3A_473, %parallel_loop3A_474 : i32
        %parallel_loop3A_476 = arith.index_cast %parallel_loop3A_475 : i32 to index
        %parallel_loop3A_477 = arith.constant 0 : index
        %parallel_loop3A_478 = tpu.vector_load %arg11[%parallel_loop3A_476, %parallel_loop3A_477] {strides = array<i32>} : memref<512x64xbf16, #tpu.memory_space<vmem>>, vector<32xbf16>,
        %parallel_loop3A_479 = arith.mulf %parallel_loop3A_471, %parallel_loop3A_478 : vector<32xbf16>
        %parallel_loop3A_480 = arith.index_cast %parallel_loop3A_475 : i32 to index
        %parallel_loop3A_481 = arith.constant 32 : index
        %parallel_loop3A_482 = tpu.vector_load %arg11[%parallel_loop3A_480, %parallel_loop3A_481] {strides = array<i32>} : memref<512x64xbf16, #tpu.memory_space<vmem>>, vector<32xbf16>,
        %parallel_loop3A_483 = arith.mulf %parallel_loop3A_471, %parallel_loop3A_482 : vector<32xbf16>
        %parallel_loop3A_484 = arith.addf %parallel_loop3A_465, %parallel_loop3A_479 : vector<32xbf16>
        %parallel_loop3A_485 = arith.addf %parallel_loop3A_466, %parallel_loop3A_483 : vector<32xbf16>
        %parallel_loop3A_486 = arith.constant 11 : i32
        %parallel_loop3A_487 = vector.broadcast %parallel_loop3A_486 : i32 to vector<16x1xi32>
        %parallel_loop3A_488 = vector.shape_cast %parallel_loop3A_487 : vector<16x1xi32> to vector<16xi32>
        %parallel_loop3A_489 = tpu.dynamic_gather %parallel_loop3A_216[%parallel_loop3A_488] in [0] : vector<16xf32>, vector<16xi32> -> vector<16xf32>
        %parallel_loop3A_490 = tpu.pack_subelements %parallel_loop3A_489, %parallel_loop3A_489 {pack_format = #tpu.pack_format<interleaved>, positions = array<i32: 0, 1>} : vector<16xf32>, vector<16xf32> -> vector<32xbf16>
        %parallel_loop3A_491 = arith.constant 16 : i32
        %parallel_loop3A_492 = arith.muli %parallel_loop3A_209, %parallel_loop3A_491 : i32
        %parallel_loop3A_493 = arith.constant 11 : i32
        %parallel_loop3A_494 = arith.addi %parallel_loop3A_492, %parallel_loop3A_493 : i32
        %parallel_loop3A_495 = arith.index_cast %parallel_loop3A_494 : i32 to index
        %parallel_loop3A_496 = arith.constant 0 : index
        %parallel_loop3A_497 = tpu.vector_load %arg11[%parallel_loop3A_495, %parallel_loop3A_496] {strides = array<i32>} : memref<512x64xbf16, #tpu.memory_space<vmem>>, vector<32xbf16>,
        %parallel_loop3A_498 = arith.mulf %parallel_loop3A_490, %parallel_loop3A_497 : vector<32xbf16>
        %parallel_loop3A_499 = arith.index_cast %parallel_loop3A_494 : i32 to index
        %parallel_loop3A_500 = arith.constant 32 : index
        %parallel_loop3A_501 = tpu.vector_load %arg11[%parallel_loop3A_499, %parallel_loop3A_500] {strides = array<i32>} : memref<512x64xbf16, #tpu.memory_space<vmem>>, vector<32xbf16>,
        %parallel_loop3A_502 = arith.mulf %parallel_loop3A_490, %parallel_loop3A_501 : vector<32xbf16>
        %parallel_loop3A_503 = arith.addf %parallel_loop3A_484, %parallel_loop3A_498 : vector<32xbf16>
        %parallel_loop3A_504 = arith.addf %parallel_loop3A_485, %parallel_loop3A_502 : vector<32xbf16>
        %parallel_loop3A_505 = tpu.unpack_subelements %parallel_loop3A_503, 0 {pack_format = #tpu.pack_format<interleaved>} : vector<32xbf16> -> vector<16xf32>
        %parallel_loop3A_506 = tpu.unpack_subelements %parallel_loop3A_503, 1 {pack_format = #tpu.pack_format<interleaved>} : vector<32xbf16> -> vector<16xf32>
        %parallel_loop3A_507 = tpu.unpack_subelements %parallel_loop3A_504, 0 {pack_format = #tpu.pack_format<interleaved>} : vector<32xbf16> -> vector<16xf32>
        %parallel_loop3A_508 = tpu.unpack_subelements %parallel_loop3A_504, 1 {pack_format = #tpu.pack_format<interleaved>} : vector<32xbf16> -> vector<16xf32>
        %parallel_loop3A_509 = arith.addf %parallel_loop3A_427, %parallel_loop3A_505 : vector<16xf32>
        %parallel_loop3A_510 = arith.addf %parallel_loop3A_428, %parallel_loop3A_506 : vector<16xf32>
        %parallel_loop3A_511 = arith.addf %parallel_loop3A_429, %parallel_loop3A_507 : vector<16xf32>
        %parallel_loop3A_512 = arith.addf %parallel_loop3A_430, %parallel_loop3A_508 : vector<16xf32>
        %parallel_loop3A_513 = arith.constant 12 : i32
        %parallel_loop3A_514 = vector.broadcast %parallel_loop3A_513 : i32 to vector<16x1xi32>
        %parallel_loop3A_515 = vector.shape_cast %parallel_loop3A_514 : vector<16x1xi32> to vector<16xi32>
        %parallel_loop3A_516 = tpu.dynamic_gather %parallel_loop3A_216[%parallel_loop3A_515] in [0] : vector<16xf32>, vector<16xi32> -> vector<16xf32>
        %parallel_loop3A_517 = tpu.pack_subelements %parallel_loop3A_516, %parallel_loop3A_516 {pack_format = #tpu.pack_format<interleaved>, positions = array<i32: 0, 1>} : vector<16xf32>, vector<16xf32> -> vector<32xbf16>
        %parallel_loop3A_518 = arith.constant 16 : i32
        %parallel_loop3A_519 = arith.muli %parallel_loop3A_209, %parallel_loop3A_518 : i32
        %parallel_loop3A_520 = arith.constant 12 : i32
        %parallel_loop3A_521 = arith.addi %parallel_loop3A_519, %parallel_loop3A_520 : i32
        %parallel_loop3A_522 = arith.index_cast %parallel_loop3A_521 : i32 to index
        %parallel_loop3A_523 = arith.constant 0 : index
        %parallel_loop3A_524 = tpu.vector_load %arg11[%parallel_loop3A_522, %parallel_loop3A_523] {strides = array<i32>} : memref<512x64xbf16, #tpu.memory_space<vmem>>, vector<32xbf16>,
        %parallel_loop3A_525 = arith.mulf %parallel_loop3A_517, %parallel_loop3A_524 : vector<32xbf16>
        %parallel_loop3A_526 = arith.index_cast %parallel_loop3A_521 : i32 to index
        %parallel_loop3A_527 = arith.constant 32 : index
        %parallel_loop3A_528 = tpu.vector_load %arg11[%parallel_loop3A_526, %parallel_loop3A_527] {strides = array<i32>} : memref<512x64xbf16, #tpu.memory_space<vmem>>, vector<32xbf16>,
        %parallel_loop3A_529 = arith.mulf %parallel_loop3A_517, %parallel_loop3A_528 : vector<32xbf16>
        %parallel_loop3A_530 = arith.constant 13 : i32
        %parallel_loop3A_531 = vector.broadcast %parallel_loop3A_530 : i32 to vector<16x1xi32>
        %parallel_loop3A_532 = vector.shape_cast %parallel_loop3A_531 : vector<16x1xi32> to vector<16xi32>
        %parallel_loop3A_533 = tpu.dynamic_gather %parallel_loop3A_216[%parallel_loop3A_532] in [0] : vector<16xf32>, vector<16xi32> -> vector<16xf32>
        %parallel_loop3A_534 = tpu.pack_subelements %parallel_loop3A_533, %parallel_loop3A_533 {pack_format = #tpu.pack_format<interleaved>, positions = array<i32: 0, 1>} : vector<16xf32>, vector<16xf32> -> vector<32xbf16>
        %parallel_loop3A_535 = arith.constant 16 : i32
        %parallel_loop3A_536 = arith.muli %parallel_loop3A_209, %parallel_loop3A_535 : i32
        %parallel_loop3A_537 = arith.constant 13 : i32
        %parallel_loop3A_538 = arith.addi %parallel_loop3A_536, %parallel_loop3A_537 : i32
        %parallel_loop3A_539 = arith.index_cast %parallel_loop3A_538 : i32 to index
        %parallel_loop3A_540 = arith.constant 0 : index
        %parallel_loop3A_541 = tpu.vector_load %arg11[%parallel_loop3A_539, %parallel_loop3A_540] {strides = array<i32>} : memref<512x64xbf16, #tpu.memory_space<vmem>>, vector<32xbf16>,
        %parallel_loop3A_542 = arith.mulf %parallel_loop3A_534, %parallel_loop3A_541 : vector<32xbf16>
        %parallel_loop3A_543 = arith.index_cast %parallel_loop3A_538 : i32 to index
        %parallel_loop3A_544 = arith.constant 32 : index
        %parallel_loop3A_545 = tpu.vector_load %arg11[%parallel_loop3A_543, %parallel_loop3A_544] {strides = array<i32>} : memref<512x64xbf16, #tpu.memory_space<vmem>>, vector<32xbf16>,
        %parallel_loop3A_546 = arith.mulf %parallel_loop3A_534, %parallel_loop3A_545 : vector<32xbf16>
        %parallel_loop3A_547 = arith.addf %parallel_loop3A_525, %parallel_loop3A_542 : vector<32xbf16>
        %parallel_loop3A_548 = arith.addf %parallel_loop3A_529, %parallel_loop3A_546 : vector<32xbf16>
        %parallel_loop3A_549 = arith.constant 14 : i32
        %parallel_loop3A_550 = vector.broadcast %parallel_loop3A_549 : i32 to vector<16x1xi32>
        %parallel_loop3A_551 = vector.shape_cast %parallel_loop3A_550 : vector<16x1xi32> to vector<16xi32>
        %parallel_loop3A_552 = tpu.dynamic_gather %parallel_loop3A_216[%parallel_loop3A_551] in [0] : vector<16xf32>, vector<16xi32> -> vector<16xf32>
        %parallel_loop3A_553 = tpu.pack_subelements %parallel_loop3A_552, %parallel_loop3A_552 {pack_format = #tpu.pack_format<interleaved>, positions = array<i32: 0, 1>} : vector<16xf32>, vector<16xf32> -> vector<32xbf16>
        %parallel_loop3A_554 = arith.constant 16 : i32
        %parallel_loop3A_555 = arith.muli %parallel_loop3A_209, %parallel_loop3A_554 : i32
        %parallel_loop3A_556 = arith.constant 14 : i32
        %parallel_loop3A_557 = arith.addi %parallel_loop3A_555, %parallel_loop3A_556 : i32
        %parallel_loop3A_558 = arith.index_cast %parallel_loop3A_557 : i32 to index
        %parallel_loop3A_559 = arith.constant 0 : index
        %parallel_loop3A_560 = tpu.vector_load %arg11[%parallel_loop3A_558, %parallel_loop3A_559] {strides = array<i32>} : memref<512x64xbf16, #tpu.memory_space<vmem>>, vector<32xbf16>,
        %parallel_loop3A_561 = arith.mulf %parallel_loop3A_553, %parallel_loop3A_560 : vector<32xbf16>
        %parallel_loop3A_562 = arith.index_cast %parallel_loop3A_557 : i32 to index
        %parallel_loop3A_563 = arith.constant 32 : index
        %parallel_loop3A_564 = tpu.vector_load %arg11[%parallel_loop3A_562, %parallel_loop3A_563] {strides = array<i32>} : memref<512x64xbf16, #tpu.memory_space<vmem>>, vector<32xbf16>,
        %parallel_loop3A_565 = arith.mulf %parallel_loop3A_553, %parallel_loop3A_564 : vector<32xbf16>
        %parallel_loop3A_566 = arith.addf %parallel_loop3A_547, %parallel_loop3A_561 : vector<32xbf16>
        %parallel_loop3A_567 = arith.addf %parallel_loop3A_548, %parallel_loop3A_565 : vector<32xbf16>
        %parallel_loop3A_568 = arith.constant 15 : i32
        %parallel_loop3A_569 = vector.broadcast %parallel_loop3A_568 : i32 to vector<16x1xi32>
        %parallel_loop3A_570 = vector.shape_cast %parallel_loop3A_569 : vector<16x1xi32> to vector<16xi32>
        %parallel_loop3A_571 = tpu.dynamic_gather %parallel_loop3A_216[%parallel_loop3A_570] in [0] : vector<16xf32>, vector<16xi32> -> vector<16xf32>
        %parallel_loop3A_572 = tpu.pack_subelements %parallel_loop3A_571, %parallel_loop3A_571 {pack_format = #tpu.pack_format<interleaved>, positions = array<i32: 0, 1>} : vector<16xf32>, vector<16xf32> -> vector<32xbf16>
        %parallel_loop3A_573 = arith.constant 16 : i32
        %parallel_loop3A_574 = arith.muli %parallel_loop3A_209, %parallel_loop3A_573 : i32
        %parallel_loop3A_575 = arith.constant 15 : i32
        %parallel_loop3A_576 = arith.addi %parallel_loop3A_574, %parallel_loop3A_575 : i32
        %parallel_loop3A_577 = arith.index_cast %parallel_loop3A_576 : i32 to index
        %parallel_loop3A_578 = arith.constant 0 : index
        %parallel_loop3A_579 = tpu.vector_load %arg11[%parallel_loop3A_577, %parallel_loop3A_578] {strides = array<i32>} : memref<512x64xbf16, #tpu.memory_space<vmem>>, vector<32xbf16>,
        %parallel_loop3A_580 = arith.mulf %parallel_loop3A_572, %parallel_loop3A_579 : vector<32xbf16>
        %parallel_loop3A_581 = arith.index_cast %parallel_loop3A_576 : i32 to index
        %parallel_loop3A_582 = arith.constant 32 : index
        %parallel_loop3A_583 = tpu.vector_load %arg11[%parallel_loop3A_581, %parallel_loop3A_582] {strides = array<i32>} : memref<512x64xbf16, #tpu.memory_space<vmem>>, vector<32xbf16>,
        %parallel_loop3A_584 = arith.mulf %parallel_loop3A_572, %parallel_loop3A_583 : vector<32xbf16>
        %parallel_loop3A_585 = arith.addf %parallel_loop3A_566, %parallel_loop3A_580 : vector<32xbf16>
        %parallel_loop3A_586 = arith.addf %parallel_loop3A_567, %parallel_loop3A_584 : vector<32xbf16>
        %parallel_loop3A_587 = tpu.unpack_subelements %parallel_loop3A_585, 0 {pack_format = #tpu.pack_format<interleaved>} : vector<32xbf16> -> vector<16xf32>
        %parallel_loop3A_588 = tpu.unpack_subelements %parallel_loop3A_585, 1 {pack_format = #tpu.pack_format<interleaved>} : vector<32xbf16> -> vector<16xf32>
        %parallel_loop3A_589 = tpu.unpack_subelements %parallel_loop3A_586, 0 {pack_format = #tpu.pack_format<interleaved>} : vector<32xbf16> -> vector<16xf32>
        %parallel_loop3A_590 = tpu.unpack_subelements %parallel_loop3A_586, 1 {pack_format = #tpu.pack_format<interleaved>} : vector<32xbf16> -> vector<16xf32>
        %parallel_loop3A_591 = arith.addf %parallel_loop3A_509, %parallel_loop3A_587 : vector<16xf32>
        %parallel_loop3A_592 = arith.addf %parallel_loop3A_510, %parallel_loop3A_588 : vector<16xf32>
        %parallel_loop3A_593 = arith.addf %parallel_loop3A_511, %parallel_loop3A_589 : vector<16xf32>
        %parallel_loop3A_594 = arith.addf %parallel_loop3A_512, %parallel_loop3A_590 : vector<16xf32>
        %parallel_loop3A_595 = vector.broadcast %parallel_loop3A_209 : i32 to vector<16xi32>
        tpu.vector_store_idx %arg13[%mul3A_5, %parallel_loop3A_595], %parallel_loop3A_591 : memref<64x32xf32, #tpu.memory_space<vmem>>[vector<16xi32>, vector<16xi32>], vector<16xf32>,
        tpu.vector_store_idx %arg13[%add3A_12, %parallel_loop3A_595], %parallel_loop3A_592 : memref<64x32xf32, #tpu.memory_space<vmem>>[vector<16xi32>, vector<16xi32>], vector<16xf32>,
        tpu.vector_store_idx %arg13[%add3A_15, %parallel_loop3A_595], %parallel_loop3A_593 : memref<64x32xf32, #tpu.memory_space<vmem>>[vector<16xi32>, vector<16xi32>], vector<16xf32>,
        tpu.vector_store_idx %arg13[%add3A_18, %parallel_loop3A_595], %parallel_loop3A_594 : memref<64x32xf32, #tpu.memory_space<vmem>>[vector<16xi32>, vector<16xi32>], vector<16xf32>,
      } {sc.loop_unroll_factor = 8 : i64, sc.parallel_access}
      %mul3A_202 = arith.constant 32 : i32
      %mul3A_203 = arith.muli %add3A_138, %mul3A_202 : i32
      %add3A_204 = arith.addi %mul3A_2, %mul3A_203 : i32
      %dma_start3A_205 = arith.constant 0 : i32
      %dma_start3A_206 = tpu.memref_slice %arg6[%dma_start3A_205, %add3A_204] : memref<64x16384xf32, #tpu.memory_space<hbm>> -> memref<64x32xf32, #tpu.memory_space<hbm>>
      %dma_start3A_207 = arith.constant 0 : i32
      %dma_start3A_208 = tpu.memref_slice %arg6[%dma_start3A_207, %add3A_204] : memref<64x16384xf32, #tpu.memory_space<hbm>> -> memref<64x32xf32, #tpu.memory_space<hbm>>
      tpu.enqueue_dma source(%arg13 : memref<64x32xf32, #tpu.memory_space<vmem>>) target(%dma_start3A_208 : memref<64x32xf32, #tpu.memory_space<hbm>>) target_semaphore(%arg17 : memref<!tpu.dma_semaphore, #tpu.memory_space<semaphore_mem>>)
    }
    %scan3A_53 = arith.constant 8 : i32
    %dma_wait3A = arith.constant 0 : i32
    %dma_wait3A_54 = arith.constant 0 : i32
    %dma_wait3A_55 = tpu.memref_slice %arg6[%dma_wait3A, %dma_wait3A_54] : memref<64x16384xf32, #tpu.memory_space<hbm>> -> memref<64x32xf32, #tpu.memory_space<hbm>>
    %dma_wait3A_56 = arith.constant 0 : i32
    %dma_wait3A_57 = arith.constant 0 : i32
    %dma_wait3A_58 = tpu.memref_slice %arg6[%dma_wait3A_56, %dma_wait3A_57] : memref<64x16384xf32, #tpu.memory_space<hbm>> -> memref<64x32xf32, #tpu.memory_space<hbm>>
    tpu.wait_dma2 semaphore(%arg16 : memref<!tpu.dma_semaphore, #tpu.memory_space<semaphore_mem>>) src(%arg12 : memref<64x32xf32, #tpu.memory_space<vmem>>) dst(%dma_wait3A_58 : memref<64x32xf32, #tpu.memory_space<hbm>>)
    %dma_wait3A_59 = arith.constant 0 : i32
    %dma_wait3A_60 = arith.constant 0 : i32
    %dma_wait3A_61 = tpu.memref_slice %arg6[%dma_wait3A_59, %dma_wait3A_60] : memref<64x16384xf32, #tpu.memory_space<hbm>> -> memref<64x32xf32, #tpu.memory_space<hbm>>
    %dma_wait3A_62 = arith.constant 0 : i32
    %dma_wait3A_63 = arith.constant 0 : i32
    %dma_wait3A_64 = tpu.memref_slice %arg6[%dma_wait3A_62, %dma_wait3A_63] : memref<64x16384xf32, #tpu.memory_space<hbm>> -> memref<64x32xf32, #tpu.memory_space<hbm>>
    tpu.wait_dma2 semaphore(%arg17 : memref<!tpu.dma_semaphore, #tpu.memory_space<semaphore_mem>>) src(%arg13 : memref<64x32xf32, #tpu.memory_space<vmem>>) dst(%dma_wait3A_64 : memref<64x32xf32, #tpu.memory_space<hbm>>)
    return
  }
}

</mosaic_0001>

<sc_bundles>
// kernel: kernel.3.cloned.1.call-start
scs
__scs_entry_jumppad:
0x0: {  	(pc) =	sbr.rel $0x88, $3  }
0x1: {  	(tag) =	ssettag $0x0;
	lr =	simm.s32 $0x1  }
0x2: {  	[smem:$0x3F9D] =	sst lr;
	_ =	strace $0xD0000000  }
0x3: {  	_ = 	snop  }
0x4: {  	_ = 	snop  }
0x5: {  	_ = 	snop  }
0x6: {  	_ = 	snop  }
0x7: {  	_ = 	snop  }
__scs_overlays_trampoline_lowered:
0x8: {  	[smem:$0x3FAC] =	sst s0  }
0x9: {  	[smem:$0x3FAD] =	sst s1  }
0xa: {  	[smem:$0x3FAE] =	sst s2  }
0xb: {  	[smem:$0x3FAF] =	sst s3  }
0xc: {  	[smem:$0x3FB0] =	sst s4  }
0xd: {  	[smem:$0x3FB1] =	sst s5  }
0xe: {  	[smem:$0x3FB2] =	sst s6  }
0xf: {  	[smem:$0x3FB3] =	sst s7  }
0x10: {  	[smem:$0x3FB4] =	sst s8  }
0x11: {  	[smem:$0x3FB5] =	sst s9;
	s0 =	simm.s32 @!p0 $0x0  }
0x12: {  	s1 =	sld [smem:$0x3F9B];
	s0 =	simm.s32 @p0 $0x1  }
0x13: {  	[smem:$0x3FB6] =	sst s0;
	s0 =	simm.s32 @!p1 $0x0  }
0x14: {  	s2 =	sld [smem:$0x3F9A];
	s0 =	simm.s32 @p1 $0x1  }
0x15: {  	[smem:$0x3FB7] =	sst s0;
	s0 =	simm.s32 @!p2 $0x0  }
0x16: {  	s3 =	sld [smem:$0x3FDB];
	s0 =	simm.s32 @p2 $0x1  }
0x17: {  	s4 =	simm.s32 $0x1BF5;
	[smem:$0x3FB9] =	sst s0  }
0x18: {  	s0 =	sld [smem:$0x3F9C];
	_ =	swait.ge [sflag:s4], $0x0  }
0x19: {  	s7 =	sld [smem:$0x3F9D]  }
0x1a: {  	s8 =	sadd.s32 $0xFFFFE003, lr  }
0x1b: {  	s9 =	sadd.s32 $0xFFFFFEF7, lr;
	s5 =	simm.s32 $0xFFFFFFFF;
	p2 =	slt.u32 s8, $0xFFFFF086  }
0x1c: {  	p1 =	slt.u32 s9, $0xF7A;
	s5 =	simm.s32 @!p2 $0x0  }
0x1d: {  	s5 =	simm.s32 @p1 $0x1;
	p0 =	seq.s32 s7, s2  }
0x1e: {  	s7 =	smul.u32 @!p0 $0xF7A, s2;
	p2 =	seq.s32 @!p0 s5, $0x0  }
0x1f: {  	s9 =	smul.u32 $0xF7A, s1;
	s8 =	simm.s32 @!p0 $0x1BF5;
	p2 =	por !p2, p0  }
0x20: {  	[sflag:s8] =	ssyncset.s32 @!p0 $0xFFFFF086;
	s6 =	sadd.s32 @!p0 s3, s7;
	s7 =	simm.s32 @!p0 $0x108  }
0x21: {  	s3 =	sadd.s32 s3, s9;
	s6 =	sadd.s32 @!p0 $0x88, s6;
	s7 =	simm.s32 @p2 $0x1082  }
0x22: {  	[simem:s7], [sflag:s8] =	dma.local @!p0 [hbm:s6], $0xF7A  }
0x23: {  	s9 =	sor.u32 $0xD0000000, s2;
	s6 =	simm.s32 $0x108;
	_ =	swait.ge @!p0 [sflag:s8], $0x0  }
0x24: {  	s3 =	sadd.s32 $0x88, s3;
	s6 =	simm.s32 @!p1 $0x1082;
	[sflag:s4] =	ssyncset.s32 $0xFFFFF086  }
0x25: {  	[simem:s6], [sflag:s4] =	dma.local [hbm:s3], $0xF7A  }
0x26: {  	[smem:$0x3F9D] =	sst s1;
	(tag) =	ssettag s2;
	_ =	strace s9  }
0x27: {  	s1 =	sld [smem:$0x3FAD]  }
0x28: {  	s2 =	sld [smem:$0x3FAE]  }
0x29: {  	s4 =	sld [smem:$0x3FB0]  }
0x2a: {  	p0 =	seq.s32 s5, $0x0;
	s5 =	sld [smem:$0x3FB1]  }
0x2b: {  	s6 =	sld [smem:$0x3FB2]  }
0x2c: {  	s7 =	sld [smem:$0x3FB3]  }
0x2d: {  	s3 =	simm.s32 $0x108;
	s8 =	sld [smem:$0x3FB4]  }
0x2e: {  	s3 =	simm.s32 @!p0 $0x1082;
	s9 =	sld [smem:$0x3FB5]  }
0x2f: {  	lr =	sadd.s32 s0, s3;
	s0 =	sld [smem:$0x3FAC]  }
0x30: {  	s3 =	sld [smem:$0x3FAF]  }
0x31: {  	[smem:$0x3FB8] =	sst s10  }
0x32: {  	s10 =	sld [smem:$0x3FB6];
	_ =	sdelay $0x3  }
0x33: {  	p0 =	seq.s32 s10, $0x1;
	s10 =	sld [smem:$0x3FB8];
	_ =	sdelay $0x3  }
0x34: {  	[smem:$0x3FB8] =	sst s10  }
0x35: {  	s10 =	sld [smem:$0x3FB7];
	_ =	sdelay $0x3  }
0x36: {  	p1 =	seq.s32 s10, $0x1;
	s10 =	sld [smem:$0x3FB8];
	_ =	sdelay $0x3  }
0x37: {  	[smem:$0x3FB8] =	sst s10  }
0x38: {  	s10 =	sld [smem:$0x3FB9]  }
0x39: {  	_ = 	snop;
	(pc) =	sbr.ind lr, $3  }
0x3a: {  	_ = 	snop  }
0x3b: {  	_ = 	snop  }
0x3c: {  	p2 =	seq.s32 s10, $0x1;
	s10 =	sld [smem:$0x3FB8]  }
0x3d: {  	_ =	shalt  }
0x3e: {  	_ =	shalt  }
0x3f: {  	_ =	shalt  }
0x40: {  	_ =	shalt  }
0x41: {  	_ =	shalt  }
0x42: {  	_ =	shalt  }
0x43: {  	_ =	shalt  }
0x44: {  	_ =	shalt  }
0x45: {  	_ =	shalt  }
0x46: {  	_ =	shalt  }
0x47: {  	_ =	shalt  }
0x48: {  	_ =	shalt  }
0x49: {  	_ =	shalt  }
0x4a: {  	_ =	shalt  }
0x4b: {  	_ =	shalt  }
0x4c: {  	_ =	shalt  }
0x4d: {  	_ =	shalt  }
0x4e: {  	_ =	shalt  }
0x4f: {  	_ =	shalt  }
0x50: {  	_ =	shalt  }
0x51: {  	_ =	shalt  }
0x52: {  	_ =	shalt  }
0x53: {  	_ =	shalt  }
0x54: {  	_ =	shalt  }
0x55: {  	_ =	shalt  }
0x56: {  	_ =	shalt  }
0x57: {  	_ =	shalt  }
0x58: {  	_ =	shalt  }
0x59: {  	_ =	shalt  }
0x5a: {  	_ =	shalt  }
0x5b: {  	_ =	shalt  }
0x5c: {  	_ =	shalt  }
0x5d: {  	_ =	shalt  }
0x5e: {  	_ =	shalt  }
0x5f: {  	_ =	shalt  }
0x60: {  	_ =	shalt  }
0x61: {  	_ =	shalt  }
0x62: {  	_ =	shalt  }
0x63: {  	_ =	shalt  }
0x64: {  	_ =	shalt  }
0x65: {  	_ =	shalt  }
0x66: {  	_ =	shalt  }
0x67: {  	_ =	shalt  }
0x68: {  	_ =	shalt  }
0x69: {  	_ =	shalt  }
0x6a: {  	_ =	shalt  }
0x6b: {  	_ =	shalt  }
0x6c: {  	_ =	shalt  }
0x6d: {  	_ =	shalt  }
0x6e: {  	_ =	shalt  }
0x6f: {  	_ =	shalt  }
0x70: {  	_ =	shalt  }
0x71: {  	_ =	shalt  }
0x72: {  	_ =	shalt  }
0x73: {  	_ =	shalt  }
0x74: {  	_ =	shalt  }
0x75: {  	_ =	shalt  }
0x76: {  	_ =	shalt  }
0x77: {  	_ =	shalt  }
0x78: {  	_ =	shalt  }
0x79: {  	_ =	shalt  }
0x7a: {  	_ =	shalt  }
0x7b: {  	_ =	shalt  }
0x7c: {  	_ =	shalt  }
0x7d: {  	_ =	shalt  }
0x7e: {  	_ =	shalt  }
0x7f: {  	_ =	shalt  }
0x80: {  	_ =	shalt  }
0x81: {  	_ =	shalt  }
0x82: {  	_ =	shalt  }
0x83: {  	_ =	shalt  }
0x84: {  	_ =	shalt  }
0x85: {  	_ =	shalt  }
0x86: {  	_ =	shalt  }
0x87: {  	_ =	shalt  }
.Lfunc_end0:
.L_simem_size_0:
called_computation_lowered:
.L_overlay_start_0:
0x88: {  	s2 =	sld [smem:$0x3FD9]  }
0x89: {  	s3 =	sld [smem:$0x3FFE];
	_ =	sdelay $0x1  }
0x8a: {  	s1 =	srdreg.scid  }
0x8b: {  	s0 =	sand.u32 $0x1, s1  }
0x8c: {  	s17 =	sshll.u32 s0, $0xA;
	s2 =	sadd.s32 s3, s2  }
0x8d: {  	s2 =	sadd.s32 s2, s17  }
0x8e: {  	[smem:$0x3FC4] =	sst s2  }
0x8f: {  	_ = 	snop  }
0x90: {  	s2 =	sld [smem:$0x3FC8]  }
0x91: {  	s18 =	sld [smem:$0x3FC7]  }
0x92: {  	s4 =	sld [smem:$0x3FC6]  }
0x93: {  	s5 =	sld [smem:$0x3FD0];
	(tm) =	ssettm $0x1  }
0x94: {  	s6 =	sld [smem:$0x3FFB];
	_ =	sdelay $0x3  }
0x95: {  	_ =	strace s6  }
0x96: {  	s6 =	sld [smem:$0x3FFC];
	_ =	sdelay $0x3  }
0x97: {  	_ =	strace s6  }
0x98: {  	s6 =	sld [smem:$0x3FFD];
	_ =	sdelay $0x3  }
0x99: {  	_ =	strace s6  }
0x9a: {  	_ =	strace $0x8FFFFFFF  }
0x9b: {  	s19 =	sld [smem:$0x3FDB];
	_ =	sdelay $0x1  }
0x9c: {  	s7 =	simm.s32 $_scs_section_size  }
0x9d: {  	s8 =	simm.s32 $_size__tile_overlayer_lowered;
	s9 =	simm.s32 $_tile_overlayer_lowered  }
0x9e: {  	s22 =	simm.s32 $0x1BFF;
	s21 =	sshll.u32 s9, $0x1;
	s6 =	sadd.s32 s7, s19  }
0x9f: {  	s10 =	simm.s32 $0x0;
	s20 =	sshll.u32 s8, $0x1;
	s8 =	sadd.s32 s21, s6  }
0xa0: {  	[timem:s10], [sflag:s22] =	dma.local [hbm:s8], s20  }
0xa1: {  	_ =	swait.ge [sflag:s22], s20  }
0xa2: {  	s7 =	ssub.s32 $0x0, s20;
	[sflag:s22] =	ssyncset.done $0x0  }
0xa3: {  	[sflag:s22] =	ssyncadd.s32 s7;
	_ =	sdelay $0x1  }
0xa4: {  	s23 =	simm.s32 $0x1B8B  }
0xa5: {  	_ =	swait.ge [sflag:s23], $0x1  }
0xa6: {  	[sflag:s23] =	ssyncset.done $0x0  }
0xa7: {  	s25 =	simm.s32 $0x1B8E;
	s24 =	sld [smem:$0x3FFE];
	[sflag:s23] =	ssyncadd.s32 $0xFFFFFFFF  }
0xa8: {  	s26 =	simm.s32 $execute0_lowered;
	[smem:$0x3FD2] =	sst s25  }
0xa9: {  	s8 =	sshll.u32 s26, $0x1;
	_ =	strace $0x80000046;
	[dreg:$0x1] =	wrdreg $0xFFFFFFFF  }
0xaa: {  	s28 =	simm.s32 $_size_execute0_lowered;
	s6 =	sadd.s32 s6, s8;
	[dreg:$0x0] =	wrdreg $0x0  }
0xab: {  	s8 =	sshll.u32 s28, $0x1;
	[dreg:$0x2] =	wrdreg s6  }
0xac: {  	[dreg:$0x3] =	wrdreg s8  }
0xad: {  	[dreg:$0x4] =	wrdreg $0xC0  }
0xae: {  	_ =	task [dreg:s10], $0x5FFFF  }
0xaf: {  	[dreg:$0x1] =	wrdreg $0xFFFFFFFF  }
0xb0: {  	[dreg:$0x0] =	wrdreg $0x60  }
0xb1: {  	[dreg:$0x2] =	wrdreg s5  }
0xb2: {  	[dreg:$0x3] =	wrdreg s4  }
0xb3: {  	[dreg:$0x4] =	wrdreg s2  }
0xb4: {  	[dreg:$0x5] =	wrdreg s18  }
0xb5: {  	[dreg:$0x6] =	wrdreg s24  }
0xb6: {  	[dreg:$0x7] =	wrdreg $0x9  }
0xb7: {  	_ =	task.clear_ibuf [dreg:s10], $0x8FFFF;
	_ =	strace $0x90000046  }
0xb8: {  	s29 =	simm.s32 $0x9;
	_ =	strace $0x80000048  }
0xb9: {  	_ =	swait.ge [sflag:s29], $0x1  }
0xba: {  	[sflag:s29] =	ssyncadd.s32 $0xFFFFFFFF  }
0xbb: {  	_ =	strace $0x90000048  }
0xbc: {  	_ =	sfence  }
0xbd: {  	s30 =	sld [smem:$0x0];
	_ =	sdelay $0x2  }
0xbe: {  	s31 =	sshll.u32 s1, $0xD;
	s1 =	sshrl.u32 s1, $0x2  }
0xbf: {  	s3 =	sand.u32 $0x4000, s31;
	s1 =	sadd.s32 s1, s30  }
0xc0: {  	s0 =	sor.u32 s3, s0;
	s1 =	sshll.u32 s1, $0x11  }
0xc1: {  	s0 =	sor.u32 s1, s0  }
0xc2: {  	s0 =	sadd.s32 $0x8F2B, s0  }
0xc3: {  	[sflag:s0] =	ssyncadd.remote.s32 $0x1  }
0xc4: {  	_ =	sfence.sel $0xFFFF  }
0xc5: {  	[dreg:$0x0] =	wrdreg $0xFFFFFFFF;
	(pc) =	sbr.abs _section_cstart, $3  }
0xc6: {  	[dreg:$0x1] =	wrdreg $0xFFFFFFFF  }
0xc7: {  	_ =	task.clear_ibuf [dreg:s10], $0x2FFFF;
	_ =	strace $0x9FFFFFFF  }
0xc8: {  	(tm) =	ssettm $0x7FFFFFFF  }
0xc9: {  	_ =	shalt  }
tec
execute0_lowered:
.L_overlay_start_1:
0x0: {  	(tag) =	ssettag $0x1  }
0x1: {  	s0 =	rddreg [dreg:$0x0]  }
0x2: {  	s1 =	rddreg [dreg:$0x1]  }
0x3: {  	s3 =	rddreg [dreg:$0x2];
	v13 =	vlaneseq.u32  }
0x4: {  	s6 =	rddreg [dreg:$0x3];
	s2 =	simm.s32 $0x0;
	v36 =	vmul.u32 $0x40, v13  }
0x5: {  	[smem:$0x7FF] =	sst s2  }
0x6: {  	s4 =	rddreg [dreg:$0x4];
	_ =	strace $0x80000047;
	v0 =	vor.u32 $0x402, v36;
	[tilespmem:$0x1FE70] =	vst v36  }
0x7: {  	v37 =	vor.u32 $0x20, v36;
	[tilespmem:$0x1FE00] =	vst v0  }
0x8: {  	v38 =	vor.u32 $0x400, v36;
	[tilespmem:$0x1FE80] =	vst v37  }
0x9: {  	v39 =	vor.u32 $0x420, v36;
	[tilespmem:$0x1FE90] =	vst v38  }
0xa: {  	v40 =	vor.u32 $0x1, v36;
	[tilespmem:$0x1FEA0] =	vst v39  }
0xb: {  	v41 =	vor.u32 $0x21, v36;
	[tilespmem:$0x1FEB0] =	vst v40  }
0xc: {  	v42 =	vor.u32 $0x401, v36;
	[tilespmem:$0x1FEC0] =	vst v41  }
0xd: {  	v49 =	vor.u32 $0x421, v36;
	[tilespmem:$0x1FED0] =	vst v42  }
0xe: {  	v62 =	vor.u32 $0x422, v36;
	[tilespmem:$0x1FEE0] =	vst v49  }
0xf: {  	v59 =	vor.u32 $0x423, v36;
	[tilespmem:$0x1FEF0] =	vst v62  }
0x10: {  	v60 =	vor.u32 $0x4, v36;
	[tilespmem:$0x1FF00] =	vst v59  }
0x11: {  	v54 =	vor.u32 $0x24, v36;
	[tilespmem:$0x1FF10] =	vst v60  }
0x12: {  	v52 =	vor.u32 $0x404, v36;
	[tilespmem:$0x1FF20] =	vst v54  }
0x13: {  	v50 =	vor.u32 $0x405, v36;
	[tilespmem:$0x1FF30] =	vst v52  }
0x14: {  	v51 =	vor.u32 $0x425, v36;
	[tilespmem:$0x1FF40] =	vst v50  }
0x15: {  	v43 =	vor.u32 $0x6, v36;
	[tilespmem:$0x1FF50] =	vst v51  }
0x16: {  	v44 =	vor.u32 $0x26, v36;
	[tilespmem:$0x1FF60] =	vst v43  }
0x17: {  	v45 =	vor.u32 $0x406, v36;
	[tilespmem:$0x1FF70] =	vst v44  }
0x18: {  	v35 =	vor.u32 $0x426, v36;
	[tilespmem:$0x1FF80] =	vst v45  }
0x19: {  	s5 =	srdreg.scid;
	s8 =	stileid.u32;
	s10 =	simm.s32 $0x5;
	v32 =	vor.u32 $0x7, v36;
	[tilespmem:$0x1FF90] =	vst v35  }
0x1a: {  	s12 =	simm.s32 $0x4000;
	s13 =	simm.s32 $0x80;
	s14 =	simm.s32 $0x4200;
	v33 =	vor.u32 $0x27, v36;
	[tilespmem:$0x1FFA0] =	vst v32  }
0x1b: {  	s15 =	simm.s32 $0x5200;
	s17 =	simm.s32 $0x6200;
	s19 =	simm.s32 $0x7200;
	v30 =	vor.u32 $0x407, v36;
	[tilespmem:$0x1FFB0] =	vst v33  }
0x1c: {  	s20 =	simm.s32 $0x1;
	s21 =	simm.s32 $0x8200;
	s22 =	simm.s32 $0x9200;
	v28 =	vor.u32 $0x427, v36;
	[tilespmem:$0x1FFC0] =	vst v30  }
0x1d: {  	v63 =	vimm.s32 $0x0;
	s28 =	simm.s32 $0x2;
	s29 =	simm.s32 $0xCA00;
	s30 =	simm.s32 $0x3;
	v55 =	vor.u32 $0x2, v36;
	[tilespmem:$0x1FFD0] =	vst v28  }
0x1e: {  	v1 =	vimm.s32 $0x1;
	v3 =	vimm.s32 $0x2;
	s31 =	simm.s32 $0x4;
	s5 =	sand.u32 $0x1, s5;
	s8 =	sshll.u32 s8, $0x1;
	v57 =	vor.u32 $0x22, v36;
	[tilespmem:$0x1FFE0] =	vst v55  }
0x1f: {  	v2 =	vimm.s32 $0x3;
	v4 =	vimm.s32 $0x4;
	s4 =	sadd.s32 $0x400, s4;
	s7 =	ssub.s32 $0x2, s5;
	s8 =	sor.u32 s5, s8;
	v0 =	vor.u32 $0x3, v36;
	[tilespmem:$0x1FFF0] =	vst v57  }
0x20: {  	v5 =	vimm.s32 $0x5;
	v6 =	vimm.s32 $0x6;
	s9 =	sshrl.u32 s7, $0x1;
	s5 =	sshll.u32 s8, $0x9;
	s23 =	sshll.u32 s8, $0xA;
	[tilespmem:$0x1FE10] =	vst v0;
	v0 =	vor.u32 $0x23, v36  }
0x21: {  	v7 =	vimm.s32 $0x7;
	v8 =	vimm.s32 $0x8;
	s25 =	sshll.u32 s8, $0x6;
	s7 =	ssub.s32 s7, s9;
	s1 =	sadd.s32 s1, s23;
	[tilespmem:$0x1FE20] =	vst v0;
	v0 =	vor.u32 $0x403, v36  }
0x22: {  	v9 =	vimm.s32 $0x9;
	v10 =	vimm.s32 $0xA;
	s24 =	sadd.s32 s3, s23;
	s23 =	simm.s32 $0xA200;
	[dreg:$0x6] =	wrdreg s1;
	[tilespmem:$0x1FE30] =	vst v0;
	v0 =	vor.u32 $0x424, v36  }
0x23: {  	v11 =	vimm.s32 $0xB;
	v12 =	vimm.s32 $0xC;
	[dreg:$0x7] =	wrdreg s24;
	s1 =	sadd.s32 s6, s25;
	s26 =	smax.u32 s7, $0x1;
	[tilespmem:$0x1FE40] =	vst v0;
	v0 =	vor.u32 $0x5, v36  }
0x24: {  	v14 =	vimm.s32 $0xD;
	vm0 =	vcmask $0x300;
	s24 =	simm.s32 $0xB200;
	s25 =	simm.s32 $0xC200;
	[dreg:$0x8] =	wrdreg s1;
	[tilespmem:$0x1FE50] =	vst v0;
	v0 =	vor.u32 $0x25, v36  }
0x25: {  	v15 =	vimm.s32 $0xE;
	v16 =	vimm.s32 $0xF;
	v17 =	vsel vm0, $0x3, v63;
	[dreg:$0x9] =	wrdreg s26;
	s26 =	simm.s32 $0x20;
	s1 =	simm.s32 $0x0;
	[tilespmem:$0x1FE60] =	vst v0  }
.LBB2_1:
0x26: {  	s3 =	rddreg [dreg:$0x6]  }
0x27: {  	[tilespmem:s2], [sflag:$0x5] =	stream.linear.gather [hbm4b:s3+s2], $0x2000, $0x38;
	[tilespmem:$0xD200] =	vst v63  }
0x28: {  	_ =	swait.ge [sflag:s10], $0x2000  }
0x29: {  	[sflag:s10] =	ssyncset.done $0x0  }
0x2a: {  	s6 =	simm.s32 $0x2000;
	s9 =	rddreg [dreg:$0x7];
	[sflag:s10] =	ssyncadd.s32 $0xFFFFE000  }
0x2b: {  	[tilespmem:s6], [sflag:$0x5] =	stream.linear.gather [hbm4b:s9+s2], $0x2000, $0x38;
	[tilespmem:$0xD200] =	vst v63  }
0x2c: {  	_ =	swait.ge [sflag:s10], $0x2000  }
0x2d: {  	[sflag:s10] =	ssyncset.done $0x0  }
0x2e: {  	s11 =	rddreg [dreg:$0x8];
	[sflag:s10] =	ssyncadd.s32 $0xFFFFE000  }
0x2f: {  	[tilespmem:s12], [sflag:$0x5] =	stream.linear.gather [hbm4b:s11+s2], $0x200, $0x38;
	[tilespmem:$0xD200] =	vst v63  }
0x30: {  	_ =	swait.ge [sflag:s10], $0x200  }
0x31: {  	[sflag:s10] =	ssyncset.done $0x0  }
0x32: {  	[sflag:s10] =	ssyncadd.s32 $0xFFFFFE00  }
0x33: {  	[tilespmem:s14], [sflag:$0x1] =	stream.indirect.gather [hbm4b:s0+s13], $0x20, s2, s13, $0xb8;
	[tilespmem:$0xD200] =	vst v63  }
0x34: {  	_ = 	snop  }
0x35: {  	[tilespmem:s15], [sflag:$0x1] =	stream.indirect.gather [hbm4b:s0+s13], $0x20, s13, s13, $0xb8;
	[tilespmem:$0xD200] =	vst v63  }
0x36: {  	s16 =	simm.s32 $0x100  }
0x37: {  	[tilespmem:s17], [sflag:$0x1] =	stream.indirect.gather [hbm4b:s0+s13], $0x20, s16, s13, $0xb8;
	[tilespmem:$0xD200] =	vst v63  }
0x38: {  	s18 =	simm.s32 $0x180;
	s3 =	simm.s32 $0x0  }
0x39: {  	[tilespmem:s19], [sflag:$0x1] =	stream.indirect.gather [hbm4b:s0+s13], $0x20, s18, s13, $0xb8;
	[tilespmem:$0xD200] =	vst v63  }
.LBB2_2:
0x3a: {  	_ =	swait.ge [sflag:s20], $0x1000  }
0x3b: {  	[sflag:s20] =	ssyncset.done $0x0  }
0x3c: {  	[sflag:s20] =	ssyncadd.s32 $0xFFFFF000  }
0x3d: {  	_ =	swait.ge [sflag:s20], $0x1000  }
0x3e: {  	[sflag:s20] =	ssyncset.done $0x0  }
0x3f: {  	[sflag:s20] =	ssyncadd.s32 $0xFFFFF000  }
0x40: {  	_ =	swait.ge [sflag:s20], $0x1000  }
0x41: {  	[sflag:s20] =	ssyncset.done $0x0  }
0x42: {  	[sflag:s20] =	ssyncadd.s32 $0xFFFFF000  }
0x43: {  	_ =	swait.ge [sflag:s20], $0x1000  }
0x44: {  	p0 =	seq.s32 s3, $0x0;
	[sflag:s20] =	ssyncset.done $0x0  }
0x45: {  	s6 =	sshll.u32 s3, $0x1;
	s7 =	simm.s32 @!p0 $0x3;
	[sflag:s20] =	ssyncadd.s32 $0xFFFFF000  }
0x46: {  	s11 =	sor.u32 $0x1, s6;
	_ =	swait.ge @!p0 [sflag:s7], $0x800  }
0x47: {  	s6 =	sshll.u32 s11, $0x9;
	[sflag:s7] =	ssyncset.done @!p0 $0x0  }
0x48: {  	s6 =	sand.u32 $0x3FFFFE00, s6;
	[sflag:s7] =	ssyncadd.s32 @!p0 $0xFFFFF800  }
0x49: {  	[tilespmem:s21], [sflag:$0x2] =	stream.indirect.gather [hbm4b:s0+s13], $0x20, s6, s13, $0xb8;
	[tilespmem:$0xD200] =	vst v63  }
0x4a: {  	s16 =	sshll.u32 s3, $0x6;
	s18 =	sor.u32 $0x80, s6  }
0x4b: {  	[tilespmem:s22], [sflag:$0x2] =	stream.indirect.gather [hbm4b:s0+s13], $0x20, s18, s13, $0xb8;
	[tilespmem:$0xD200] =	vst v63  }
0x4c: {  	s9 =	sadd.s32 $0x4000, s16;
	s8 =	sor.u32 $0x100, s6  }
0x4d: {  	v0 =	vmov s9;
	[tilespmem:s23], [sflag:$0x2] =	stream.indirect.gather [hbm4b:s0+s13], $0x20, s8, s13, $0xb8;
	[tilespmem:$0xD200] =	vst v63  }
0x4e: {  	[tilespmem:$0x1FDF0] =	vst v0;
	s6 =	sor.u32 $0x180, s6;
	s18 =	simm.s32 $0x0  }
0x4f: {  	[tilespmem:s24], [sflag:$0x2] =	stream.indirect.gather [hbm4b:s0+s13], $0x20, s6, s13, $0xb8;
	[tilespmem:$0xD200] =	vst v63  }
.LBB2_3:
0x50: {  	s6 =	sadd.s32 s16, s18  }
0x51: {  	s6 =	sshll.u32 s6, $0x4  }
0x52: {  	s7 =	sshll.u32 s18, $0x9;
	v0 =	vld [tilespmem:$0x1FDF0];
	s6 =	sand.u32 $0x3FFFFFF0, s6  }
0x53: {  	v13 =	vld [tilespmem:s6+$0x2000];
	s6 =	sand.u32 $0x3FFFFE00, s7  }
0x54: {  	v18 =	vld [tilespmem:s6+$0x4200]  }
0x55: {  	v19 =	vld [tilespmem:s6+$0x4210]  }
0x56: {  	v20 =	vld [tilespmem:s6+$0x4220]  }
0x57: {  	v22 =	vld [tilespmem:s6+$0x4230]  }
0x58: {  	v24 =	vld [tilespmem:s6+$0x4240]  }
0x59: {  	v25 =	vld [tilespmem:s6+$0x4250];
	v21 =	vperm.xlane v13, v63  }
0x5a: {  	v27 =	vld [tilespmem:s6+$0x4260];
	v23 =	vperm.xlane v13, v1;
	v26 =	vperm.xlane v13, v3  }
0x5b: {  	v31 =	vld [tilespmem:s6+$0x4270];
	v30 =	vperm.xlane v13, v2;
	v47 =	vperm.xlane v13, v4  }
0x5c: {  	v46 =	vld [tilespmem:s6+$0x42A0];
	v51 =	vperm.xlane v13, v5;
	v56 =	vperm.xlane v13, v7;
	v21 =	vpack.i.f32.bf16 v21, v21  }
0x5d: {  	v58 =	vld [tilespmem:s6+$0x42F0];
	v23 =	vpack.i.f32.bf16 v23, v23;
	v34 =	vpack.i.f32.bf16 v30, v30;
	v30 =	vperm.xlane v13, v6  }
0x5e: {  	s7 =	sand.u32 $0x10, s18;
	v48 =	vld [tilespmem:s6+$0x42B0];
	v61 =	vpack.i.f32.bf16 v56, v56;
	v56 =	vperm.xlane v13, v11;
	v18 =	vmul.bf16 v18, v21  }
0x5f: {  	v50 =	vld.idx.msk [tilespmem:v0+s7+$0x0 ss:$0x1], $0xffff;
	v29 =	vpack.i.f32.bf16 v26, v26;
	v19 =	vmul.bf16 v19, v21;
	v20 =	vmul.bf16 v20, v23  }
0x60: {  	s8 =	sand.u32 $0x8, s18;
	v35 =	vld [tilespmem:s6+$0x4280];
	v28 =	vmul.bf16 v22, v23;
	v32 =	vmul.bf16 v24, v29  }
0x61: {  	v45 =	vmov s8;
	v44 =	vld [tilespmem:s6+$0x4290];
	v33 =	vmul.bf16 v25, v29;
	v43 =	vmul.bf16 v27, v34  }
0x62: {  	v62 =	vld [tilespmem:s6+$0x4300];
	v22 =	vmul.bf16 v31, v34;
	v27 =	vpack.i.f32.bf16 v51, v51;
	v26 =	vmul.bf16 v58, v61  }
0x63: {  	v29 =	vld [tilespmem:s6+$0x42D0];
	v21 =	vmul.bf16 v46, v27;
	v53 =	vmul.bf16 v48, v27;
	v54 =	vpack.i.f32.bf16 v30, v30  }
0x64: {  	v31 =	vld [tilespmem:s6+$0x42E0];
	v18 =	vadd.bf16 v20, v18;
	v19 =	vadd.bf16 v28, v19;
	v25 =	vperm.xlane v50, v45  }
0x65: {  	v58 =	vld [tilespmem:s6+$0x4370];
	v20 =	vpack.i.f32.bf16 v47, v47;
	v45 =	vperm.xlane v13, v8;
	v47 =	vperm.xlane v13, v9  }
0x66: {  	v46 =	vld [tilespmem:s6+$0x4330];
	v23 =	vmul.bf16 v35, v20;
	v20 =	vmul.bf16 v44, v20;
	v18 =	vadd.bf16 v32, v18  }
0x67: {  	v28 =	vld [tilespmem:s6+$0x42C0];
	v19 =	vadd.bf16 v33, v19;
	v30 =	vpack.i.f32.bf16 v47, v47;
	v33 =	vperm.xlane v13, v10  }
0x68: {  	v47 =	vperm.xlane v13, v12;
	v21 =	vadd.bf16 v21, v23;
	v20 =	vadd.bf16 v53, v20  }
0x69: {  	v60 =	vmul.bf16 v29, v54;
	v35 =	vmul.bf16 v31, v61;
	v23 =	vpack.i.f32.bf16 v45, v45  }
0x6a: {  	v44 =	vld [tilespmem:s6+$0x4320];
	v61 =	vpack.i.f32.bf16 v56, v56;
	v18 =	vadd.bf16 v43, v18;
	v27 =	vmul.bf16 v62, v23  }
0x6b: {  	v34 =	vld [tilespmem:s6+$0x4360];
	v19 =	vadd.bf16 v22, v19;
	v53 =	vmul.bf16 v46, v30;
	v46 =	vmul.bf16 v58, v61  }
0x6c: {  	v48 =	vld [tilespmem:s6+$0x4340];
	v58 =	vperm.xlane v13, v15;
	v59 =	vmul.bf16 v28, v54;
	v20 =	vadd.bf16 v60, v20  }
0x6d: {  	v43 =	vld [tilespmem:s6+$0x4310];
	v52 =	vunpack.i.u.bf16.f32 v18;
	v18 =	vunpack.i.l.bf16.f32 v18;
	v32 =	vunpack.i.u.bf16.f32 v19  }
0x6e: {  	v19 =	vunpack.i.l.bf16.f32 v19;
	v18 =	vadd.f32 v18, v25;
	v21 =	vadd.bf16 v59, v21  }
0x6f: {  	v62 =	vld [tilespmem:s6+$0x4380];
	v24 =	vmul.bf16 v44, v30;
	v22 =	vadd.f32 v52, v25;
	v19 =	vadd.f32 v19, v25  }
0x70: {  	v54 =	vpack.i.f32.bf16 v33, v33;
	v44 =	vld [tilespmem:s6+$0x4390];
	v25 =	vadd.f32 v32, v25;
	v20 =	vadd.bf16 v26, v20  }
0x71: {  	v52 =	vld [tilespmem:s6+$0x4350];
	v59 =	vmul.bf16 v48, v54;
	v24 =	vadd.bf16 v24, v27;
	v21 =	vadd.bf16 v35, v21  }
0x72: {  	v56 =	vld [tilespmem:s6+$0x43D0];
	v23 =	vmul.bf16 v43, v23;
	v35 =	vunpack.i.u.bf16.f32 v20;
	v43 =	vmul.bf16 v34, v61  }
0x73: {  	v20 =	vunpack.i.l.bf16.f32 v20;
	v61 =	vpack.i.f32.bf16 v58, v58;
	v32 =	vadd.bf16 v59, v24  }
0x74: {  	v45 =	vld [tilespmem:s6+$0x43A0];
	v19 =	vadd.f32 v20, v19;
	v24 =	vpack.i.f32.bf16 v47, v47;
	v51 =	vunpack.i.u.bf16.f32 v21  }
0x75: {  	v48 =	vld [tilespmem:s6+$0x43B0];
	v21 =	vunpack.i.l.bf16.f32 v21;
	v30 =	vmul.bf16 v62, v24;
	v24 =	vmul.bf16 v44, v24  }
0x76: {  	v23 =	vadd.bf16 v53, v23;
	v53 =	vld [tilespmem:s6+$0x43C0];
	v60 =	vmul.bf16 v52, v54;
	v52 =	vperm.xlane v13, v14  }
0x77: {  	v44 =	vmul.bf16 v56, v61;
	v18 =	vadd.f32 v21, v18;
	v22 =	vadd.f32 v51, v22  }
0x78: {  	v59 =	vld [tilespmem:s6+$0x43E0];
	v21 =	vadd.bf16 v43, v32;
	v51 =	vadd.f32 v35, v25;
	v25 =	vpack.i.f32.bf16 v52, v52  }
0x79: {  	v13 =	vperm.xlane v13, v16;
	v23 =	vadd.bf16 v60, v23;
	v60 =	vld [tilespmem:s6+$0x43F0];
	v26 =	vmul.bf16 v45, v25  }
0x7a: {  	s7 =	sor.u32 $0x1, s18;
	v54 =	vunpack.i.u.bf16.f32 v21;
	v21 =	vunpack.i.l.bf16.f32 v21;
	v25 =	vmul.bf16 v48, v25  }
0x7b: {  	s9 =	sadd.s32 s16, s7;
	v23 =	vadd.bf16 v46, v23;
	v43 =	vmul.bf16 v53, v61;
	v26 =	vadd.bf16 v26, v30  }
0x7c: {  	v13 =	vpack.i.f32.bf16 v13, v13;
	s6 =	sshll.u32 s9, $0x4;
	v18 =	vadd.f32 v21, v18;
	v24 =	vadd.bf16 v25, v24  }
0x7d: {  	s8 =	sshll.u32 s7, $0x9;
	s6 =	sand.u32 $0x3FFFFFF0, s6;
	v46 =	vmul.bf16 v59, v13;
	v62 =	vunpack.i.l.bf16.f32 v23;
	v45 =	vadd.bf16 v43, v26  }
0x7e: {  	v23 =	vunpack.i.u.bf16.f32 v23;
	v24 =	vadd.bf16 v44, v24;
	v47 =	vmul.bf16 v60, v13;
	v13 =	vld [tilespmem:s6+$0x2000];
	s6 =	sand.u32 $0x3FFFFE00, s8  }
0x7f: {  	v20 =	vadd.f32 v23, v51;
	v51 =	vmov s18;
	v52 =	vld [tilespmem:s6+$0x4200];
	v21 =	vadd.bf16 v46, v45  }
0x80: {  	v22 =	vadd.f32 v54, v22;
	v53 =	vld [tilespmem:s6+$0x4210];
	v48 =	vadd.bf16 v47, v24;
	v24 =	vshrl.u32 v51, $0x3  }
0x81: {  	v56 =	vld [tilespmem:s6+$0x4220];
	v24 =	vshll.u32 v24, v17;
	v26 =	vunpack.i.u.bf16.f32 v21;
	v21 =	vunpack.i.l.bf16.f32 v21  }
0x82: {  	v19 =	vadd.f32 v62, v19;
	v32 =	vld [tilespmem:s6+$0x4240];
	v0 =	vadd.f32 v21, v18;
	v18 =	vbroadcast v24, $0x0  }
0x83: {  	v34 =	vld [tilespmem:s6+$0x4250];
	v54 =	vunpack.i.u.bf16.f32 v48;
	v23 =	vunpack.i.l.bf16.f32 v48;
	v58 =	vperm.xlane v13, v63  }
0x84: {  	v59 =	vld [tilespmem:s6+$0x4230];
	[tilespmem:$0x1FD50] =	vst v0;
	v0 =	vadd.f32 v26, v22;
	v60 =	vor.u32 v36, v18;
	v36 =	vperm.xlane v13, v3  }
0x85: {  	v43 =	vld [tilespmem:s6+$0x4260];
	v47 =	vperm.xlane v13, v2;
	v61 =	vperm.xlane v13, v4;
	v33 =	vpack.i.f32.bf16 v58, v58  }
0x86: {  	v45 =	vld [tilespmem:s6+$0x4270];
	v35 =	vmul.bf16 v52, v33;
	[tilespmem:$0x1FD60] =	vst v0;
	v0 =	vadd.f32 v23, v19;
	v46 =	vpack.i.f32.bf16 v36, v36  }
0x87: {  	v52 =	vpack.i.f32.bf16 v47, v47;
	v19 =	vperm.xlane v13, v1;
	v22 =	vmul.bf16 v32, v46  }
0x88: {  	v62 =	vld [tilespmem:s6+$0x42B0];
	v51 =	vmul.bf16 v34, v46;
	v46 =	vperm.xlane v13, v7;
	[tilespmem:$0x1FD80] =	vst v0;
	v0 =	vadd.f32 v54, v20  }
0x89: {  	s8 =	sand.u32 $0x9, s7;
	v58 =	vld [tilespmem:s6+$0x42A0];
	v19 =	vpack.i.f32.bf16 v19, v19;
	v20 =	vmul.bf16 v53, v33;
	v33 =	vperm.xlane v13, v5  }
0x8a: {  	v48 =	vld [tilespmem:s6+$0x4280];
	v54 =	vmov s8;
	v44 =	vmul.bf16 v56, v19;
	v19 =	vmul.bf16 v59, v19  }
0x8b: {  	v34 =	vld [tilespmem:s6+$0x42C0];
	v56 =	vmul.bf16 v43, v52;
	v59 =	vmul.bf16 v45, v52;
	[tilespmem:$0x1FDA0] =	vst v0;
	v0 =	vor.u32 v37, v18  }
0x8c: {  	v53 =	vld [tilespmem:s6+$0x4290];
	v25 =	vpack.i.f32.bf16 v33, v33;
	[tilespmem:$0x1FD70] =	vst v0;
	v0 =	vor.u32 v38, v18;
	v23 =	vadd.bf16 v44, v35  }
0x8d: {  	v36 =	vld [tilespmem:s6+$0x42D0];
	v19 =	vadd.bf16 v19, v20;
	v35 =	vpack.i.f32.bf16 v61, v61;
	v38 =	vperm.xlane v13, v6  }
0x8e: {  	v45 =	vld [tilespmem:s6+$0x42F0];
	v44 =	vmul.bf16 v58, v25;
	v25 =	vmul.bf16 v62, v25;
	[tilespmem:$0x1FD90] =	vst v0;
	v0 =	vor.u32 v39, v18  }
0x8f: {  	v18 =	vperm.xlane v50, v54;
	v37 =	vmul.bf16 v48, v35;
	v48 =	vpack.i.f32.bf16 v46, v46  }
0x90: {  	v22 =	vadd.bf16 v22, v23;
	v19 =	vadd.bf16 v51, v19;
	v27 =	vpack.i.f32.bf16 v38, v38  }
0x91: {  	v39 =	vld [tilespmem:s6+$0x42E0];
	v20 =	vmul.bf16 v53, v35;
	v23 =	vadd.bf16 v44, v37;
	v47 =	vmul.bf16 v34, v27  }
0x92: {  	v58 =	vld [tilespmem:s6+$0x4320];
	v21 =	vmul.bf16 v36, v27;
	v36 =	vperm.xlane v13, v9;
	v22 =	vadd.bf16 v56, v22  }
0x93: {  	v61 =	vld [tilespmem:s6+$0x4330];
	v54 =	vmul.bf16 v45, v48;
	v19 =	vadd.bf16 v59, v19;
	v20 =	vadd.bf16 v25, v20  }
0x94: {  	v59 =	vperm.xlane v13, v8;
	v23 =	vadd.bf16 v47, v23;
	v30 =	vpack.i.f32.bf16 v36, v36  }
0x95: {  	v53 =	vld [tilespmem:s6+$0x4300];
	v47 =	vperm.xlane v13, v11;
	v36 =	vperm.xlane v13, v14;
	v43 =	vunpack.i.u.bf16.f32 v22  }
0x96: {  	v44 =	vld [tilespmem:s6+$0x4360];
	v22 =	vunpack.i.l.bf16.f32 v22;
	v51 =	vunpack.i.u.bf16.f32 v19;
	v52 =	vmul.bf16 v39, v48  }
0x97: {  	v56 =	vld [tilespmem:s6+$0x4310];
	v20 =	vadd.bf16 v21, v20;
	v19 =	vunpack.i.l.bf16.f32 v19;
	v21 =	vpack.i.f32.bf16 v59, v59  }
0x98: {  	v45 =	vld [tilespmem:s6+$0x4370];
	v24 =	vmul.bf16 v58, v30;
	v29 =	vmul.bf16 v61, v30;
	v22 =	vadd.f32 v22, v18  }
0x99: {  	v61 =	vperm.xlane v13, v12;
	v26 =	vadd.f32 v43, v18;
	v19 =	vadd.f32 v19, v18  }
0x9a: {  	v37 =	vld [tilespmem:s6+$0x4340];
	v18 =	vadd.f32 v51, v18;
	v28 =	vmul.bf16 v53, v21;
	v43 =	vperm.xlane v13, v10  }
0x9b: {  	v39 =	vld [tilespmem:s6+$0x4350];
	v23 =	vadd.bf16 v52, v23;
	v20 =	vadd.bf16 v54, v20;
	v54 =	vpack.i.f32.bf16 v47, v47  }
0x9c: {  	v59 =	vld [tilespmem:s6+$0x43A0];
	v21 =	vmul.bf16 v56, v21;
	v46 =	vpack.i.f32.bf16 v43, v43;
	v58 =	vmul.bf16 v44, v54  }
0x9d: {  	v52 =	vld [tilespmem:s6+$0x4380];
	v48 =	vadd.bf16 v24, v28;
	v25 =	vmul.bf16 v45, v54;
	v43 =	vperm.xlane v13, v15  }
0x9e: {  	v56 =	vld [tilespmem:s6+$0x4390];
	v13 =	vperm.xlane v13, v16;
	v62 =	vunpack.i.u.bf16.f32 v23;
	v23 =	vunpack.i.l.bf16.f32 v23  }
0x9f: {  	v44 =	vld [tilespmem:s6+$0x43E0];
	v38 =	vunpack.i.u.bf16.f32 v20;
	v20 =	vunpack.i.l.bf16.f32 v20;
	v22 =	vadd.f32 v23, v22  }
0xa0: {  	v51 =	vmul.bf16 v37, v46;
	v37 =	vld [tilespmem:s6+$0x43C0];
	v21 =	vadd.bf16 v29, v21;
	v26 =	vadd.f32 v62, v26  }
0xa1: {  	v53 =	vmul.bf16 v39, v46;
	v62 =	vld [tilespmem:s6+$0x43B0];
	v19 =	vadd.f32 v20, v19;
	v18 =	vadd.f32 v38, v18  }
0xa2: {  	v38 =	vpack.i.f32.bf16 v61, v61;
	v20 =	vpack.i.f32.bf16 v36, v36;
	v29 =	vpack.i.f32.bf16 v43, v43  }
0xa3: {  	v39 =	vld [tilespmem:s6+$0x43D0];
	v13 =	vpack.i.f32.bf16 v13, v13;
	v61 =	vmov s7;
	v23 =	vadd.bf16 v51, v48  }
0xa4: {  	v46 =	vld [tilespmem:s6+$0x43F0];
	v27 =	vmul.bf16 v59, v20;
	v21 =	vadd.bf16 v53, v21;
	v28 =	vmul.bf16 v52, v38  }
0xa5: {  	s6 =	sor.u32 $0x2, s18;
	v23 =	vadd.bf16 v58, v23;
	v24 =	vmul.bf16 v56, v38;
	v52 =	vmul.bf16 v44, v13  }
0xa6: {  	s9 =	sadd.s32 s16, s6;
	v27 =	vadd.bf16 v27, v28;
	v47 =	vmul.bf16 v37, v29;
	v20 =	vmul.bf16 v62, v20  }
0xa7: {  	s8 =	sshll.u32 s9, $0x4;
	s9 =	sshll.u32 s6, $0x9;
	v21 =	vadd.bf16 v25, v21;
	v45 =	vunpack.i.u.bf16.f32 v23;
	v23 =	vunpack.i.l.bf16.f32 v23  }
0xa8: {  	s7 =	sand.u32 $0x3FFFFE00, s9;
	v48 =	vmul.bf16 v39, v29;
	v27 =	vadd.bf16 v47, v27;
	v20 =	vadd.bf16 v20, v24  }
0xa9: {  	s8 =	sand.u32 $0x3FFFFFF0, s8;
	v32 =	vld [tilespmem:s7+$0x4200];
	v13 =	vmul.bf16 v46, v13;
	v51 =	vunpack.i.u.bf16.f32 v21;
	v22 =	vadd.f32 v23, v22  }
0xaa: {  	v21 =	vunpack.i.l.bf16.f32 v21;
	v59 =	vadd.bf16 v52, v27;
	v53 =	vadd.bf16 v48, v20;
	v20 =	vld [tilespmem:s8+$0x2000]  }
0xab: {  	v34 =	vld [tilespmem:s7+$0x4210];
	v54 =	vadd.f32 v45, v26;
	v19 =	vadd.f32 v21, v19;
	v21 =	vshrl.u32 v61, $0x3  }
0xac: {  	v35 =	vld [tilespmem:s7+$0x4220];
	v21 =	vshll.u32 v21, v17;
	v62 =	vunpack.i.u.bf16.f32 v59;
	v13 =	vadd.bf16 v13, v53  }
0xad: {  	[tilespmem:$0x1FDB0] =	vst v0;
	v36 =	vld [tilespmem:s7+$0x4230];
	v18 =	vadd.f32 v51, v18;
	v21 =	vbroadcast v21, $0x0;
	v0 =	vadd.f32 v62, v54  }
0xae: {  	v38 =	vld [tilespmem:s7+$0x4240];
	v26 =	vunpack.i.l.bf16.f32 v59;
	v33 =	vunpack.i.u.bf16.f32 v13;
	v13 =	vunpack.i.l.bf16.f32 v13  }
0xaf: {  	v44 =	vld [tilespmem:s7+$0x4270];
	v62 =	vor.u32 v42, v21;
	[tilespmem:$0x1FDC0] =	vst v0;
	v0 =	vadd.f32 v13, v19;
	v13 =	vperm.xlane v20, v63  }
0xb0: {  	v42 =	vld [tilespmem:s7+$0x4260];
	v19 =	vor.u32 v40, v21;
	v37 =	vperm.xlane v20, v1;
	v46 =	vperm.xlane v20, v2  }
0xb1: {  	v47 =	vld [tilespmem:s7+$0x4280];
	v58 =	vperm.xlane v20, v4;
	[tilespmem:$0x1FDD0] =	vst v0;
	v0 =	vadd.f32 v33, v18;
	v18 =	vor.u32 v41, v21  }
0xb2: {  	v51 =	vld [tilespmem:s7+$0x4290];
	v39 =	vpack.i.f32.bf16 v13, v13;
	v24 =	vpack.i.f32.bf16 v37, v37;
	v41 =	vperm.xlane v20, v3  }
0xb3: {  	v40 =	vld [tilespmem:s7+$0x4250];
	v53 =	vpack.i.f32.bf16 v46, v46;
	v46 =	vperm.xlane v20, v7;
	v25 =	vmul.bf16 v32, v39  }
0xb4: {  	s9 =	sand.u32 $0xA, s6;
	v61 =	vld [tilespmem:s7+$0x42B0];
	v59 =	vadd.f32 v26, v22;
	v43 =	vmul.bf16 v34, v39;
	v22 =	vmul.bf16 v35, v24  }
0xb5: {  	v48 =	vmov s9;
	v54 =	vld [tilespmem:s7+$0x42A0];
	v23 =	vmul.bf16 v36, v24;
	v56 =	vmul.bf16 v42, v53  }
0xb6: {  	v37 =	vld [tilespmem:s7+$0x42C0];
	v32 =	vperm.xlane v50, v48;
	v36 =	vperm.xlane v20, v5;
	v45 =	vpack.i.f32.bf16 v41, v41  }
0xb7: {  	v13 =	vor.u32 v49, v21;
	v24 =	vmul.bf16 v44, v53;
	v39 =	vld [tilespmem:s7+$0x42D0];
	v49 =	vmul.bf16 v38, v45  }
0xb8: {  	v44 =	vld [tilespmem:s7+$0x42F0];
	v21 =	vadd.bf16 v23, v43;
	v52 =	vmul.bf16 v40, v45;
	v38 =	vpack.i.f32.bf16 v58, v58  }
0xb9: {  	v23 =	vpack.i.f32.bf16 v36, v36;
	v40 =	vperm.xlane v20, v6;
	v29 =	vmul.bf16 v47, v38  }
0xba: {  	v41 =	vld [tilespmem:s7+$0x42E0];
	v22 =	vadd.bf16 v22, v25;
	v42 =	vmul.bf16 v51, v38;
	v43 =	vmul.bf16 v54, v23  }
0xbb: {  	v23 =	vmul.bf16 v61, v23;
	v51 =	vpack.i.f32.bf16 v46, v46;
	v45 =	vpack.i.f32.bf16 v40, v40  }
0xbc: {  	v22 =	vadd.bf16 v49, v22;
	v21 =	vadd.bf16 v52, v21;
	v48 =	vmul.bf16 v37, v45  }
0xbd: {  	v25 =	vadd.bf16 v43, v29;
	v49 =	vmul.bf16 v39, v45;
	v53 =	vmul.bf16 v44, v51  }
0xbe: {  	v23 =	vadd.bf16 v23, v42;
	v42 =	vperm.xlane v20, v8;
	v44 =	vperm.xlane v20, v9  }
0xbf: {  	v54 =	vld [tilespmem:s7+$0x4300];
	v22 =	vadd.bf16 v56, v22;
	v21 =	vadd.bf16 v24, v21;
	v52 =	vmul.bf16 v41, v51  }
0xc0: {  	v61 =	vld [tilespmem:s7+$0x4310];
	v25 =	vadd.bf16 v48, v25;
	v23 =	vadd.bf16 v49, v23;
	v46 =	vpack.i.f32.bf16 v42, v42  }
0xc1: {  	v40 =	vld [tilespmem:s7+$0x4320];
	v34 =	vpack.i.f32.bf16 v44, v44;
	v48 =	vperm.xlane v20, v10;
	v44 =	vperm.xlane v20, v12  }
0xc2: {  	v43 =	vld [tilespmem:s7+$0x4330];
	v47 =	vunpack.i.u.bf16.f32 v22;
	v22 =	vunpack.i.l.bf16.f32 v22;
	v56 =	vunpack.i.l.bf16.f32 v21  }
0xc3: {  	v45 =	vld [tilespmem:s7+$0x4340];
	v21 =	vunpack.i.u.bf16.f32 v21;
	v22 =	vadd.f32 v22, v32;
	v58 =	vadd.f32 v47, v32  }
0xc4: {  	v51 =	vld [tilespmem:s7+$0x4370];
	v26 =	vmul.bf16 v54, v46;
	v25 =	vadd.bf16 v52, v25;
	v27 =	vadd.f32 v56, v32  }
0xc5: {  	v49 =	vld [tilespmem:s7+$0x4360];
	v54 =	vperm.xlane v20, v11;
	v23 =	vadd.bf16 v53, v23;
	v21 =	vadd.f32 v21, v32  }
0xc6: {  	v42 =	vld [tilespmem:s7+$0x43A0];
	v24 =	vmul.bf16 v40, v34;
	v53 =	vpack.i.f32.bf16 v48, v48;
	v48 =	vpack.i.f32.bf16 v44, v44  }
0xc7: {  	v47 =	vld [tilespmem:s7+$0x4350];
	v44 =	vmov s6;
	v52 =	vmul.bf16 v43, v34;
	v41 =	vunpack.i.u.bf16.f32 v25  }
0xc8: {  	v56 =	vld [tilespmem:s7+$0x4380];
	v25 =	vunpack.i.l.bf16.f32 v25;
	v33 =	vunpack.i.u.bf16.f32 v23;
	v23 =	vunpack.i.l.bf16.f32 v23  }
0xc9: {  	v22 =	vadd.f32 v25, v22;
	v29 =	vadd.f32 v41, v58;
	v25 =	vmul.bf16 v61, v46;
	v61 =	vld [tilespmem:s7+$0x4390]  }
0xca: {  	v58 =	vmul.bf16 v45, v53;
	v41 =	vpack.i.f32.bf16 v54, v54;
	v45 =	vld [tilespmem:s7+$0x43B0];
	v46 =	vperm.xlane v20, v14  }
0xcb: {  	v24 =	vadd.bf16 v24, v26;
	v43 =	vmul.bf16 v49, v41;
	v28 =	vmul.bf16 v51, v41  }
0xcc: {  	v23 =	vadd.f32 v23, v27;
	v49 =	vld [tilespmem:s7+$0x43D0];
	v51 =	vperm.xlane v20, v15;
	v20 =	vperm.xlane v20, v16  }
0xcd: {  	v25 =	vadd.bf16 v52, v25;
	v40 =	vmul.bf16 v47, v53;
	v47 =	vld [tilespmem:s7+$0x43C0];
	v30 =	vpack.i.f32.bf16 v46, v46  }
0xce: {  	v24 =	vadd.bf16 v58, v24;
	v34 =	vmul.bf16 v56, v48;
	v52 =	vld [tilespmem:s7+$0x43E0];
	v54 =	vmul.bf16 v42, v30  }
0xcf: {  	v56 =	vld [tilespmem:s7+$0x43F0];
	s7 =	sor.u32 $0x3, s18;
	v25 =	vadd.bf16 v40, v25;
	v53 =	vmul.bf16 v61, v48;
	v30 =	vmul.bf16 v45, v30  }
0xd0: {  	v58 =	vpack.i.f32.bf16 v51, v51;
	s9 =	sadd.s32 s16, s7;
	v24 =	vadd.bf16 v43, v24;
	v26 =	vadd.bf16 v54, v34  }
0xd1: {  	s8 =	sshll.u32 s9, $0x4;
	v28 =	vadd.bf16 v28, v25;
	v34 =	vmul.bf16 v49, v58;
	v25 =	vadd.bf16 v30, v53  }
0xd2: {  	v21 =	vadd.f32 v33, v21;
	v20 =	vpack.i.f32.bf16 v20, v20;
	s9 =	sshll.u32 s7, $0x9;
	s8 =	sand.u32 $0x3FFFFFF0, s8;
	v33 =	vmul.bf16 v47, v58  }
0xd3: {  	v61 =	vunpack.i.u.bf16.f32 v24;
	v24 =	vunpack.i.l.bf16.f32 v24;
	v37 =	vadd.bf16 v34, v25;
	v25 =	vld [tilespmem:s8+$0x2000];
	s8 =	sand.u32 $0x3FFFFE00, s9  }
0xd4: {  	v36 =	vmul.bf16 v52, v20;
	v20 =	vmul.bf16 v56, v20;
	v26 =	vadd.bf16 v33, v26;
	v39 =	vld [tilespmem:s8+$0x4200]  }
0xd5: {  	v22 =	vadd.f32 v24, v22;
	v29 =	vadd.f32 v61, v29;
	v38 =	vunpack.i.l.bf16.f32 v28;
	v42 =	vld [tilespmem:s8+$0x4210]  }
0xd6: {  	v28 =	vunpack.i.u.bf16.f32 v28;
	v45 =	vld [tilespmem:s8+$0x4220];
	v26 =	vadd.bf16 v36, v26;
	v20 =	vadd.bf16 v20, v37  }
0xd7: {  	v24 =	vshrl.u32 v44, $0x3;
	v27 =	vadd.f32 v38, v23;
	v28 =	vadd.f32 v28, v21;
	v47 =	vld [tilespmem:s8+$0x4230]  }
0xd8: {  	v49 =	vld [tilespmem:s8+$0x4240];
	v40 =	vunpack.i.u.bf16.f32 v26;
	v41 =	vunpack.i.l.bf16.f32 v26;
	v43 =	vunpack.i.u.bf16.f32 v20  }
0xd9: {  	v52 =	vld [tilespmem:s8+$0x4250];
	v20 =	vunpack.i.l.bf16.f32 v20;
	v23 =	vadd.f32 v41, v22;
	v46 =	vperm.xlane v25, v63  }
0xda: {  	v54 =	vld [tilespmem:s8+$0x4260];
	v22 =	vadd.f32 v40, v29;
	v48 =	vperm.xlane v25, v1;
	v21 =	vadd.f32 v20, v27  }
0xdb: {  	v53 =	vperm.xlane v25, v3;
	v20 =	vadd.f32 v43, v28;
	v51 =	vpack.i.f32.bf16 v46, v46  }
0xdc: {  	v58 =	vld [tilespmem:s8+$0x4270];
	v40 =	vperm.xlane v25, v2;
	v29 =	vpack.i.f32.bf16 v48, v48;
	v30 =	vmul.bf16 v39, v51  }
0xdd: {  	v44 =	vld [tilespmem:s8+$0x4290];
	v61 =	vpack.i.f32.bf16 v53, v53;
	v26 =	vmul.bf16 v42, v51;
	v56 =	vmul.bf16 v45, v29  }
0xde: {  	v41 =	vld [tilespmem:s8+$0x4280];
	v46 =	vpack.i.f32.bf16 v40, v40;
	v29 =	vmul.bf16 v47, v29;
	v43 =	vmul.bf16 v49, v61  }
0xdf: {  	v53 =	vld [tilespmem:s8+$0x42C0];
	v45 =	vmul.bf16 v52, v61;
	v48 =	vmul.bf16 v54, v46  }
0xe0: {  	s9 =	sand.u32 $0xB, s7;
	v47 =	vld [tilespmem:s8+$0x42A0];
	v49 =	vperm.xlane v25, v4;
	v52 =	vperm.xlane v25, v5  }
0xe1: {  	v42 =	vmov s9;
	v51 =	vld [tilespmem:s8+$0x42B0];
	v28 =	vmul.bf16 v58, v46;
	v58 =	vperm.xlane v25, v6  }
0xe2: {  	v36 =	vperm.xlane v50, v42;
	v27 =	vadd.bf16 v56, v30;
	v54 =	vpack.i.f32.bf16 v49, v49  }
0xe3: {  	v26 =	vadd.bf16 v29, v26;
	v56 =	vld [tilespmem:s8+$0x42D0];
	v29 =	vpack.i.f32.bf16 v52, v52;
	v33 =	vmul.bf16 v41, v54  }
0xe4: {  	v61 =	vld [tilespmem:s8+$0x42E0];
	v34 =	vpack.i.f32.bf16 v58, v58;
	v41 =	vmul.bf16 v44, v54;
	v44 =	vperm.xlane v25, v7  }
0xe5: {  	v27 =	vadd.bf16 v43, v27;
	v26 =	vadd.bf16 v45, v26;
	v46 =	vmul.bf16 v53, v34  }
0xe6: {  	v42 =	vmul.bf16 v47, v29;
	v29 =	vmul.bf16 v51, v29  }
0xe7: {  	v43 =	vld [tilespmem:s8+$0x42F0];
	v27 =	vadd.bf16 v48, v27;
	v26 =	vadd.bf16 v28, v26;
	v48 =	vpack.i.f32.bf16 v44, v44  }
0xe8: {  	v30 =	vadd.bf16 v42, v33;
	v28 =	vadd.bf16 v29, v41;
	v47 =	vmul.bf16 v56, v34  }
0xe9: {  	v52 =	vld [tilespmem:s8+$0x4300];
	v49 =	vmul.bf16 v61, v48;
	v45 =	vunpack.i.u.bf16.f32 v27;
	v27 =	vunpack.i.l.bf16.f32 v27  }
0xea: {  	v58 =	vld [tilespmem:s8+$0x4320];
	v53 =	vunpack.i.l.bf16.f32 v26;
	v26 =	vunpack.i.u.bf16.f32 v26;
	v30 =	vadd.bf16 v46, v30  }
0xeb: {  	v27 =	vadd.f32 v27, v36;
	v54 =	vadd.f32 v45, v36;
	v45 =	vperm.xlane v25, v8  }
0xec: {  	v56 =	vld [tilespmem:s8+$0x4310];
	v28 =	vadd.bf16 v47, v28;
	v51 =	vmul.bf16 v43, v48;
	v47 =	vperm.xlane v25, v9  }
0xed: {  	v32 =	vadd.f32 v53, v36;
	v46 =	vld [tilespmem:s8+$0x4330];
	v30 =	vadd.bf16 v49, v30;
	v49 =	vpack.i.f32.bf16 v45, v45  }
0xee: {  	v33 =	vld [tilespmem:s8+$0x4370];
	v26 =	vadd.f32 v26, v36;
	v39 =	vpack.i.f32.bf16 v47, v47;
	v31 =	vmul.bf16 v52, v49  }
0xef: {  	v48 =	vld [tilespmem:s8+$0x4340];
	v28 =	vadd.bf16 v51, v28;
	v52 =	vperm.xlane v25, v10;
	v29 =	vmul.bf16 v58, v39  }
0xf0: {  	v53 =	vld [tilespmem:s8+$0x4360];
	v58 =	vperm.xlane v25, v11;
	v61 =	vunpack.i.u.bf16.f32 v30;
	v30 =	vunpack.i.l.bf16.f32 v30  }
0xf1: {  	v51 =	vld [tilespmem:s8+$0x4350];
	v38 =	vunpack.i.u.bf16.f32 v28;
	v28 =	vunpack.i.l.bf16.f32 v28;
	v27 =	vadd.f32 v30, v27  }
0xf2: {  	v47 =	vld [tilespmem:s8+$0x43A0];
	v34 =	vadd.f32 v61, v54;
	v30 =	vmul.bf16 v56, v49;
	v54 =	vmul.bf16 v46, v39  }
0xf3: {  	v56 =	vpack.i.f32.bf16 v52, v52;
	v61 =	vld [tilespmem:s8+$0x4380];
	v28 =	vadd.f32 v28, v32;
	v49 =	vperm.xlane v25, v12  }
0xf4: {  	v32 =	vld [tilespmem:s8+$0x4390];
	v46 =	vpack.i.f32.bf16 v58, v58;
	v52 =	vperm.xlane v25, v14;
	v58 =	vperm.xlane v25, v15  }
0xf5: {  	v29 =	vadd.bf16 v29, v31;
	v44 =	vmul.bf16 v48, v56;
	v48 =	vmul.bf16 v53, v46;
	v53 =	vld [tilespmem:s8+$0x43C0]  }
0xf6: {  	v26 =	vadd.f32 v38, v26;
	v25 =	vperm.xlane v25, v16;
	v45 =	vmul.bf16 v51, v56;
	v51 =	vld [tilespmem:s8+$0x43B0]  }
0xf7: {  	v33 =	vmul.bf16 v33, v46;
	v30 =	vadd.bf16 v54, v30;
	v54 =	vpack.i.f32.bf16 v49, v49  }
0xf8: {  	s6 =	sor.u32 $0x4, s18;
	v56 =	vld [tilespmem:s8+$0x43D0];
	v35 =	vpack.i.f32.bf16 v52, v52;
	v46 =	vpack.i.f32.bf16 v58, v58;
	v29 =	vadd.bf16 v44, v29  }
0xf9: {  	s9 =	sadd.s32 s16, s6;
	v25 =	vpack.i.f32.bf16 v25, v25;
	v30 =	vadd.bf16 v45, v30;
	v39 =	vmul.bf16 v61, v54;
	v61 =	vld [tilespmem:s8+$0x43E0]  }
0xfa: {  	v44 =	vmul.bf16 v47, v35;
	v45 =	vld [tilespmem:s8+$0x43F0];
	v29 =	vadd.bf16 v48, v29;
	v31 =	vmul.bf16 v32, v54;
	s8 =	sshll.u32 s9, $0x4  }
0xfb: {  	v30 =	vadd.bf16 v33, v30;
	v38 =	vmul.bf16 v53, v46;
	s8 =	sand.u32 $0x3FFFFFF0, s8;
	v35 =	vmul.bf16 v51, v35  }
0xfc: {  	v47 =	vunpack.i.u.bf16.f32 v29;
	v32 =	vadd.bf16 v44, v39;
	v49 =	vunpack.i.l.bf16.f32 v29;
	v29 =	vld [tilespmem:s8+$0x2000]  }
0xfd: {  	s9 =	sshll.u32 s6, $0x9;
	v48 =	vmul.bf16 v56, v46;
	v27 =	vadd.f32 v49, v27;
	v52 =	vunpack.i.l.bf16.f32 v30  }
0xfe: {  	s8 =	sand.u32 $0x3FFFFE00, s9;
	v31 =	vadd.bf16 v35, v31;
	v32 =	vadd.bf16 v38, v32;
	v51 =	vmul.bf16 v61, v25  }
0xff: {  	v34 =	vadd.f32 v47, v34;
	v53 =	vld [tilespmem:s8+$0x4200];
	v30 =	vunpack.i.u.bf16.f32 v30;
	v33 =	vadd.f32 v52, v28  }
0x100: {  	v47 =	vld [tilespmem:s8+$0x4240];
	v25 =	vmul.bf16 v45, v25;
	v31 =	vadd.bf16 v48, v31;
	v32 =	vadd.bf16 v51, v32  }
0x101: {  	v30 =	vadd.f32 v30, v26;
	v61 =	vld [tilespmem:s8+$0x4220];
	v44 =	vperm.xlane v29, v63;
	v51 =	vperm.xlane v29, v3  }
0x102: {  	v45 =	vld [tilespmem:s8+$0x4230];
	v46 =	vperm.xlane v29, v1;
	v25 =	vadd.bf16 v25, v31;
	v56 =	vunpack.i.u.bf16.f32 v32  }
0x103: {  	v54 =	vld [tilespmem:s8+$0x4210];
	v58 =	vunpack.i.l.bf16.f32 v32;
	v48 =	vpack.i.f32.bf16 v44, v44;
	v37 =	vpack.i.f32.bf16 v51, v51  }
0x104: {  	v49 =	vld [tilespmem:s8+$0x4250];
	v51 =	vperm.xlane v29, v4;
	v43 =	vunpack.i.u.bf16.f32 v25;
	v25 =	vunpack.i.l.bf16.f32 v25  }
0x105: {  	s9 =	sand.u32 $0xC, s6;
	v52 =	vld [tilespmem:s8+$0x4260];
	v28 =	vadd.f32 v58, v27;
	v27 =	vadd.f32 v56, v34;
	v35 =	vmul.bf16 v53, v48  }
0x106: {  	v32 =	vld [tilespmem:s8+$0x4270];
	v34 =	vpack.i.f32.bf16 v46, v46;
	v56 =	vmov s9;
	v58 =	vmul.bf16 v47, v37  }
0x107: {  	v26 =	vadd.f32 v25, v33;
	v53 =	vmul.bf16 v61, v34;
	v34 =	vmul.bf16 v45, v34;
	v45 =	vld [tilespmem:s8+$0x4280]  }
0x108: {  	v25 =	vadd.f32 v43, v30;
	v30 =	vmul.bf16 v54, v48;
	v54 =	vperm.xlane v29, v2;
	v61 =	vld [tilespmem:s8+$0x4290]  }
0x109: {  	v46 =	vmul.bf16 v49, v37;
	v48 =	vld [tilespmem:s8+$0x42A0];
	v42 =	vperm.xlane v50, v56;
	v31 =	vadd.bf16 v53, v35  }
0x10a: {  	v43 =	vld [tilespmem:s8+$0x42C0];
	v30 =	vadd.bf16 v34, v30;
	v47 =	vpack.i.f32.bf16 v54, v54;
	v53 =	vperm.xlane v29, v5  }
0x10b: {  	v56 =	vld [tilespmem:s8+$0x42D0];
	v54 =	vpack.i.f32.bf16 v51, v51;
	v49 =	vmul.bf16 v52, v47;
	v32 =	vmul.bf16 v32, v47  }
0x10c: {  	v52 =	vld [tilespmem:s8+$0x42B0];
	v31 =	vadd.bf16 v58, v31;
	v30 =	vadd.bf16 v46, v30;
	v58 =	vperm.xlane v29, v6  }
0x10d: {  	v44 =	vld [tilespmem:s8+$0x42E0];
	v34 =	vpack.i.f32.bf16 v53, v53;
	v38 =	vmul.bf16 v45, v54;
	v61 =	vmul.bf16 v61, v54  }
0x10e: {  	v24 =	vshll.u32 v24, v17;
	v45 =	vmul.bf16 v48, v34;
	v48 =	vperm.xlane v29, v7  }
0x10f: {  	v46 =	vld [tilespmem:s8+$0x42F0];
	v31 =	vadd.bf16 v49, v31;
	v30 =	vadd.bf16 v32, v30;
	v47 =	vpack.i.f32.bf16 v58, v58  }
0x110: {  	v35 =	vadd.bf16 v45, v38;
	v51 =	vmul.bf16 v43, v47;
	v53 =	vpack.i.f32.bf16 v48, v48  }
0x111: {  	v34 =	vmul.bf16 v52, v34;
	v49 =	vunpack.i.u.bf16.f32 v31;
	v52 =	vmul.bf16 v56, v47  }
0x112: {  	v31 =	vunpack.i.l.bf16.f32 v31;
	v54 =	vmul.bf16 v44, v53;
	v58 =	vunpack.i.l.bf16.f32 v30  }
0x113: {  	v36 =	vld [tilespmem:s8+$0x4300];
	v30 =	vunpack.i.u.bf16.f32 v30;
	v35 =	vadd.bf16 v51, v35;
	v31 =	vadd.f32 v31, v42  }
0x114: {  	v56 =	vmul.bf16 v46, v53;
	v37 =	vadd.f32 v58, v42;
	v53 =	vld [tilespmem:s8+$0x4330];
	v32 =	vadd.bf16 v34, v61  }
0x115: {  	v33 =	vmov s7;
	v48 =	vld [tilespmem:s8+$0x4310];
	v30 =	vadd.f32 v30, v42;
	v35 =	vadd.bf16 v54, v35  }
0x116: {  	v61 =	vadd.f32 v49, v42;
	v49 =	vld [tilespmem:s8+$0x4320];
	v54 =	vperm.xlane v29, v9;
	v32 =	vadd.bf16 v52, v32  }
0x117: {  	v45 =	vld [tilespmem:s8+$0x4340];
	v46 =	vperm.xlane v29, v10;
	v52 =	vperm.xlane v29, v8;
	v51 =	vunpack.i.u.bf16.f32 v35  }
0x118: {  	v58 =	vld [tilespmem:s8+$0x4350];
	v35 =	vunpack.i.l.bf16.f32 v35;
	v44 =	vpack.i.f32.bf16 v54, v54;
	v32 =	vadd.bf16 v56, v32  }
0x119: {  	v38 =	vld [tilespmem:s8+$0x4370];
	v56 =	vpack.i.f32.bf16 v52, v52;
	v39 =	vadd.f32 v51, v61;
	v61 =	vmul.bf16 v53, v44  }
0x11a: {  	v47 =	vld [tilespmem:s8+$0x4360];
	v31 =	vadd.f32 v35, v31;
	v36 =	vmul.bf16 v36, v56;
	v35 =	vmul.bf16 v48, v56  }
0x11b: {  	v42 =	vld [tilespmem:s8+$0x43A0];
	v34 =	vmul.bf16 v49, v44;
	v48 =	vpack.i.f32.bf16 v46, v46;
	v49 =	vperm.xlane v29, v11  }
0x11c: {  	v46 =	vld [tilespmem:s8+$0x4380];
	v56 =	vperm.xlane v29, v12;
	v43 =	vunpack.i.u.bf16.f32 v32;
	v32 =	vunpack.i.l.bf16.f32 v32  }
0x11d: {  	v51 =	vmul.bf16 v45, v48;
	v52 =	vmul.bf16 v58, v48;
	v58 =	vld [tilespmem:s8+$0x43B0];
	v32 =	vadd.f32 v32, v37  }
0x11e: {  	v48 =	vld [tilespmem:s8+$0x43C0];
	v34 =	vadd.bf16 v34, v36;
	v35 =	vadd.bf16 v61, v35;
	v53 =	vpack.i.f32.bf16 v49, v49  }
0x11f: {  	v37 =	vld [tilespmem:s8+$0x4390];
	v30 =	vadd.f32 v43, v30;
	v61 =	vperm.xlane v29, v14;
	v49 =	vpack.i.f32.bf16 v56, v56  }
0x120: {  	v56 =	vld [tilespmem:s8+$0x43F0];
	v54 =	vmul.bf16 v47, v53;
	v38 =	vmul.bf16 v38, v53;
	v34 =	vadd.bf16 v51, v34  }
0x121: {  	v53 =	vld [tilespmem:s8+$0x43E0];
	v35 =	vadd.bf16 v52, v35;
	v40 =	vpack.i.f32.bf16 v61, v61;
	v52 =	vperm.xlane v29, v15  }
0x122: {  	s7 =	sor.u32 $0x5, s18;
	v51 =	vld [tilespmem:s8+$0x43D0];
	v29 =	vperm.xlane v29, v16;
	v44 =	vmul.bf16 v46, v49;
	v36 =	vadd.bf16 v54, v34  }
0x123: {  	s9 =	sadd.s32 s16, s7;
	v35 =	vadd.bf16 v38, v35;
	v54 =	vmul.bf16 v42, v40;
	v40 =	vmul.bf16 v58, v40  }
0x124: {  	s8 =	sshll.u32 s9, $0x4;
	v58 =	vpack.i.f32.bf16 v52, v52;
	v29 =	vpack.i.f32.bf16 v29, v29;
	v34 =	vmul.bf16 v37, v49  }
0x125: {  	s8 =	sand.u32 $0x3FFFFFF0, s8;
	v43 =	vmul.bf16 v48, v58;
	v61 =	vunpack.i.u.bf16.f32 v36;
	v37 =	vadd.bf16 v54, v44  }
0x126: {  	s9 =	sshll.u32 s7, $0x9;
	v36 =	vunpack.i.l.bf16.f32 v36;
	v46 =	vmul.bf16 v53, v29;
	v40 =	vadd.bf16 v40, v34;
	v34 =	vld [tilespmem:s8+$0x2000]  }
0x127: {  	v29 =	vmul.bf16 v56, v29;
	v41 =	vmul.bf16 v51, v58;
	s8 =	sand.u32 $0x3FFFFE00, s9;
	v37 =	vadd.bf16 v43, v37  }
0x128: {  	v52 =	vunpack.i.l.bf16.f32 v35;
	v31 =	vadd.f32 v36, v31;
	v39 =	vadd.f32 v61, v39;
	v48 =	vld [tilespmem:s8+$0x4200]  }
0x129: {  	v35 =	vunpack.i.u.bf16.f32 v35;
	v53 =	vld [tilespmem:s8+$0x4210];
	v47 =	vadd.bf16 v41, v40;
	v37 =	vadd.bf16 v46, v37  }
0x12a: {  	v24 =	vbroadcast v24, $0x0;
	v35 =	vadd.f32 v35, v30;
	v54 =	vld [tilespmem:s8+$0x4220];
	v40 =	vadd.f32 v52, v32  }
0x12b: {  	v61 =	vld [tilespmem:s8+$0x4230];
	v29 =	vadd.bf16 v29, v47;
	v56 =	vunpack.i.u.bf16.f32 v37;
	v58 =	vperm.xlane v34, v63  }
0x12c: {  	v45 =	vld [tilespmem:s8+$0x4240];
	v49 =	vunpack.i.l.bf16.f32 v37;
	v51 =	vperm.xlane v34, v1;
	v52 =	vperm.xlane v34, v3  }
0x12d: {  	v46 =	vld [tilespmem:s8+$0x4250];
	v37 =	vunpack.i.u.bf16.f32 v29;
	v29 =	vunpack.i.l.bf16.f32 v29;
	v32 =	vadd.f32 v49, v31  }
0x12e: {  	v31 =	vadd.f32 v56, v39;
	v42 =	vpack.i.f32.bf16 v58, v58;
	v44 =	vpack.i.f32.bf16 v51, v51  }
0x12f: {  	v58 =	vpack.i.f32.bf16 v52, v52;
	v38 =	vmul.bf16 v48, v42;
	v48 =	vld [tilespmem:s8+$0x4260];
	v53 =	vmul.bf16 v53, v42  }
0x130: {  	v30 =	vadd.f32 v29, v40;
	v36 =	vmul.bf16 v54, v44;
	v54 =	vld [tilespmem:s8+$0x4270];
	v56 =	vmul.bf16 v61, v44  }
0x131: {  	v43 =	vld [tilespmem:s8+$0x4280];
	v29 =	vadd.f32 v37, v35;
	v61 =	vperm.xlane v34, v2;
	v45 =	vmul.bf16 v45, v58  }
0x132: {  	s9 =	sand.u32 $0xD, s7;
	v41 =	vld [tilespmem:s8+$0x42A0];
	v46 =	vmul.bf16 v46, v58;
	v58 =	vperm.xlane v34, v5;
	v36 =	vadd.bf16 v36, v38  }
0x133: {  	v39 =	vadd.bf16 v56, v53;
	v47 =	vpack.i.f32.bf16 v61, v61;
	v53 =	vmov s9;
	v56 =	vld [tilespmem:s8+$0x42B0]  }
0x134: {  	v37 =	vld [tilespmem:s8+$0x4290];
	v40 =	vpack.i.f32.bf16 v58, v58;
	v58 =	vperm.xlane v34, v7;
	v49 =	vadd.bf16 v45, v36  }
0x135: {  	v61 =	vld [tilespmem:s8+$0x42C0];
	v39 =	vadd.bf16 v46, v39;
	v51 =	vmul.bf16 v48, v47;
	v52 =	vmul.bf16 v54, v47  }
0x136: {  	v38 =	vmov s6;
	v42 =	vperm.xlane v50, v53;
	v54 =	vperm.xlane v34, v4  }
0x137: {  	v53 =	vperm.xlane v34, v6;
	v35 =	vadd.bf16 v51, v49;
	v39 =	vadd.bf16 v52, v39;
	v52 =	vld [tilespmem:s8+$0x42D0]  }
0x138: {  	v36 =	vpack.i.f32.bf16 v54, v54;
	v49 =	vld [tilespmem:s8+$0x42E0];
	v54 =	vmul.bf16 v41, v40;
	v40 =	vmul.bf16 v56, v40  }
0x139: {  	v41 =	vld [tilespmem:s8+$0x42F0];
	v56 =	vpack.i.f32.bf16 v53, v53;
	v43 =	vmul.bf16 v43, v36;
	v36 =	vmul.bf16 v37, v36  }
0x13a: {  	v61 =	vmul.bf16 v61, v56;
	v46 =	vunpack.i.u.bf16.f32 v35;
	v35 =	vunpack.i.l.bf16.f32 v35  }
0x13b: {  	[tilespmem:$0x1FDE0] =	vst v0;
	v47 =	vld [tilespmem:s8+$0x4310];
	v0 =	vunpack.i.u.bf16.f32 v39;
	v37 =	vadd.bf16 v54, v43;
	v36 =	vadd.bf16 v40, v36  }
0x13c: {  	v53 =	vld [tilespmem:s8+$0x4300];
	v39 =	vunpack.i.l.bf16.f32 v39;
	v35 =	vadd.f32 v35, v42;
	v46 =	vadd.f32 v46, v42  }
0x13d: {  	v51 =	vmul.bf16 v52, v56;
	v52 =	vpack.i.f32.bf16 v58, v58;
	v58 =	vperm.xlane v34, v8  }
0x13e: {  	v37 =	vadd.bf16 v61, v37;
	v54 =	vmul.bf16 v49, v52;
	v56 =	vmul.bf16 v41, v52;
	v41 =	vld [tilespmem:s8+$0x4320]  }
0x13f: {  	v39 =	vadd.f32 v39, v42;
	v61 =	vld [tilespmem:s8+$0x4330];
	v36 =	vadd.bf16 v51, v36;
	v43 =	vpack.i.f32.bf16 v58, v58  }
0x140: {  	v51 =	vperm.xlane v34, v10;
	v37 =	vadd.bf16 v54, v37;
	v54 =	vperm.xlane v34, v9  }
0x141: {  	v0 =	vadd.f32 v0, v42;
	v42 =	vld [tilespmem:s8+$0x4340];
	v45 =	vmul.bf16 v53, v43;
	v43 =	vmul.bf16 v47, v43  }
0x142: {  	v36 =	vadd.bf16 v56, v36;
	v56 =	vld [tilespmem:s8+$0x4350];
	v58 =	vpack.i.f32.bf16 v51, v51;
	v40 =	vpack.i.f32.bf16 v54, v54  }
0x143: {  	v52 =	vld [tilespmem:s8+$0x4360];
	v48 =	vunpack.i.u.bf16.f32 v37;
	v37 =	vunpack.i.l.bf16.f32 v37;
	v41 =	vmul.bf16 v41, v40  }
0x144: {  	v51 =	vld [tilespmem:s8+$0x4370];
	v53 =	vunpack.i.u.bf16.f32 v36;
	v40 =	vmul.bf16 v61, v40;
	v61 =	vperm.xlane v34, v11  }
0x145: {  	v47 =	vld [tilespmem:s8+$0x43A0];
	v36 =	vunpack.i.l.bf16.f32 v36;
	v35 =	vadd.f32 v37, v35;
	v46 =	vadd.f32 v48, v46  }
0x146: {  	v42 =	vmul.bf16 v42, v58;
	v54 =	vld [tilespmem:s8+$0x4390];
	v36 =	vadd.f32 v36, v39;
	v41 =	vadd.bf16 v41, v45  }
0x147: {  	v45 =	vld [tilespmem:s8+$0x4380];
	v37 =	vadd.bf16 v40, v43;
	v40 =	vpack.i.f32.bf16 v61, v61;
	v44 =	vmul.bf16 v56, v58  }
0x148: {  	v61 =	vld [tilespmem:s8+$0x43B0];
	v56 =	vmul.bf16 v52, v40;
	v58 =	vperm.xlane v34, v12;
	v41 =	vadd.bf16 v42, v41  }
0x149: {  	v0 =	vadd.f32 v53, v0;
	v53 =	vperm.xlane v34, v14;
	v40 =	vmul.bf16 v51, v40  }
0x14a: {  	s6 =	sor.u32 $0x6, s18;
	v37 =	vadd.bf16 v44, v37;
	v39 =	vpack.i.f32.bf16 v58, v58;
	v44 =	vld [tilespmem:s8+$0x43C0];
	v41 =	vadd.bf16 v56, v41  }
0x14b: {  	s9 =	sadd.s32 s16, s6;
	v49 =	vld [tilespmem:s8+$0x43D0];
	v43 =	vmul.bf16 v54, v39;
	v54 =	vpack.i.f32.bf16 v53, v53;
	v56 =	vperm.xlane v34, v15  }
0x14c: {  	s9 =	sshll.u32 s9, $0x4;
	v58 =	vld [tilespmem:s8+$0x43E0];
	v34 =	vperm.xlane v34, v16;
	v37 =	vadd.bf16 v40, v37;
	v45 =	vmul.bf16 v45, v39  }
0x14d: {  	v47 =	vmul.bf16 v47, v54;
	v48 =	vmul.bf16 v61, v54;
	v61 =	vld [tilespmem:s8+$0x43F0];
	s8 =	sand.u32 $0x3FFFFFF0, s9;
	s9 =	sand.u32 $0xE, s6;
	v40 =	vunpack.i.u.bf16.f32 v41  }
0x14e: {  	v41 =	vunpack.i.l.bf16.f32 v41;
	v39 =	vld [tilespmem:s8+$0x2000];
	v42 =	vpack.i.f32.bf16 v56, v56;
	v53 =	vmov s9;
	s9 =	sshll.u32 s6, $0x9  }
0x14f: {  	v34 =	vpack.i.f32.bf16 v34, v34;
	v45 =	vadd.bf16 v47, v45;
	s8 =	sand.u32 $0x3FFFFE00, s9;
	v44 =	vmul.bf16 v44, v42  }
0x150: {  	v54 =	vunpack.i.u.bf16.f32 v37;
	v43 =	vadd.bf16 v48, v43;
	v42 =	vmul.bf16 v49, v42;
	v47 =	vld [tilespmem:s8+$0x4200]  }
0x151: {  	v35 =	vadd.f32 v41, v35;
	v37 =	vunpack.i.l.bf16.f32 v37;
	v49 =	vadd.bf16 v44, v45;
	v45 =	vld [tilespmem:s8+$0x4210]  }
0x152: {  	v40 =	vadd.f32 v40, v46;
	v56 =	vmul.bf16 v58, v34;
	v42 =	vadd.bf16 v42, v43;
	v43 =	vld [tilespmem:s8+$0x4220]  }
0x153: {  	v36 =	vadd.f32 v37, v36;
	v34 =	vmul.bf16 v61, v34;
	v61 =	vld [tilespmem:s8+$0x4230];
	v58 =	vperm.xlane v39, v63  }
0x154: {  	v0 =	vadd.f32 v54, v0;
	v48 =	vld [tilespmem:s8+$0x4240];
	v41 =	vadd.bf16 v56, v49;
	v56 =	vperm.xlane v39, v1  }
0x155: {  	v42 =	vadd.bf16 v34, v42;
	v49 =	vld [tilespmem:s8+$0x4250];
	v44 =	vpack.i.f32.bf16 v58, v58;
	v58 =	vperm.xlane v39, v3  }
0x156: {  	v34 =	vunpack.i.u.bf16.f32 v41;
	v47 =	vmul.bf16 v47, v44;
	v37 =	vpack.i.f32.bf16 v56, v56  }
0x157: {  	v52 =	vld [tilespmem:s8+$0x4260];
	v41 =	vunpack.i.l.bf16.f32 v41;
	v54 =	vunpack.i.l.bf16.f32 v42;
	v44 =	vmul.bf16 v45, v44  }
0x158: {  	v43 =	vmul.bf16 v43, v37;
	v45 =	vld [tilespmem:s8+$0x4270];
	v37 =	vmul.bf16 v61, v37;
	v46 =	vpack.i.f32.bf16 v58, v58  }
0x159: {  	v42 =	vunpack.i.u.bf16.f32 v42;
	v61 =	vperm.xlane v39, v2;
	v58 =	vmul.bf16 v48, v46  }
0x15a: {  	v43 =	vadd.bf16 v43, v47;
	v44 =	vadd.bf16 v37, v44;
	v46 =	vmul.bf16 v49, v46  }
0x15b: {  	v61 =	vpack.i.f32.bf16 v61, v61;
	v37 =	vadd.f32 v41, v35;
	v35 =	vadd.f32 v54, v36  }
0x15c: {  	v36 =	vadd.f32 v42, v0;
	v42 =	vld [tilespmem:s8+$0x42A0];
	v56 =	vadd.bf16 v58, v43;
	v58 =	vmul.bf16 v52, v61  }
0x15d: {  	v34 =	vadd.f32 v34, v40;
	v44 =	vadd.bf16 v46, v44;
	v46 =	vld [tilespmem:s8+$0x4280];
	v45 =	vmul.bf16 v45, v61  }
0x15e: {  	v40 =	vor.u32 v55, v24;
	v43 =	vld [tilespmem:s8+$0x4290];
	v41 =	vadd.bf16 v58, v56;
	v56 =	vperm.xlane v39, v4  }
0x15f: {  	v47 =	vld [tilespmem:s8+$0x42B0];
	v58 =	vperm.xlane v39, v5;
	v0 =	vadd.bf16 v45, v44;
	v44 =	vperm.xlane v50, v53  }
0x160: {  	v52 =	vld [tilespmem:s8+$0x42C0];
	v61 =	vunpack.i.u.bf16.f32 v41;
	v41 =	vunpack.i.l.bf16.f32 v41;
	v49 =	vpack.i.f32.bf16 v56, v56  }
0x161: {  	v51 =	vpack.i.f32.bf16 v58, v58;
	v48 =	vunpack.i.u.bf16.f32 v0;
	v53 =	vadd.f32 v41, v44  }
0x162: {  	v45 =	vadd.f32 v61, v44;
	v41 =	vld [tilespmem:s8+$0x42D0];
	v61 =	vperm.xlane v39, v6;
	v46 =	vmul.bf16 v46, v49  }
0x163: {  	v0 =	vunpack.i.l.bf16.f32 v0;
	v42 =	vmul.bf16 v42, v51;
	v43 =	vmul.bf16 v43, v49;
	v58 =	vmovc v55;
	v55 =	vld [tilespmem:s8+$0x42E0]  }
0x164: {  	v56 =	vld [tilespmem:s8+$0x42F0];
	v47 =	vmul.bf16 v47, v51;
	v0 =	vadd.f32 v0, v44;
	v49 =	vpack.i.f32.bf16 v61, v61  }
0x165: {  	v54 =	vld [tilespmem:s8+$0x4310];
	v42 =	vadd.bf16 v42, v46;
	v61 =	vperm.xlane v39, v7;
	v46 =	vmul.bf16 v52, v49  }
0x166: {  	v51 =	vld [tilespmem:s8+$0x4300];
	v44 =	vadd.f32 v48, v44;
	v48 =	vperm.xlane v39, v8;
	v43 =	vadd.bf16 v47, v43  }
0x167: {  	v47 =	vld [tilespmem:s8+$0x4320];
	v41 =	vmul.bf16 v41, v49;
	v42 =	vadd.bf16 v46, v42;
	v46 =	vpack.i.f32.bf16 v61, v61  }
0x168: {  	v49 =	vld [tilespmem:s8+$0x4330];
	v61 =	vperm.xlane v39, v9;
	v52 =	vmul.bf16 v55, v46  }
0x169: {  	v46 =	vmul.bf16 v56, v46;
	v43 =	vadd.bf16 v41, v43  }
0x16a: {  	v48 =	vpack.i.f32.bf16 v48, v48;
	v61 =	vpack.i.f32.bf16 v61, v61;
	v52 =	vadd.bf16 v52, v42  }
0x16b: {  	v42 =	vmul.bf16 v51, v48;
	v43 =	vadd.bf16 v46, v43;
	v46 =	vmul.bf16 v54, v48;
	v48 =	vld [tilespmem:s8+$0x4350]  }
0x16c: {  	v55 =	vld [tilespmem:s8+$0x4340];
	v47 =	vmul.bf16 v47, v61;
	v54 =	vunpack.i.l.bf16.f32 v52  }
0x16d: {  	v49 =	vmul.bf16 v49, v61;
	v61 =	vperm.xlane v39, v10;
	v53 =	vadd.f32 v54, v53;
	v54 =	vld [tilespmem:s8+$0x4370]  }
0x16e: {  	v56 =	vld [tilespmem:s8+$0x4360]  }
0x16f: {  	v51 =	vperm.xlane v39, v11;
	v46 =	vadd.bf16 v49, v46;
	v49 =	vpack.i.f32.bf16 v61, v61;
	v61 =	vld [tilespmem:$0x1FE00]  }
0x170: {  	v47 =	vadd.bf16 v47, v42;
	v48 =	vmul.bf16 v48, v49  }
0x171: {  	v55 =	vmul.bf16 v55, v49;
	v49 =	vpack.i.f32.bf16 v51, v51;
	v51 =	vunpack.i.l.bf16.f32 v43  }
0x172: {  	v43 =	vunpack.i.u.bf16.f32 v43;
	v46 =	vadd.bf16 v48, v46;
	v54 =	vmul.bf16 v54, v49  }
0x173: {  	v47 =	vadd.bf16 v55, v47;
	v43 =	vadd.f32 v43, v44  }
0x174: {  	v42 =	vor.u32 v61, v24;
	v61 =	vmul.bf16 v56, v49;
	v44 =	vadd.bf16 v54, v46  }
0x175: {  	v0 =	vadd.f32 v51, v0  }
0x176: {  	v47 =	vadd.bf16 v61, v47;
	v61 =	vunpack.i.l.bf16.f32 v44  }
0x177: {  	v0 =	vadd.f32 v61, v0;
	v61 =	vld [tilespmem:$0x1FD50];
	_ =	sdelay $0x4  }
0x178: {  	[tilespmem:v60+s25+$0x0] =	vst.idx.msk $0xffff, v61;
	v60 =	vld [tilespmem:$0x1FD70];
	_ =	sdelay $0x2  }
0x179: {  	v61 =	vld [tilespmem:$0x1FD60];
	_ =	sdelay $0x1  }
0x17a: {  	v52 =	vunpack.i.u.bf16.f32 v52  }
0x17b: {  	v45 =	vadd.f32 v52, v45;
	v56 =	vld [tilespmem:s8+$0x4380];
	v52 =	vunpack.i.u.bf16.f32 v47;
	v47 =	vunpack.i.l.bf16.f32 v47  }
0x17c: {  	v47 =	vadd.f32 v47, v53;
	v53 =	vld [tilespmem:s8+$0x43C0]  }
0x17d: {  	[tilespmem:v60+s25+$0x0] =	vst.idx.msk $0xffff, v61;
	v60 =	vld [tilespmem:$0x1FEF0]  }
0x17e: {  	v33 =	vshrl.u32 v33, $0x3;
	v46 =	vperm.xlane v39, v12  }
0x17f: {  	v33 =	vshll.u32 v33, v17;
	v55 =	vperm.xlane v39, v15;
	v48 =	vld [tilespmem:s8+$0x43B0]  }
0x180: {  	v41 =	vor.u32 v57, v24;
	v49 =	vld [tilespmem:s8+$0x4390];
	v46 =	vpack.i.f32.bf16 v46, v46;
	v45 =	vadd.f32 v52, v45  }
0x181: {  	v52 =	vmul.bf16 v56, v46;
	v56 =	vld [tilespmem:s8+$0x43D0];
	v61 =	vmovc v57;
	v57 =	vbroadcast v33, $0x0;
	v33 =	vpack.i.f32.bf16 v55, v55  }
0x182: {  	v54 =	vperm.xlane v39, v14;
	v55 =	vor.u32 v60, v24;
	v24 =	vmul.bf16 v53, v33;
	v53 =	vld [tilespmem:$0x1FE10];
	_ =	sdelay $0x1  }
0x183: {  	v54 =	vpack.i.f32.bf16 v54, v54;
	v60 =	vld [tilespmem:$0x1FD90]  }
0x184: {  	v48 =	vmul.bf16 v48, v54;
	v46 =	vmul.bf16 v49, v46;
	_ =	sdelay $0x1  }
0x185: {  	v46 =	vadd.bf16 v48, v46;
	v48 =	vor.u32 v53, v57;
	v53 =	vmul.bf16 v56, v33;
	v56 =	vld [tilespmem:$0x1FD80];
	_ =	sdelay $0x4  }
0x186: {  	[tilespmem:v60+s25+$0x0] =	vst.idx.msk $0xffff, v56;
	v56 =	vld [tilespmem:$0x1FE20];
	_ =	sdelay $0x1  }
0x187: {  	v60 =	vld [tilespmem:$0x1FDB0];
	_ =	sdelay $0x2  }
0x188: {  	v46 =	vadd.bf16 v53, v46;
	v53 =	vor.u32 v56, v57;
	v56 =	vld [tilespmem:$0x1FDA0];
	_ =	sdelay $0x4  }
0x189: {  	[tilespmem:v60+s25+$0x0] =	vst.idx.msk $0xffff, v56;
	v60 =	vld [tilespmem:$0x1FE30];
	_ =	sdelay $0x1  }
0x18a: {  	v51 =	vld [tilespmem:s8+$0x43A0];
	_ =	sdelay $0x2  }
0x18b: {  	v56 =	vor.u32 v60, v57;
	v60 =	vld [tilespmem:$0x1FDC0];
	_ =	sdelay $0x1  }
0x18c: {  	v51 =	vmul.bf16 v51, v54  }
0x18d: {  	v54 =	vld [tilespmem:s8+$0x43E0]  }
0x18e: {  	[tilespmem:v19+s25+$0x0] =	vst.idx.msk $0xffff, v59;
	v49 =	vmov s7;
	s7 =	sor.u32 $0x7, s18;
	v51 =	vadd.bf16 v51, v52;
	v52 =	vld [tilespmem:s8+$0x43F0]  }
0x18f: {  	s9 =	sadd.s32 s16, s7;
	[tilespmem:v18+s25+$0x0] =	vst.idx.msk $0xffff, v60;
	v18 =	vld [tilespmem:$0x1FDD0]  }
0x190: {  	v39 =	vperm.xlane v39, v16;
	s8 =	sshll.u32 s9, $0x4  }
0x191: {  	s8 =	sand.u32 $0x3FFFFFF0, s8;
	v51 =	vadd.bf16 v24, v51;
	v24 =	vmov s7;
	s7 =	sshll.u32 s7, $0x9  }
0x192: {  	v39 =	vpack.i.f32.bf16 v39, v39;
	s7 =	sand.u32 $0x3FFFFE00, s7;
	v33 =	vld [tilespmem:s8+$0x2000]  }
0x193: {  	v38 =	vshrl.u32 v38, $0x3;
	v54 =	vmul.bf16 v54, v39;
	v39 =	vmul.bf16 v52, v39;
	v52 =	vld [tilespmem:s7+$0x4200]  }
0x194: {  	v19 =	vshll.u32 v38, v17;
	v38 =	vunpack.i.u.bf16.f32 v44;
	[tilespmem:v62+s25+$0x0] =	vst.idx.msk $0xffff, v18;
	v62 =	vld [tilespmem:$0x1FDE0]  }
0x195: {  	v38 =	vadd.f32 v38, v43;
	v43 =	vld [tilespmem:s7+$0x4220]  }
0x196: {  	v59 =	vadd.bf16 v54, v51;
	v51 =	vld [tilespmem:s7+$0x4210]  }
0x197: {  	v54 =	vbroadcast v19, $0x0;
	v39 =	vadd.bf16 v39, v46;
	v46 =	vld [tilespmem:s7+$0x4230];
	v60 =	vperm.xlane v33, v1  }
0x198: {  	v19 =	vunpack.i.l.bf16.f32 v59;
	v44 =	vperm.xlane v33, v63;
	v18 =	vunpack.i.u.bf16.f32 v59;
	v59 =	vld [tilespmem:s7+$0x4240]  }
0x199: {  	v19 =	vadd.f32 v19, v47;
	v47 =	vpack.i.f32.bf16 v60, v60;
	[tilespmem:v13+s25+$0x0] =	vst.idx.msk $0xffff, v62;
	v13 =	vunpack.i.l.bf16.f32 v39;
	v62 =	vld [tilespmem:$0x1FF00]  }
0x19a: {  	v43 =	vmul.bf16 v43, v47;
	v13 =	vadd.f32 v13, v0;
	v0 =	vpack.i.f32.bf16 v44, v44;
	v44 =	vld [tilespmem:s7+$0x4250]  }
0x19b: {  	v60 =	vld [tilespmem:s7+$0x4260];
	v18 =	vadd.f32 v18, v45;
	v45 =	vmul.bf16 v52, v0;
	v52 =	vperm.xlane v33, v3  }
0x19c: {  	[tilespmem:v40+s25+$0x0] =	vst.idx.msk $0xffff, v23;
	v23 =	vunpack.i.u.bf16.f32 v39;
	v46 =	vmul.bf16 v46, v47;
	v0 =	vmul.bf16 v51, v0;
	v51 =	vld [tilespmem:s7+$0x4270]  }
0x19d: {  	v47 =	vpack.i.f32.bf16 v52, v52;
	v52 =	vperm.xlane v33, v2;
	v39 =	vadd.bf16 v43, v45;
	v43 =	vld [tilespmem:s7+$0x4280]  }
0x19e: {  	v0 =	vadd.bf16 v46, v0;
	v46 =	vld [tilespmem:s7+$0x4290];
	v57 =	vor.u32 v62, v57;
	v62 =	vmul.bf16 v59, v47  }
0x19f: {  	v44 =	vmul.bf16 v44, v47;
	v45 =	vpack.i.f32.bf16 v52, v52  }
0x1a0: {  	v39 =	vadd.bf16 v62, v39;
	v59 =	vmul.bf16 v60, v45;
	v62 =	vperm.xlane v33, v4  }
0x1a1: {  	v23 =	vadd.f32 v23, v38;
	v52 =	vld [tilespmem:s7+$0x42A0];
	v38 =	vmul.bf16 v51, v45;
	v0 =	vadd.bf16 v44, v0  }
0x1a2: {  	v60 =	vld [tilespmem:$0x1FF10];
	v39 =	vadd.bf16 v59, v39;
	v59 =	vpack.i.f32.bf16 v62, v62  }
0x1a3: {  	v0 =	vadd.bf16 v38, v0;
	v38 =	vmul.bf16 v43, v59;
	v40 =	vmul.bf16 v46, v59;
	v59 =	vld [tilespmem:$0x1FF20]  }
0x1a4: {  	[tilespmem:v41+s25+$0x0] =	vst.idx.msk $0xffff, v22;
	v47 =	vld [tilespmem:s7+$0x42C0];
	v62 =	vperm.xlane v33, v5  }
0x1a5: {  	[tilespmem:v42+s25+$0x0] =	vst.idx.msk $0xffff, v21;
	v44 =	vld [tilespmem:s7+$0x42B0]  }
0x1a6: {  	[tilespmem:v55+s25+$0x0] =	vst.idx.msk $0xffff, v20;
	v43 =	vld [tilespmem:s7+$0x42D0];
	v45 =	vpack.i.f32.bf16 v62, v62  }
0x1a7: {  	[tilespmem:v48+s25+$0x0] =	vst.idx.msk $0xffff, v28;
	v46 =	vperm.xlane v33, v6;
	v62 =	vmul.bf16 v52, v45;
	v52 =	vld [tilespmem:$0x1FE40]  }
0x1a8: {  	[tilespmem:v53+s25+$0x0] =	vst.idx.msk $0xffff, v27;
	v51 =	vor.u32 v60, v54;
	v60 =	vshrl.u32 v49, $0x3;
	v22 =	vor.u32 v59, v54;
	v59 =	vld [tilespmem:$0x1FF30]  }
0x1a9: {  	[tilespmem:v56+s25+$0x0] =	vst.idx.msk $0xffff, v26;
	v41 =	vshll.u32 v60, v17;
	v60 =	vpack.i.f32.bf16 v46, v46  }
0x1aa: {  	v44 =	vmul.bf16 v44, v45;
	v46 =	vld [tilespmem:s7+$0x42E0];
	v38 =	vadd.bf16 v62, v38;
	v62 =	vmul.bf16 v47, v60  }
0x1ab: {  	v55 =	vmovc v58;
	[tilespmem:v57+s25+$0x0] =	vst.idx.msk $0xffff, v25;
	v58 =	vunpack.i.u.bf16.f32 v39;
	v39 =	vunpack.i.l.bf16.f32 v39;
	v43 =	vmul.bf16 v43, v60;
	v60 =	vld [tilespmem:$0x1FE60]  }
0x1ac: {  	v40 =	vadd.bf16 v44, v40;
	v38 =	vadd.bf16 v62, v38;
	v62 =	vperm.xlane v50, v24;
	v50 =	vld [tilespmem:$0x1FF40]  }
0x1ad: {  	v49 =	vperm.xlane v33, v7;
	v47 =	vor.u32 v52, v54;
	v45 =	vor.u32 v59, v54;
	v54 =	vld [tilespmem:$0x1FE50]  }
0x1ae: {  	v42 =	vld [tilespmem:s7+$0x42F0];
	v21 =	vbroadcast v41, $0x0;
	v24 =	vshrl.u32 v24, $0x3;
	v40 =	vadd.bf16 v43, v40;
	[tilespmem:v51+s25+$0x0] =	vst.idx.msk $0xffff, v32  }
0x1af: {  	v56 =	vld [tilespmem:s7+$0x4330];
	v27 =	vadd.f32 v58, v62;
	v58 =	vperm.xlane v33, v9;
	v59 =	vpack.i.f32.bf16 v49, v49  }
0x1b0: {  	v57 =	vmovc v61;
	v61 =	vld [tilespmem:s7+$0x4350];
	v24 =	vshll.u32 v24, v17;
	v39 =	vadd.f32 v39, v62;
	v46 =	vmul.bf16 v46, v59  }
0x1b1: {  	v43 =	vld [tilespmem:s7+$0x4300];
	v44 =	vor.u32 v60, v21;
	v32 =	vpack.i.f32.bf16 v58, v58;
	v58 =	vperm.xlane v33, v11  }
0x1b2: {  	v51 =	vld [tilespmem:$0x1FF50];
	v48 =	vor.u32 v50, v21;
	v38 =	vadd.bf16 v46, v38;
	v41 =	vor.u32 v54, v21  }
0x1b3: {  	v52 =	vld [tilespmem:s7+$0x4360];
	v54 =	vmul.bf16 v42, v59;
	v59 =	vunpack.i.u.bf16.f32 v0;
	v0 =	vunpack.i.l.bf16.f32 v0  }
0x1b4: {  	v60 =	vunpack.i.u.bf16.f32 v38;
	v42 =	vld [tilespmem:s7+$0x4320];
	v0 =	vadd.f32 v0, v62;
	v26 =	vadd.f32 v59, v62  }
0x1b5: {  	v62 =	vunpack.i.l.bf16.f32 v38;
	v59 =	vld [tilespmem:s7+$0x4340];
	v20 =	vadd.bf16 v54, v40;
	v54 =	vperm.xlane v33, v8  }
0x1b6: {  	v49 =	vld [tilespmem:s7+$0x43A0];
	v27 =	vadd.f32 v60, v27;
	v25 =	vadd.f32 v62, v39;
	v62 =	vperm.xlane v33, v10  }
0x1b7: {  	v40 =	vld [tilespmem:s7+$0x4310];
	v38 =	vunpack.i.u.bf16.f32 v20;
	v20 =	vunpack.i.l.bf16.f32 v20;
	v60 =	vpack.i.f32.bf16 v54, v54  }
0x1b8: {  	v21 =	vor.u32 v51, v21;
	v54 =	vld [tilespmem:s7+$0x4370];
	v0 =	vadd.f32 v20, v0;
	v43 =	vmul.bf16 v43, v60  }
0x1b9: {  	v50 =	vld [tilespmem:$0x1FFA0];
	v53 =	vmul.bf16 v42, v32;
	v32 =	vmul.bf16 v56, v32;
	v56 =	vpack.i.f32.bf16 v62, v62  }
0x1ba: {  	v46 =	vld [tilespmem:s7+$0x43D0];
	v26 =	vadd.f32 v38, v26;
	v62 =	vperm.xlane v33, v12;
	v39 =	vmul.bf16 v59, v56  }
0x1bb: {  	v28 =	vmul.bf16 v61, v56;
	v59 =	vpack.i.f32.bf16 v58, v58;
	v38 =	vadd.bf16 v53, v43;
	v43 =	vld [tilespmem:s7+$0x4380]  }
0x1bc: {  	[tilespmem:v22+s25+$0x0] =	vst.idx.msk $0xffff, v31;
	v20 =	vmul.bf16 v40, v60;
	v60 =	vld [tilespmem:s7+$0x4390];
	v61 =	vmul.bf16 v52, v59;
	v52 =	vmov s6  }
0x1bd: {  	[tilespmem:v45+s25+$0x0] =	vst.idx.msk $0xffff, v30;
	v58 =	vperm.xlane v33, v14;
	v22 =	vshrl.u32 v52, $0x3;
	v53 =	vmul.bf16 v54, v59;
	v54 =	vld [tilespmem:s7+$0x43B0]  }
0x1be: {  	v45 =	vld [tilespmem:$0x1FF80];
	v20 =	vadd.bf16 v32, v20;
	v38 =	vadd.bf16 v39, v38;
	v22 =	vshll.u32 v22, v17  }
0x1bf: {  	[tilespmem:v41+s25+$0x0] =	vst.idx.msk $0xffff, v37;
	v56 =	vpack.i.f32.bf16 v62, v62;
	v40 =	vld [tilespmem:s7+$0x43C0];
	v62 =	vperm.xlane v33, v15;
	v22 =	vbroadcast v22, $0x0  }
0x1c0: {  	v20 =	vadd.bf16 v28, v20;
	v32 =	vadd.bf16 v61, v38;
	v61 =	vpack.i.f32.bf16 v58, v58;
	v58 =	vld [tilespmem:$0x1FF60]  }
0x1c1: {  	[tilespmem:v44+s25+$0x0] =	vst.idx.msk $0xffff, v34;
	v34 =	vld [tilespmem:$0x1FF70];
	v59 =	vmul.bf16 v43, v56;
	v60 =	vmul.bf16 v60, v56  }
0x1c2: {  	v52 =	vmul.bf16 v49, v61;
	v56 =	vld [tilespmem:s7+$0x43E0];
	v20 =	vadd.bf16 v53, v20;
	v53 =	vmul.bf16 v54, v61  }
0x1c3: {  	v24 =	vbroadcast v24, $0x0;
	[tilespmem:v47+s25+$0x0] =	vst.idx.msk $0xffff, v29;
	v51 =	vor.u32 v45, v22;
	v54 =	vpack.i.f32.bf16 v62, v62;
	v62 =	vld [tilespmem:s7+$0x43F0]  }
0x1c4: {  	v28 =	vadd.bf16 v52, v59;
	v52 =	vld [tilespmem:$0x1FF90];
	v29 =	vadd.bf16 v53, v60;
	v60 =	vperm.xlane v33, v16  }
0x1c5: {  	v59 =	vunpack.i.l.bf16.f32 v32;
	v39 =	vmul.bf16 v40, v54;
	v61 =	vor.u32 v58, v22  }
0x1c6: {  	v31 =	vmul.bf16 v46, v54;
	v46 =	vor.u32 v34, v22;
	v53 =	vld [tilespmem:$0x1FFB0];
	v30 =	vpack.i.f32.bf16 v60, v60  }
0x1c7: {  	[tilespmem:v48+s25+$0x0] =	vst.idx.msk $0xffff, v35;
	v32 =	vunpack.i.u.bf16.f32 v32;
	v25 =	vadd.f32 v59, v25;
	v47 =	vmul.bf16 v56, v30;
	v56 =	vld [tilespmem:$0x1FFC0]  }
0x1c8: {  	v28 =	vadd.bf16 v39, v28;
	v29 =	vadd.bf16 v31, v29;
	v60 =	vld [tilespmem:$0x1FFD0];
	v30 =	vmul.bf16 v62, v30  }
0x1c9: {  	v48 =	vadd.f32 v32, v27;
	v54 =	vor.u32 v50, v24;
	v22 =	vor.u32 v52, v22  }
0x1ca: {  	v28 =	vadd.bf16 v47, v28;
	[tilespmem:v61+s25+$0x0] =	vst.idx.msk $0xffff, v19;
	v19 =	vunpack.i.l.bf16.f32 v20;
	v29 =	vadd.bf16 v30, v29  }
0x1cb: {  	v41 =	vld [tilespmem:$0x1FEC0];
	[tilespmem:v46+s25+$0x0] =	vst.idx.msk $0xffff, v18;
	v0 =	vadd.f32 v19, v0;
	v19 =	vor.u32 v53, v24  }
0x1cc: {  	v42 =	vld [tilespmem:$0x1FED0];
	v18 =	vunpack.i.l.bf16.f32 v28;
	[tilespmem:v51+s25+$0x0] =	vst.idx.msk $0xffff, v13;
	v13 =	vunpack.i.u.bf16.f32 v20;
	v58 =	vor.u32 v56, v24  }
0x1cd: {  	p1 =	slt.u32 s18, $0x18;
	v37 =	vld [tilespmem:$0x1FE80];
	[tilespmem:v21+s25+$0x0] =	vst.idx.msk $0xffff, v36;
	v59 =	vunpack.i.u.bf16.f32 v28;
	v18 =	vadd.f32 v18, v25;
	v24 =	vor.u32 v60, v24  }
.Ltmp0:
0x1ce: {  	v36 =	vld [tilespmem:$0x1FE70];
	v61 =	vunpack.i.l.bf16.f32 v29;
	[tilespmem:v22+s25+$0x0] =	vst.idx.msk $0xffff, v23;
	v13 =	vadd.f32 v13, v26;
	v20 =	vadd.f32 v59, v48;
	(pc) =	sbr.rel @p1 .LBB2_3-.Ltmp0, $4  }
0x1cf: {  	v38 =	vld [tilespmem:$0x1FE90];
	v62 =	vunpack.i.u.bf16.f32 v29;
	v0 =	vadd.f32 v61, v0;
	[tilespmem:v54+s25+$0x0] =	vst.idx.msk $0xffff, v18  }
0x1d0: {  	v49 =	vld [tilespmem:$0x1FEE0];
	v13 =	vadd.f32 v62, v13;
	[tilespmem:v19+s25+$0x0] =	vst.idx.msk $0xffff, v20  }
0x1d1: {  	s9 =	sadd.s32 $0x8, s18;
	v40 =	vld [tilespmem:$0x1FEB0];
	[tilespmem:v58+s25+$0x0] =	vst.idx.msk $0xffff, v0  }
0x1d2: {  	s18 =	smov.u32 s9;
	v39 =	vld [tilespmem:$0x1FEA0];
	[tilespmem:v24+s25+$0x0] =	vst.idx.msk $0xffff, v13  }
0x1d3: {  	s6 =	sadd.s32 s5, s16  }
0x1d4: {  	s6 =	sshrl.u32 s6, $0x3  }
0x1d5: {  	s6 =	sadd.s32 s4, s6  }
0x1d6: {  	[hbm4b:s6+s26] =	stream.strided.scatter [tilespmem:s25], [sflag:$0x3], $0x800, s12, s26, $0x38;
	[tilespmem:$0xD200] =	vst v63  }
0x1d7: {  	_ =	swait.ge [sflag:s28], $0x1000  }
0x1d8: {  	[sflag:s28] =	ssyncset.done $0x0  }
0x1d9: {  	[sflag:s28] =	ssyncadd.s32 $0xFFFFF000  }
0x1da: {  	_ =	swait.ge [sflag:s28], $0x1000  }
0x1db: {  	[sflag:s28] =	ssyncset.done $0x0  }
0x1dc: {  	[sflag:s28] =	ssyncadd.s32 $0xFFFFF000  }
0x1dd: {  	_ =	swait.ge [sflag:s28], $0x1000  }
0x1de: {  	[sflag:s28] =	ssyncset.done $0x0  }
0x1df: {  	[sflag:s28] =	ssyncadd.s32 $0xFFFFF000  }
0x1e0: {  	_ =	swait.ge [sflag:s28], $0x1000  }
0x1e1: {  	[sflag:s28] =	ssyncset.done $0x0  }
0x1e2: {  	s6 =	simm.s32 @!p0 $0x4;
	[sflag:s28] =	ssyncadd.s32 $0xFFFFF000  }
0x1e3: {  	p1 =	seq.s32 @!p0 s3, $0x7;
	_ =	swait.ge @!p0 [sflag:s6], $0x800  }
0x1e4: {  	p1 =	por p0, !p1;
	[sflag:s6] =	ssyncset.done @!p0 $0x0  }
0x1e5: {  	[sflag:s6] =	ssyncadd.s32 @!p0 $0xFFFFF800;
	s6 =	sshll.u32 @p1 s3, $0xA  }
0x1e6: {  	s6 =	sand.u32 @p1 $0x3FFFFC00, s6  }
0x1e7: {  	s7 =	sadd.s32 @p1 $0x400, s6  }
0x1e8: {  	[tilespmem:s14], [sflag:$0x1] =	stream.indirect.gather @p1 [hbm4b:s0+s13], $0x20, s7, s13, $0xb8;
	[tilespmem:$0xD200] =	vst v63  }
0x1e9: {  	s11 =	sshll.u32 s11, $0x5;
	s7 =	sadd.s32 @p1 $0x480, s6  }
0x1ea: {  	[tilespmem:s15], [sflag:$0x1] =	stream.indirect.gather @p1 [hbm4b:s0+s13], $0x20, s7, s13, $0xb8;
	[tilespmem:$0xD200] =	vst v63  }
0x1eb: {  	s18 =	sadd.s32 $0x4000, s11;
	s7 =	sadd.s32 @p1 $0x500, s6  }
0x1ec: {  	v0 =	vmov s18;
	[tilespmem:s17], [sflag:$0x1] =	stream.indirect.gather @p1 [hbm4b:s0+s13], $0x20, s7, s13, $0xb8;
	[tilespmem:$0xD200] =	vst v63  }
0x1ed: {  	s16 =	simm.s32 $0x0;
	[tilespmem:$0x1FD40] =	vst v0;
	s6 =	sadd.s32 @p1 $0x580, s6  }
0x1ee: {  	[tilespmem:s19], [sflag:$0x1] =	stream.indirect.gather @p1 [hbm4b:s0+s13], $0x20, s6, s13, $0xb8;
	[tilespmem:$0xD200] =	vst v63  }
.LBB2_5:
0x1ef: {  	s6 =	sadd.s32 s11, s16  }
0x1f0: {  	s6 =	sshll.u32 s6, $0x4  }
0x1f1: {  	s9 =	sshll.u32 s16, $0x9;
	v27 =	vld [tilespmem:$0x1FD40];
	s6 =	sand.u32 $0x3FFFFFF0, s6  }
0x1f2: {  	v13 =	vld [tilespmem:s6+$0x2000];
	s6 =	sand.u32 $0x3FFFFE00, s9  }
0x1f3: {  	v0 =	vld [tilespmem:s6+$0x8200]  }
0x1f4: {  	v18 =	vld [tilespmem:s6+$0x8210]  }
0x1f5: {  	v19 =	vld [tilespmem:s6+$0x8220]  }
0x1f6: {  	v21 =	vld [tilespmem:s6+$0x8230]  }
0x1f7: {  	v23 =	vld [tilespmem:s6+$0x8240]  }
0x1f8: {  	v24 =	vld [tilespmem:s6+$0x8250]  }
0x1f9: {  	v26 =	vld [tilespmem:s6+$0x8260];
	v20 =	vperm.xlane v13, v63;
	v22 =	vperm.xlane v13, v1  }
0x1fa: {  	v52 =	vld [tilespmem:s6+$0x8270];
	v25 =	vperm.xlane v13, v3;
	v47 =	vperm.xlane v13, v2  }
0x1fb: {  	v61 =	vld [tilespmem:s6+$0x82C0];
	v60 =	vperm.xlane v13, v5;
	v29 =	vperm.xlane v13, v6  }
0x1fc: {  	s7 =	sand.u32 $0x10, s16;
	v28 =	vld [tilespmem:s6+$0x82D0];
	v35 =	vperm.xlane v13, v7;
	v32 =	vperm.xlane v13, v10;
	v20 =	vpack.i.f32.bf16 v20, v20  }
0x1fd: {  	v50 =	vld.idx.msk [tilespmem:v27+s7+$0x0 ss:$0x1], $0xffff;
	v22 =	vpack.i.f32.bf16 v22, v22;
	v46 =	vpack.i.f32.bf16 v25, v25;
	v0 =	vmul.bf16 v0, v20  }
0x1fe: {  	v30 =	vld [tilespmem:s6+$0x82E0];
	v54 =	vpack.i.f32.bf16 v47, v47;
	v18 =	vmul.bf16 v18, v20;
	v19 =	vmul.bf16 v19, v22  }
0x1ff: {  	s18 =	sand.u32 $0x8, s16;
	v43 =	vld [tilespmem:s6+$0x82F0];
	v34 =	vpack.i.f32.bf16 v29, v29;
	v45 =	vmul.bf16 v21, v22;
	v53 =	vmul.bf16 v24, v46  }
0x200: {  	v57 =	vmov s18;
	v21 =	vmul.bf16 v52, v54;
	v44 =	vmul.bf16 v61, v34  }
0x201: {  	v58 =	vld [tilespmem:s6+$0x82A0];
	v61 =	vperm.xlane v13, v11;
	v0 =	vadd.bf16 v19, v0;
	v19 =	vmul.bf16 v23, v46  }
0x202: {  	v59 =	vld [tilespmem:s6+$0x82B0];
	v18 =	vadd.bf16 v45, v18;
	v24 =	vperm.xlane v50, v57;
	v45 =	vmul.bf16 v28, v34  }
0x203: {  	v55 =	vld [tilespmem:s6+$0x8280];
	v46 =	vpack.i.f32.bf16 v35, v35;
	v0 =	vadd.bf16 v19, v0;
	v19 =	vmul.bf16 v26, v54  }
0x204: {  	v56 =	vld [tilespmem:s6+$0x8290];
	v48 =	vmul.bf16 v30, v46;
	v25 =	vmul.bf16 v43, v46;
	v18 =	vadd.bf16 v53, v18  }
0x205: {  	v51 =	vld [tilespmem:s6+$0x8310];
	v26 =	vpack.i.f32.bf16 v60, v60;
	v53 =	vperm.xlane v13, v8;
	v0 =	vadd.bf16 v19, v0  }
0x206: {  	v47 =	vld [tilespmem:s6+$0x8300];
	v60 =	vpack.i.f32.bf16 v32, v32;
	v19 =	vperm.xlane v13, v4;
	v18 =	vadd.bf16 v21, v18  }
0x207: {  	v52 =	vld [tilespmem:s6+$0x8320];
	v20 =	vmul.bf16 v58, v26;
	v33 =	vmul.bf16 v59, v26;
	v62 =	vunpack.i.u.bf16.f32 v0  }
0x208: {  	v54 =	vld [tilespmem:s6+$0x8330];
	v19 =	vpack.i.f32.bf16 v19, v19;
	v0 =	vunpack.i.l.bf16.f32 v0;
	v31 =	vunpack.i.u.bf16.f32 v18  }
0x209: {  	v58 =	vld [tilespmem:s6+$0x8350];
	v18 =	vunpack.i.l.bf16.f32 v18;
	v22 =	vmul.bf16 v55, v19;
	v19 =	vmul.bf16 v56, v19  }
0x20a: {  	v0 =	vadd.f32 v0, v24;
	v21 =	vadd.f32 v62, v24;
	v55 =	vperm.xlane v13, v9;
	v56 =	vld [tilespmem:s6+$0x8340]  }
0x20b: {  	v18 =	vadd.f32 v18, v24;
	v62 =	vld [tilespmem:s6+$0x8370];
	v20 =	vadd.bf16 v20, v22;
	v22 =	vpack.i.f32.bf16 v53, v53  }
0x20c: {  	v24 =	vadd.f32 v31, v24;
	v29 =	vpack.i.f32.bf16 v55, v55;
	v26 =	vmul.bf16 v47, v22  }
0x20d: {  	v19 =	vadd.bf16 v33, v19;
	v22 =	vmul.bf16 v51, v22;
	v23 =	vmul.bf16 v52, v29  }
0x20e: {  	v33 =	vld [tilespmem:s6+$0x8360];
	v59 =	vmul.bf16 v54, v29;
	v54 =	vperm.xlane v13, v12;
	v20 =	vadd.bf16 v44, v20  }
0x20f: {  	v19 =	vadd.bf16 v45, v19;
	v44 =	vmul.bf16 v58, v60;
	v45 =	vpack.i.f32.bf16 v61, v61  }
0x210: {  	v46 =	vld [tilespmem:s6+$0x8380];
	v23 =	vadd.bf16 v23, v26;
	v43 =	vmul.bf16 v56, v60;
	v53 =	vmul.bf16 v62, v45  }
0x211: {  	v55 =	vld [tilespmem:s6+$0x83B0];
	v22 =	vadd.bf16 v59, v22;
	v56 =	vperm.xlane v13, v14;
	v60 =	vperm.xlane v13, v15  }
0x212: {  	v51 =	vld [tilespmem:s6+$0x8390];
	v13 =	vperm.xlane v13, v16;
	v20 =	vadd.bf16 v48, v20;
	v19 =	vadd.bf16 v25, v19  }
0x213: {  	v52 =	vld [tilespmem:s6+$0x83A0];
	v47 =	vadd.bf16 v43, v23;
	v48 =	vmul.bf16 v33, v45;
	v22 =	vadd.bf16 v44, v22  }
0x214: {  	v61 =	vld [tilespmem:s6+$0x83E0];
	v23 =	vpack.i.f32.bf16 v54, v54;
	v43 =	vpack.i.f32.bf16 v60, v60;
	v13 =	vpack.i.f32.bf16 v13, v13  }
0x215: {  	v59 =	vld [tilespmem:s6+$0x83D0];
	v57 =	vunpack.i.u.bf16.f32 v20;
	v20 =	vunpack.i.l.bf16.f32 v20;
	v34 =	vunpack.i.u.bf16.f32 v19  }
0x216: {  	v19 =	vunpack.i.l.bf16.f32 v19;
	v29 =	vmul.bf16 v46, v23;
	v21 =	vadd.f32 v57, v21;
	v57 =	vld [tilespmem:s6+$0x83C0]  }
0x217: {  	v62 =	vld [tilespmem:s6+$0x83F0];
	v23 =	vmul.bf16 v51, v23;
	v0 =	vadd.f32 v20, v0;
	v20 =	vadd.bf16 v48, v47  }
0x218: {  	s7 =	sor.u32 $0x1, s16;
	v18 =	vadd.f32 v19, v18;
	v19 =	vadd.f32 v34, v24;
	v24 =	vpack.i.f32.bf16 v56, v56  }
0x219: {  	s8 =	sadd.s32 s11, s7;
	v22 =	vadd.bf16 v53, v22;
	v48 =	vmul.bf16 v61, v13;
	v25 =	vmul.bf16 v52, v24  }
0x21a: {  	s6 =	sshll.u32 s8, $0x4;
	v24 =	vmul.bf16 v55, v24;
	v46 =	vmul.bf16 v59, v43;
	v58 =	vunpack.i.u.bf16.f32 v20  }
0x21b: {  	s6 =	sand.u32 $0x3FFFFFF0, s6;
	v20 =	vunpack.i.l.bf16.f32 v20;
	v25 =	vadd.bf16 v25, v29;
	v45 =	vmul.bf16 v57, v43  }
0x21c: {  	v51 =	vmul.bf16 v62, v13;
	v13 =	vld [tilespmem:s6+$0x2000];
	v23 =	vadd.bf16 v24, v23;
	v0 =	vadd.f32 v20, v0  }
0x21d: {  	s9 =	sshll.u32 s7, $0x9;
	v44 =	vunpack.i.l.bf16.f32 v22;
	v21 =	vadd.f32 v58, v21;
	v47 =	vadd.bf16 v45, v25  }
0x21e: {  	v22 =	vunpack.i.u.bf16.f32 v22;
	s6 =	sand.u32 $0x3FFFFE00, s9;
	v18 =	vadd.f32 v44, v18;
	v23 =	vadd.bf16 v46, v23  }
0x21f: {  	v53 =	vmov s16;
	s8 =	sand.u32 $0x9, s7;
	v19 =	vadd.f32 v22, v19;
	v54 =	vld [tilespmem:s6+$0x8200];
	v20 =	vadd.bf16 v48, v47  }
0x220: {  	v55 =	vld [tilespmem:s6+$0x8210];
	v43 =	vmov s8;
	v52 =	vadd.bf16 v51, v23;
	v23 =	vshrl.u32 v53, $0x3  }
0x221: {  	v60 =	vld [tilespmem:s6+$0x8230];
	v59 =	vperm.xlane v13, v63;
	v25 =	vunpack.i.u.bf16.f32 v20;
	v20 =	vunpack.i.l.bf16.f32 v20  }
0x222: {  	v32 =	vld [tilespmem:s6+$0x8260];
	v31 =	vperm.xlane v13, v3;
	v35 =	vperm.xlane v13, v2;
	v0 =	vadd.f32 v20, v0  }
0x223: {  	v61 =	vld [tilespmem:s6+$0x8240];
	v46 =	vperm.xlane v13, v4;
	v53 =	vperm.xlane v13, v5;
	v23 =	vshll.u32 v23, v17  }
0x224: {  	v62 =	vld [tilespmem:s6+$0x8250];
	v56 =	vunpack.i.u.bf16.f32 v52;
	v58 =	vbroadcast v23, $0x0;
	[tilespmem:$0x1FCE0] =	vst v0;
	v0 =	vadd.f32 v25, v21  }
0x225: {  	v57 =	vld [tilespmem:s6+$0x8220];
	v22 =	vunpack.i.l.bf16.f32 v52;
	v24 =	vpack.i.f32.bf16 v31, v31;
	v52 =	vperm.xlane v50, v43  }
0x226: {  	v45 =	vld [tilespmem:s6+$0x82A0];
	v48 =	vor.u32 v37, v58;
	v37 =	vpack.i.f32.bf16 v35, v35;
	[tilespmem:$0x1FCF0] =	vst v0;
	v0 =	vadd.f32 v22, v18  }
0x227: {  	v51 =	vld [tilespmem:s6+$0x82B0];
	v47 =	vor.u32 v36, v58;
	v44 =	vmul.bf16 v32, v37;
	v18 =	vperm.xlane v13, v1  }
0x228: {  	v34 =	vld [tilespmem:s6+$0x8270];
	v21 =	vmul.bf16 v61, v24;
	[tilespmem:$0x1FD00] =	vst v0;
	v0 =	vadd.f32 v56, v19;
	v19 =	vpack.i.f32.bf16 v59, v59  }
0x229: {  	v36 =	vld [tilespmem:s6+$0x8280];
	v18 =	vpack.i.f32.bf16 v18, v18;
	v23 =	vmul.bf16 v54, v19;
	v19 =	vmul.bf16 v55, v19  }
0x22a: {  	v59 =	vld [tilespmem:s6+$0x82E0];
	v33 =	vmul.bf16 v57, v18;
	v18 =	vmul.bf16 v60, v18;
	v57 =	vpack.i.f32.bf16 v53, v53  }
0x22b: {  	v54 =	vld [tilespmem:s6+$0x82C0];
	v53 =	vperm.xlane v13, v9;
	[tilespmem:$0x1FD20] =	vst v0;
	v0 =	vor.u32 v38, v58;
	v61 =	vmul.bf16 v45, v57  }
0x22c: {  	v55 =	vld [tilespmem:s6+$0x82D0];
	v26 =	vmul.bf16 v51, v57;
	v57 =	vperm.xlane v13, v10;
	v18 =	vadd.bf16 v18, v19  }
0x22d: {  	v45 =	vld [tilespmem:s6+$0x8320];
	[tilespmem:$0x1FD10] =	vst v0;
	v19 =	vmul.bf16 v62, v24;
	v0 =	vor.u32 v39, v58;
	v58 =	vperm.xlane v13, v6  }
0x22e: {  	v51 =	vld [tilespmem:s6+$0x8330];
	v23 =	vadd.bf16 v33, v23;
	v33 =	vperm.xlane v13, v7;
	v30 =	vpack.i.f32.bf16 v53, v53  }
0x22f: {  	v38 =	vld [tilespmem:s6+$0x8290];
	v18 =	vadd.bf16 v19, v18;
	v19 =	vmul.bf16 v34, v37;
	v32 =	vpack.i.f32.bf16 v58, v58  }
0x230: {  	v62 =	vld [tilespmem:s6+$0x82F0];
	v21 =	vadd.bf16 v21, v23;
	v35 =	vpack.i.f32.bf16 v33, v33;
	v34 =	vmul.bf16 v54, v32  }
0x231: {  	v22 =	vmul.bf16 v55, v32;
	v37 =	vmul.bf16 v59, v35;
	v18 =	vadd.bf16 v19, v18  }
0x232: {  	v19 =	vpack.i.f32.bf16 v46, v46;
	v46 =	vperm.xlane v13, v8;
	v24 =	vmul.bf16 v45, v30  }
0x233: {  	v29 =	vmul.bf16 v51, v30;
	v45 =	vperm.xlane v13, v12  }
0x234: {  	v54 =	vld [tilespmem:s6+$0x8340];
	v21 =	vadd.bf16 v44, v21;
	v51 =	vperm.xlane v13, v14;
	v56 =	vmul.bf16 v36, v19  }
0x235: {  	v43 =	vld [tilespmem:s6+$0x8310];
	v59 =	vpack.i.f32.bf16 v57, v57;
	v19 =	vmul.bf16 v38, v19;
	v39 =	vmul.bf16 v62, v35  }
0x236: {  	v38 =	vld [tilespmem:s6+$0x8300];
	v60 =	vunpack.i.u.bf16.f32 v21;
	v21 =	vunpack.i.l.bf16.f32 v21;
	v36 =	vunpack.i.u.bf16.f32 v18  }
0x237: {  	v58 =	vld [tilespmem:s6+$0x8370];
	v18 =	vunpack.i.l.bf16.f32 v18;
	v23 =	vadd.bf16 v61, v56;
	v19 =	vadd.bf16 v26, v19  }
0x238: {  	v35 =	vld [tilespmem:s6+$0x8360];
	v53 =	vpack.i.f32.bf16 v45, v45;
	v21 =	vadd.f32 v21, v52;
	v44 =	vadd.f32 v60, v52  }
0x239: {  	v18 =	vadd.f32 v18, v52;
	v60 =	vperm.xlane v13, v11;
	v62 =	vmul.bf16 v54, v59  }
0x23a: {  	v56 =	vld [tilespmem:s6+$0x8350];
	v23 =	vadd.bf16 v34, v23;
	v19 =	vadd.bf16 v22, v19;
	v22 =	vpack.i.f32.bf16 v46, v46  }
0x23b: {  	v20 =	vadd.f32 v36, v52;
	v36 =	vld [tilespmem:s6+$0x8380];
	v28 =	vmul.bf16 v38, v22;
	v22 =	vmul.bf16 v43, v22  }
0x23c: {  	v54 =	vld [tilespmem:s6+$0x83D0];
	v38 =	vpack.i.f32.bf16 v60, v60;
	v23 =	vadd.bf16 v37, v23;
	v19 =	vadd.bf16 v39, v19  }
0x23d: {  	v46 =	vld [tilespmem:s6+$0x83B0];
	v43 =	vmul.bf16 v35, v38;
	v25 =	vmul.bf16 v58, v38;
	v61 =	vadd.bf16 v24, v28  }
0x23e: {  	v39 =	vld [tilespmem:s6+$0x8390];
	v22 =	vadd.bf16 v29, v22;
	v52 =	vunpack.i.u.bf16.f32 v23;
	v23 =	vunpack.i.l.bf16.f32 v23  }
0x23f: {  	v58 =	vld [tilespmem:s6+$0x83F0];
	v37 =	vmul.bf16 v56, v59;
	v55 =	vunpack.i.u.bf16.f32 v19;
	v21 =	vadd.f32 v23, v21  }
0x240: {  	v56 =	vld [tilespmem:s6+$0x83E0];
	v19 =	vunpack.i.l.bf16.f32 v19;
	v26 =	vadd.f32 v52, v44;
	v23 =	vadd.bf16 v62, v61  }
0x241: {  	v44 =	vld [tilespmem:s6+$0x83A0];
	v18 =	vadd.f32 v19, v18;
	v19 =	vadd.f32 v55, v20;
	v55 =	vperm.xlane v13, v15  }
0x242: {  	v28 =	vmul.bf16 v36, v53;
	v22 =	vadd.bf16 v37, v22;
	v13 =	vperm.xlane v13, v16  }
0x243: {  	v52 =	vld [tilespmem:s6+$0x83C0];
	v20 =	vpack.i.f32.bf16 v51, v51;
	v23 =	vadd.bf16 v43, v23;
	v29 =	vpack.i.f32.bf16 v55, v55  }
0x244: {  	v24 =	vmul.bf16 v39, v53;
	v13 =	vpack.i.f32.bf16 v13, v13;
	v60 =	vmul.bf16 v54, v29  }
0x245: {  	v22 =	vadd.bf16 v25, v22;
	v62 =	vmul.bf16 v56, v13;
	v13 =	vmul.bf16 v58, v13  }
0x246: {  	v35 =	vmov s7;
	v27 =	vmul.bf16 v44, v20;
	v20 =	vmul.bf16 v46, v20  }
0x247: {  	s6 =	sor.u32 $0x2, s16;
	v57 =	vunpack.i.u.bf16.f32 v23;
	v61 =	vunpack.i.u.bf16.f32 v22;
	v22 =	vunpack.i.l.bf16.f32 v22  }
0x248: {  	s18 =	sadd.s32 s11, s6;
	v59 =	vmul.bf16 v52, v29;
	v27 =	vadd.bf16 v27, v28;
	v20 =	vadd.bf16 v20, v24  }
0x249: {  	s8 =	sshll.u32 s18, $0x4;
	v23 =	vunpack.i.l.bf16.f32 v23;
	v18 =	vadd.f32 v22, v18;
	v22 =	vshrl.u32 v35, $0x3  }
0x24a: {  	s9 =	sshll.u32 s6, $0x9;
	s8 =	sand.u32 $0x3FFFFFF0, s8;
	v22 =	vshll.u32 v22, v17;
	v27 =	vadd.bf16 v59, v27;
	v32 =	vadd.bf16 v60, v20  }
0x24b: {  	s18 =	sand.u32 $0x3FFFFE00, s9;
	v21 =	vadd.f32 v23, v21;
	v51 =	vbroadcast v22, $0x0;
	v20 =	vld [tilespmem:s8+$0x2000]  }
0x24c: {  	v37 =	vld [tilespmem:s18+$0x8200];
	v34 =	vadd.bf16 v62, v27;
	v13 =	vadd.bf16 v13, v32  }
0x24d: {  	v39 =	vld [tilespmem:s18+$0x8210];
	v33 =	vadd.f32 v57, v26;
	v19 =	vadd.f32 v61, v19;
	v43 =	vor.u32 v42, v51  }
0x24e: {  	v53 =	vld [tilespmem:s18+$0x8230];
	v36 =	vunpack.i.u.bf16.f32 v34;
	v38 =	vunpack.i.u.bf16.f32 v13;
	v13 =	vunpack.i.l.bf16.f32 v13  }
0x24f: {  	v55 =	vld [tilespmem:s18+$0x8240];
	v26 =	vunpack.i.l.bf16.f32 v34;
	v45 =	vadd.f32 v36, v33;
	v60 =	vadd.f32 v13, v18  }
0x250: {  	s9 =	sand.u32 $0xA, s6;
	v52 =	vld [tilespmem:s18+$0x8220];
	v13 =	vperm.xlane v20, v63;
	v59 =	vadd.f32 v38, v19;
	v19 =	vor.u32 v40, v51  }
0x251: {  	v61 =	vld [tilespmem:s18+$0x8260];
	v54 =	vperm.xlane v20, v1;
	v58 =	vperm.xlane v20, v3;
	v40 =	vmov s9  }
0x252: {  	v57 =	vld [tilespmem:s18+$0x8250];
	v18 =	vor.u32 v41, v51;
	v38 =	vperm.xlane v20, v2;
	v32 =	vperm.xlane v50, v40  }
0x253: {  	v42 =	vld [tilespmem:s18+$0x8290];
	v40 =	vperm.xlane v20, v7;
	v56 =	vpack.i.f32.bf16 v13, v13;
	v24 =	vpack.i.f32.bf16 v54, v54  }
0x254: {  	v36 =	vld [tilespmem:s18+$0x8270];
	v13 =	vor.u32 v49, v51;
	v25 =	vmul.bf16 v37, v56;
	v62 =	vmul.bf16 v39, v56  }
0x255: {  	v49 =	vpack.i.f32.bf16 v38, v38;
	v51 =	vld [tilespmem:s18+$0x82A0];
	v22 =	vmul.bf16 v52, v24;
	v23 =	vmul.bf16 v53, v24  }
0x256: {  	v54 =	vld [tilespmem:s18+$0x82B0];
	v37 =	vpack.i.f32.bf16 v58, v58;
	v52 =	vmul.bf16 v61, v49;
	v53 =	vperm.xlane v20, v4  }
0x257: {  	v44 =	vadd.f32 v26, v21;
	v39 =	vld [tilespmem:s18+$0x8280];
	v61 =	vperm.xlane v20, v6;
	v41 =	vmul.bf16 v55, v37  }
0x258: {  	v56 =	vld [tilespmem:s18+$0x82C0];
	v46 =	vmul.bf16 v57, v37;
	v55 =	vperm.xlane v20, v5;
	v22 =	vadd.bf16 v22, v25  }
0x259: {  	v58 =	vld [tilespmem:s18+$0x82D0];
	v21 =	vadd.bf16 v23, v62;
	v24 =	vmul.bf16 v36, v49;
	v57 =	vpack.i.f32.bf16 v53, v53  }
0x25a: {  	v38 =	vld [tilespmem:s18+$0x82F0];
	v49 =	vpack.i.f32.bf16 v40, v40;
	v23 =	vpack.i.f32.bf16 v55, v55;
	v36 =	vmul.bf16 v42, v57  }
0x25b: {  	v62 =	vld [tilespmem:s18+$0x82E0];
	v22 =	vadd.bf16 v41, v22;
	v21 =	vadd.bf16 v46, v21;
	v37 =	vmul.bf16 v51, v23  }
0x25c: {  	v23 =	vmul.bf16 v54, v23;
	v29 =	vmul.bf16 v39, v57;
	v39 =	vpack.i.f32.bf16 v61, v61  }
0x25d: {  	v61 =	vperm.xlane v20, v8;
	v22 =	vadd.bf16 v52, v22;
	v21 =	vadd.bf16 v24, v21  }
0x25e: {  	v42 =	vmul.bf16 v56, v39;
	v23 =	vadd.bf16 v23, v36;
	v46 =	vmul.bf16 v58, v39  }
0x25f: {  	v53 =	vld [tilespmem:s18+$0x8300];
	v52 =	vmul.bf16 v38, v49;
	v39 =	vperm.xlane v20, v9;
	v25 =	vadd.bf16 v37, v29  }
0x260: {  	v57 =	vld [tilespmem:s18+$0x8320];
	v51 =	vmul.bf16 v62, v49;
	v41 =	vunpack.i.u.bf16.f32 v22;
	v22 =	vunpack.i.l.bf16.f32 v22  }
0x261: {  	v23 =	vadd.bf16 v46, v23;
	v54 =	vunpack.i.l.bf16.f32 v21;
	v21 =	vunpack.i.u.bf16.f32 v21  }
0x262: {  	v40 =	vld [tilespmem:s18+$0x8340];
	v34 =	vpack.i.f32.bf16 v39, v39;
	v25 =	vadd.bf16 v42, v25;
	v22 =	vadd.f32 v22, v32  }
0x263: {  	v62 =	vld [tilespmem:s18+$0x8330];
	v46 =	vperm.xlane v20, v10;
	v55 =	vadd.f32 v41, v32;
	v27 =	vadd.f32 v54, v32  }
0x264: {  	v56 =	vld [tilespmem:s18+$0x8310];
	v21 =	vadd.f32 v21, v32;
	v41 =	vpack.i.f32.bf16 v61, v61;
	v54 =	vperm.xlane v20, v11  }
0x265: {  	v42 =	vld [tilespmem:s18+$0x8350];
	v23 =	vadd.bf16 v52, v23;
	v26 =	vmul.bf16 v53, v41;
	v24 =	vmul.bf16 v57, v34  }
0x266: {  	v49 =	vld [tilespmem:s18+$0x8360];
	v53 =	vpack.i.f32.bf16 v46, v46;
	v46 =	vperm.xlane v20, v14;
	v25 =	vadd.bf16 v51, v25  }
0x267: {  	v57 =	vld [tilespmem:s18+$0x8390];
	v61 =	vpack.i.f32.bf16 v54, v54;
	v33 =	vunpack.i.u.bf16.f32 v23;
	v23 =	vunpack.i.l.bf16.f32 v23  }
0x268: {  	v51 =	vld [tilespmem:s18+$0x8370];
	v52 =	vmul.bf16 v62, v34;
	v58 =	vunpack.i.u.bf16.f32 v25;
	v25 =	vunpack.i.l.bf16.f32 v25  }
0x269: {  	v24 =	vadd.bf16 v24, v26;
	v62 =	vld [tilespmem:s18+$0x83A0];
	v22 =	vadd.f32 v25, v22;
	v25 =	vmul.bf16 v56, v41  }
0x26a: {  	v29 =	vadd.f32 v58, v55;
	v55 =	vld [tilespmem:s18+$0x8380];
	v56 =	vmul.bf16 v40, v53;
	v58 =	vmul.bf16 v42, v53  }
0x26b: {  	v23 =	vadd.f32 v23, v27;
	v40 =	vmul.bf16 v49, v61;
	v41 =	vperm.xlane v20, v12;
	v42 =	vld [tilespmem:s18+$0x83B0]  }
0x26c: {  	v21 =	vadd.f32 v33, v21;
	v49 =	vld [tilespmem:s18+$0x83C0];
	v53 =	vperm.xlane v20, v15;
	v20 =	vperm.xlane v20, v16  }
0x26d: {  	v30 =	vpack.i.f32.bf16 v46, v46;
	v25 =	vadd.bf16 v52, v25;
	v24 =	vadd.bf16 v56, v24  }
0x26e: {  	v28 =	vmul.bf16 v51, v61;
	v51 =	vpack.i.f32.bf16 v41, v41;
	v52 =	vld [tilespmem:s18+$0x83D0];
	v20 =	vpack.i.f32.bf16 v20, v20  }
0x26f: {  	v56 =	vmul.bf16 v62, v30;
	v25 =	vadd.bf16 v58, v25;
	v24 =	vadd.bf16 v40, v24  }
0x270: {  	v54 =	vld [tilespmem:s18+$0x83E0];
	v58 =	vpack.i.f32.bf16 v53, v53;
	v34 =	vmul.bf16 v55, v51;
	v55 =	vmul.bf16 v57, v51  }
0x271: {  	s7 =	sor.u32 $0x3, s16;
	v57 =	vld [tilespmem:s18+$0x83F0];
	v30 =	vmul.bf16 v42, v30;
	v33 =	vmul.bf16 v49, v58;
	v42 =	vmov s6  }
0x272: {  	s18 =	sadd.s32 s11, s7;
	v28 =	vadd.bf16 v28, v25;
	v61 =	vunpack.i.u.bf16.f32 v24;
	v24 =	vunpack.i.l.bf16.f32 v24  }
0x273: {  	s8 =	sshll.u32 s18, $0x4;
	v26 =	vadd.bf16 v56, v34;
	v25 =	vadd.bf16 v30, v55;
	v62 =	vmul.bf16 v52, v58  }
0x274: {  	s9 =	sshll.u32 s7, $0x9;
	s8 =	sand.u32 $0x3FFFFFF0, s8;
	v22 =	vadd.f32 v24, v22;
	v29 =	vadd.f32 v61, v29;
	v24 =	vshrl.u32 v42, $0x3  }
0x275: {  	s18 =	sand.u32 $0xB, s7;
	v26 =	vadd.bf16 v33, v26;
	v33 =	vmul.bf16 v54, v20;
	v34 =	vadd.bf16 v62, v25;
	v25 =	vld [tilespmem:s8+$0x2000];
	s8 =	sand.u32 $0x3FFFFE00, s9  }
0x276: {  	v42 =	vmov s18;
	v36 =	vunpack.i.l.bf16.f32 v28;
	v20 =	vmul.bf16 v57, v20;
	v37 =	vld [tilespmem:s8+$0x8200]  }
0x277: {  	v28 =	vunpack.i.u.bf16.f32 v28;
	v27 =	vadd.f32 v36, v23;
	v40 =	vld [tilespmem:s8+$0x8210];
	v26 =	vadd.bf16 v33, v26  }
0x278: {  	v24 =	vshll.u32 v24, v17;
	v28 =	vadd.f32 v28, v21;
	v46 =	vld [tilespmem:s8+$0x8220];
	v20 =	vadd.bf16 v20, v34  }
0x279: {  	v24 =	vbroadcast v24, $0x0;
	v36 =	vperm.xlane v50, v42;
	v51 =	vld [tilespmem:s8+$0x8230];
	v38 =	vunpack.i.u.bf16.f32 v26  }
0x27a: {  	v53 =	vld [tilespmem:s8+$0x8240];
	v39 =	vunpack.i.l.bf16.f32 v26;
	v41 =	vunpack.i.u.bf16.f32 v20;
	v20 =	vunpack.i.l.bf16.f32 v20  }
0x27b: {  	v55 =	vld [tilespmem:s8+$0x8250];
	v23 =	vadd.f32 v39, v22;
	v49 =	vperm.xlane v25, v63;
	v52 =	vperm.xlane v25, v1  }
0x27c: {  	v57 =	vld [tilespmem:s8+$0x8260];
	v22 =	vadd.f32 v38, v29;
	v56 =	vperm.xlane v25, v3;
	v42 =	vperm.xlane v25, v6  }
0x27d: {  	v61 =	vld [tilespmem:s8+$0x8270];
	v21 =	vadd.f32 v20, v27;
	v20 =	vadd.f32 v41, v28;
	v54 =	vpack.i.f32.bf16 v49, v49  }
0x27e: {  	v41 =	vld [tilespmem:s8+$0x8280];
	v29 =	vpack.i.f32.bf16 v52, v52;
	v30 =	vmul.bf16 v37, v54;
	v26 =	vmul.bf16 v40, v54  }
0x27f: {  	v62 =	vpack.i.f32.bf16 v56, v56;
	v49 =	vld [tilespmem:s8+$0x8290];
	v58 =	vmul.bf16 v46, v29;
	v40 =	vperm.xlane v25, v2  }
0x280: {  	v56 =	vld [tilespmem:s8+$0x82B0];
	v29 =	vmul.bf16 v51, v29;
	v46 =	vmul.bf16 v53, v62  }
0x281: {  	v51 =	vmul.bf16 v55, v62;
	v53 =	vld [tilespmem:s8+$0x82A0];
	v55 =	vperm.xlane v25, v4;
	v52 =	vpack.i.f32.bf16 v40, v40  }
0x282: {  	v62 =	vld [tilespmem:s8+$0x82D0];
	v27 =	vadd.bf16 v58, v30;
	v26 =	vadd.bf16 v29, v26;
	v54 =	vmul.bf16 v57, v52  }
0x283: {  	v34 =	vpack.i.f32.bf16 v42, v42;
	v58 =	vld [tilespmem:s8+$0x82C0];
	v57 =	vperm.xlane v25, v5;
	v28 =	vmul.bf16 v61, v52  }
0x284: {  	v61 =	vpack.i.f32.bf16 v55, v55;
	v27 =	vadd.bf16 v46, v27;
	v26 =	vadd.bf16 v51, v26  }
0x285: {  	v52 =	vld [tilespmem:s8+$0x82F0];
	v33 =	vmul.bf16 v41, v61;
	v49 =	vmul.bf16 v49, v61;
	v29 =	vpack.i.f32.bf16 v57, v57  }
0x286: {  	v46 =	vld [tilespmem:s8+$0x82E0];
	v27 =	vadd.bf16 v54, v27;
	v51 =	vmul.bf16 v53, v29;
	v29 =	vmul.bf16 v56, v29  }
0x287: {  	v26 =	vadd.bf16 v28, v26;
	v53 =	vperm.xlane v25, v7;
	v56 =	vmul.bf16 v62, v34  }
0x288: {  	v55 =	vmul.bf16 v58, v34;
	v54 =	vunpack.i.u.bf16.f32 v27;
	v30 =	vadd.bf16 v51, v33  }
0x289: {  	v62 =	vld [tilespmem:s8+$0x8300];
	v28 =	vadd.bf16 v29, v49;
	v57 =	vpack.i.f32.bf16 v53, v53;
	v27 =	vunpack.i.l.bf16.f32 v27  }
0x28a: {  	v42 =	vunpack.i.l.bf16.f32 v26;
	v26 =	vunpack.i.u.bf16.f32 v26;
	v53 =	vperm.xlane v25, v8  }
0x28b: {  	v51 =	vld [tilespmem:s8+$0x8320];
	v58 =	vmul.bf16 v46, v57;
	v27 =	vadd.f32 v27, v36;
	v61 =	vmul.bf16 v52, v57  }
0x28c: {  	v49 =	vld [tilespmem:s8+$0x8310];
	v46 =	vadd.f32 v54, v36;
	v32 =	vadd.f32 v42, v36;
	v42 =	vperm.xlane v25, v14  }
0x28d: {  	v33 =	vld [tilespmem:s8+$0x8370];
	v30 =	vadd.bf16 v55, v30;
	v55 =	vperm.xlane v25, v9;
	v57 =	vpack.i.f32.bf16 v53, v53  }
0x28e: {  	v26 =	vadd.f32 v26, v36;
	v54 =	vld [tilespmem:s8+$0x8330];
	v28 =	vadd.bf16 v56, v28;
	v31 =	vmul.bf16 v62, v57  }
0x28f: {  	v56 =	vld [tilespmem:s8+$0x8340];
	v35 =	vpack.i.f32.bf16 v42, v42;
	v30 =	vadd.bf16 v58, v30;
	v39 =	vpack.i.f32.bf16 v55, v55  }
0x290: {  	v62 =	vld [tilespmem:s8+$0x8360];
	v28 =	vadd.bf16 v61, v28;
	v61 =	vperm.xlane v25, v10;
	v29 =	vmul.bf16 v51, v39  }
0x291: {  	v58 =	vld [tilespmem:s8+$0x8350];
	v51 =	vperm.xlane v25, v11;
	v52 =	vunpack.i.u.bf16.f32 v30;
	v30 =	vunpack.i.l.bf16.f32 v30  }
0x292: {  	v38 =	vunpack.i.u.bf16.f32 v28;
	v28 =	vunpack.i.l.bf16.f32 v28;
	v34 =	vadd.f32 v52, v46;
	v52 =	vld [tilespmem:s8+$0x8380]  }
0x293: {  	v27 =	vadd.f32 v30, v27;
	v30 =	vmul.bf16 v49, v57;
	v46 =	vmul.bf16 v54, v39;
	v54 =	vld [tilespmem:s8+$0x8390]  }
0x294: {  	v49 =	vpack.i.f32.bf16 v61, v61;
	v28 =	vadd.f32 v28, v32;
	v29 =	vadd.bf16 v29, v31;
	v57 =	vld [tilespmem:s8+$0x83A0]  }
0x295: {  	v61 =	vperm.xlane v25, v12;
	v53 =	vmul.bf16 v56, v49;
	v56 =	vpack.i.f32.bf16 v51, v51;
	v51 =	vld [tilespmem:s8+$0x83D0]  }
0x296: {  	v30 =	vadd.bf16 v46, v30;
	v55 =	vmul.bf16 v58, v49;
	v58 =	vmul.bf16 v62, v56;
	v62 =	vld [tilespmem:s8+$0x83B0]  }
0x297: {  	v26 =	vadd.f32 v38, v26;
	v46 =	vld [tilespmem:s8+$0x83C0];
	v49 =	vpack.i.f32.bf16 v61, v61;
	v29 =	vadd.bf16 v53, v29  }
0x298: {  	s6 =	sor.u32 $0x4, s16;
	v33 =	vmul.bf16 v33, v56;
	v53 =	vld [tilespmem:s8+$0x83E0];
	v30 =	vadd.bf16 v55, v30;
	v39 =	vmul.bf16 v52, v49  }
0x299: {  	s9 =	sadd.s32 s11, s6;
	v29 =	vadd.bf16 v58, v29;
	v52 =	vperm.xlane v25, v15;
	v31 =	vmul.bf16 v54, v49  }
0x29a: {  	v55 =	vld [tilespmem:s8+$0x83F0];
	s8 =	sshll.u32 s9, $0x4;
	v54 =	vmul.bf16 v57, v35;
	v25 =	vperm.xlane v25, v16;
	v30 =	vadd.bf16 v33, v30  }
0x29b: {  	s8 =	sand.u32 $0x3FFFFFF0, s8;
	v35 =	vmul.bf16 v62, v35;
	v56 =	vpack.i.f32.bf16 v52, v52;
	v57 =	vunpack.i.u.bf16.f32 v29  }
0x29c: {  	v25 =	vpack.i.f32.bf16 v25, v25;
	v61 =	vunpack.i.l.bf16.f32 v29;
	v29 =	vld [tilespmem:s8+$0x2000];
	v38 =	vmul.bf16 v46, v56  }
0x29d: {  	s18 =	sshll.u32 s6, $0x9;
	v32 =	vadd.bf16 v54, v39;
	v58 =	vmul.bf16 v51, v56;
	v62 =	vmul.bf16 v53, v25  }
0x29e: {  	s8 =	sand.u32 $0x3FFFFE00, s18;
	v27 =	vadd.f32 v61, v27;
	v41 =	vunpack.i.l.bf16.f32 v30;
	v31 =	vadd.bf16 v35, v31  }
0x29f: {  	v34 =	vadd.f32 v57, v34;
	v42 =	vld [tilespmem:s8+$0x8200];
	v30 =	vunpack.i.u.bf16.f32 v30;
	v32 =	vadd.bf16 v38, v32  }
0x2a0: {  	v51 =	vld [tilespmem:s8+$0x8220];
	v25 =	vmul.bf16 v55, v25;
	v33 =	vadd.f32 v41, v28;
	v31 =	vadd.bf16 v58, v31  }
0x2a1: {  	v54 =	vld [tilespmem:s8+$0x8230];
	v30 =	vadd.f32 v30, v26;
	v32 =	vadd.bf16 v62, v32;
	v53 =	vperm.xlane v29, v63  }
0x2a2: {  	v56 =	vld [tilespmem:s8+$0x8240];
	v55 =	vperm.xlane v29, v1;
	v61 =	vperm.xlane v29, v3;
	v25 =	vadd.bf16 v25, v31  }
0x2a3: {  	v58 =	vld [tilespmem:s8+$0x8250];
	v46 =	vunpack.i.u.bf16.f32 v32;
	v49 =	vunpack.i.l.bf16.f32 v32;
	v57 =	vpack.i.f32.bf16 v53, v53  }
0x2a4: {  	v31 =	vld [tilespmem:s8+$0x8210];
	v37 =	vpack.i.f32.bf16 v61, v61;
	v53 =	vperm.xlane v29, v2;
	v61 =	vperm.xlane v29, v4  }
0x2a5: {  	v52 =	vunpack.i.u.bf16.f32 v25;
	v25 =	vunpack.i.l.bf16.f32 v25;
	v28 =	vadd.f32 v49, v27  }
0x2a6: {  	v62 =	vld [tilespmem:s8+$0x8260];
	v27 =	vadd.f32 v46, v34;
	v35 =	vmul.bf16 v42, v57;
	v34 =	vpack.i.f32.bf16 v55, v55  }
0x2a7: {  	v49 =	vld [tilespmem:s8+$0x8270];
	v55 =	vmul.bf16 v56, v37;
	v26 =	vadd.f32 v25, v33;
	v25 =	vadd.f32 v52, v30  }
0x2a8: {  	s9 =	sand.u32 $0xC, s6;
	v41 =	vld [tilespmem:s8+$0x8280];
	v33 =	vmov s7;
	v46 =	vmul.bf16 v51, v34;
	v34 =	vmul.bf16 v54, v34  }
0x2a9: {  	v39 =	vld [tilespmem:s8+$0x8290];
	v54 =	vmov s9;
	v56 =	vmul.bf16 v58, v37;
	v30 =	vmul.bf16 v31, v57  }
0x2aa: {  	v37 =	vld [tilespmem:s8+$0x82A0];
	v42 =	vperm.xlane v50, v54;
	v31 =	vadd.bf16 v46, v35;
	v57 =	vpack.i.f32.bf16 v53, v53  }
0x2ab: {  	v46 =	vperm.xlane v29, v5;
	v53 =	vld [tilespmem:s8+$0x82E0];
	v58 =	vmul.bf16 v62, v57;
	v30 =	vadd.bf16 v34, v30  }
0x2ac: {  	v62 =	vld [tilespmem:s8+$0x82B0];
	v31 =	vadd.bf16 v55, v31;
	v32 =	vmul.bf16 v49, v57;
	v49 =	vpack.i.f32.bf16 v61, v61  }
0x2ad: {  	v36 =	vld [tilespmem:s8+$0x82D0];
	v34 =	vpack.i.f32.bf16 v46, v46;
	v46 =	vperm.xlane v29, v7;
	v38 =	vmul.bf16 v41, v49  }
0x2ae: {  	v52 =	vld [tilespmem:s8+$0x82C0];
	v57 =	vmul.bf16 v39, v49;
	v30 =	vadd.bf16 v56, v30;
	v31 =	vadd.bf16 v58, v31  }
0x2af: {  	v61 =	vld [tilespmem:s8+$0x82F0];
	v56 =	vperm.xlane v29, v6;
	v58 =	vmul.bf16 v37, v34;
	v54 =	vpack.i.f32.bf16 v46, v46  }
0x2b0: {  	v46 =	vperm.xlane v29, v9;
	v55 =	vmul.bf16 v53, v54;
	v30 =	vadd.bf16 v32, v30  }
0x2b1: {  	v34 =	vmul.bf16 v62, v34;
	v62 =	vpack.i.f32.bf16 v56, v56;
	v49 =	vunpack.i.u.bf16.f32 v31  }
0x2b2: {  	v35 =	vadd.bf16 v58, v38;
	v31 =	vunpack.i.l.bf16.f32 v31;
	v53 =	vpack.i.f32.bf16 v46, v46  }
0x2b3: {  	v51 =	vmul.bf16 v52, v62;
	v52 =	vmul.bf16 v36, v62;
	v31 =	vadd.f32 v31, v42;
	v62 =	vld [tilespmem:s8+$0x8330]  }
0x2b4: {  	v56 =	vmul.bf16 v61, v54;
	v39 =	vadd.f32 v49, v42;
	v32 =	vadd.bf16 v34, v57;
	v57 =	vld [tilespmem:s8+$0x8300]  }
0x2b5: {  	v61 =	vperm.xlane v29, v8;
	v58 =	vunpack.i.l.bf16.f32 v30;
	v34 =	vld [tilespmem:s8+$0x8320];
	v35 =	vadd.bf16 v51, v35  }
0x2b6: {  	v38 =	vld [tilespmem:s8+$0x8310];
	v30 =	vunpack.i.u.bf16.f32 v30;
	v37 =	vadd.f32 v58, v42;
	v32 =	vadd.bf16 v52, v32  }
0x2b7: {  	v54 =	vld [tilespmem:s8+$0x8340];
	v30 =	vadd.f32 v30, v42;
	v49 =	vpack.i.f32.bf16 v61, v61;
	v35 =	vadd.bf16 v55, v35  }
0x2b8: {  	v61 =	vld [tilespmem:s8+$0x8350];
	v51 =	vperm.xlane v29, v15;
	v55 =	vperm.xlane v29, v10;
	v32 =	vadd.bf16 v56, v32  }
0x2b9: {  	v62 =	vmul.bf16 v62, v53;
	v40 =	vunpack.i.u.bf16.f32 v35;
	v35 =	vunpack.i.l.bf16.f32 v35  }
0x2ba: {  	v42 =	vld [tilespmem:s8+$0x83A0];
	v36 =	vmul.bf16 v57, v49;
	v34 =	vmul.bf16 v34, v53;
	v46 =	vpack.i.f32.bf16 v55, v55  }
0x2bb: {  	v56 =	vld [tilespmem:s8+$0x8360];
	v52 =	vunpack.i.u.bf16.f32 v32;
	v32 =	vunpack.i.l.bf16.f32 v32;
	v31 =	vadd.f32 v35, v31  }
0x2bc: {  	v55 =	vld [tilespmem:s8+$0x8380];
	v39 =	vadd.f32 v40, v39;
	v35 =	vmul.bf16 v38, v49;
	v49 =	vperm.xlane v29, v11  }
0x2bd: {  	v38 =	vld [tilespmem:s8+$0x8370];
	v54 =	vmul.bf16 v54, v46;
	v57 =	vmul.bf16 v61, v46;
	v32 =	vadd.f32 v32, v37  }
0x2be: {  	v46 =	vperm.xlane v29, v14;
	v34 =	vadd.bf16 v34, v36;
	v37 =	vld [tilespmem:s8+$0x8390];
	v30 =	vadd.f32 v52, v30  }
0x2bf: {  	v52 =	vld [tilespmem:s8+$0x83C0];
	v35 =	vadd.bf16 v62, v35;
	v58 =	vpack.i.f32.bf16 v49, v49;
	v62 =	vperm.xlane v29, v12  }
0x2c0: {  	v40 =	vpack.i.f32.bf16 v46, v46;
	v34 =	vadd.bf16 v54, v34;
	v61 =	vmul.bf16 v56, v58;
	v54 =	vld [tilespmem:s8+$0x83B0]  }
0x2c1: {  	v46 =	vpack.i.f32.bf16 v51, v51;
	v29 =	vperm.xlane v29, v16;
	v56 =	vld [tilespmem:s8+$0x83E0];
	v49 =	vpack.i.f32.bf16 v62, v62  }
0x2c2: {  	v41 =	vld [tilespmem:s8+$0x83D0];
	v36 =	vadd.bf16 v61, v34;
	v53 =	vmul.bf16 v55, v49;
	v61 =	vmul.bf16 v42, v40  }
0x2c3: {  	s7 =	sor.u32 $0x5, s16;
	v35 =	vadd.bf16 v57, v35;
	v62 =	vld [tilespmem:s8+$0x83F0];
	v29 =	vpack.i.f32.bf16 v29, v29;
	v38 =	vmul.bf16 v38, v58  }
0x2c4: {  	s18 =	sadd.s32 s11, s7;
	v34 =	vmul.bf16 v37, v49;
	v52 =	vmul.bf16 v52, v46;
	v37 =	vadd.bf16 v61, v53  }
0x2c5: {  	s8 =	sshll.u32 s18, $0x4;
	v35 =	vadd.bf16 v38, v35;
	v49 =	vunpack.i.u.bf16.f32 v36;
	v40 =	vmul.bf16 v54, v40  }
0x2c6: {  	s8 =	sand.u32 $0x3FFFFFF0, s8;
	v36 =	vunpack.i.l.bf16.f32 v36;
	v55 =	vmul.bf16 v56, v29;
	v37 =	vadd.bf16 v52, v37  }
0x2c7: {  	s9 =	sshll.u32 s7, $0x9;
	v41 =	vmul.bf16 v41, v46;
	v31 =	vadd.f32 v36, v31;
	v40 =	vadd.bf16 v40, v34;
	v34 =	vld [tilespmem:s8+$0x2000]  }
0x2c8: {  	v39 =	vadd.f32 v49, v39;
	v29 =	vmul.bf16 v62, v29;
	s8 =	sand.u32 $0x3FFFFE00, s9;
	v37 =	vadd.bf16 v55, v37  }
0x2c9: {  	v62 =	vunpack.i.l.bf16.f32 v35;
	v35 =	vunpack.i.u.bf16.f32 v35;
	v57 =	vld [tilespmem:s8+$0x8200];
	v56 =	vadd.bf16 v41, v40  }
0x2ca: {  	v35 =	vadd.f32 v35, v30;
	v36 =	vld [tilespmem:s8+$0x8220];
	v40 =	vadd.f32 v62, v32;
	v58 =	vunpack.i.l.bf16.f32 v37  }
0x2cb: {  	v41 =	vld [tilespmem:s8+$0x8210];
	v30 =	vunpack.i.u.bf16.f32 v37;
	v29 =	vadd.bf16 v29, v56;
	v32 =	vadd.f32 v58, v31  }
0x2cc: {  	v49 =	vld [tilespmem:s8+$0x8230];
	v31 =	vadd.f32 v30, v39;
	v46 =	vperm.xlane v34, v63;
	v61 =	vperm.xlane v34, v1  }
0x2cd: {  	v62 =	vld [tilespmem:s8+$0x8240];
	v63 =	vperm.xlane v34, v3;
	v51 =	vperm.xlane v34, v12;
	v3 =	vimm.s32 $0x1  }
0x2ce: {  	v55 =	vld [tilespmem:s8+$0x8250];
	v1 =	vimm.s32 $0x0;
	v37 =	vunpack.i.u.bf16.f32 v29;
	v29 =	vunpack.i.l.bf16.f32 v29  }
0x2cf: {  	v42 =	vpack.i.f32.bf16 v46, v46;
	v53 =	vpack.i.f32.bf16 v61, v61;
	v61 =	vperm.xlane v34, v2  }
0x2d0: {  	v58 =	vpack.i.f32.bf16 v63, v63;
	v38 =	vmul.bf16 v57, v42;
	v57 =	vld [tilespmem:s8+$0x8260];
	v46 =	vmul.bf16 v41, v42  }
0x2d1: {  	v30 =	vadd.f32 v29, v40;
	v36 =	vmul.bf16 v36, v53;
	v41 =	vld [tilespmem:s8+$0x8270];
	v49 =	vmul.bf16 v49, v53  }
0x2d2: {  	v29 =	vadd.f32 v37, v35;
	v2 =	vimm.s32 $0x2;
	v62 =	vmul.bf16 v62, v58  }
0x2d3: {  	v63 =	vmul.bf16 v55, v58;
	v36 =	vadd.bf16 v36, v38;
	v39 =	vadd.bf16 v49, v46;
	v49 =	vld [tilespmem:s8+$0x8280]  }
0x2d4: {  	v37 =	vld [tilespmem:s8+$0x8290];
	v58 =	vperm.xlane v34, v4;
	v4 =	vimm.s32 $0x3;
	v46 =	vpack.i.f32.bf16 v61, v61  }
0x2d5: {  	s18 =	sand.u32 $0xD, s7;
	v38 =	vmov s6;
	v61 =	vadd.bf16 v62, v36;
	v62 =	vmul.bf16 v57, v46  }
0x2d6: {  	v39 =	vadd.bf16 v63, v39;
	v63 =	vmul.bf16 v41, v46;
	v46 =	vld [tilespmem:s8+$0x82A0];
	v57 =	vmov s18  }
0x2d7: {  	v54 =	vld [tilespmem:s8+$0x82C0];
	v36 =	vpack.i.f32.bf16 v58, v58;
	v42 =	vperm.xlane v50, v57;
	v35 =	vadd.bf16 v62, v61  }
0x2d8: {  	v61 =	vld [tilespmem:s8+$0x82B0];
	v39 =	vadd.bf16 v63, v39;
	v62 =	vperm.xlane v34, v5;
	v52 =	vmul.bf16 v49, v36  }
0x2d9: {  	v56 =	vld [tilespmem:s8+$0x82D0];
	v63 =	vperm.xlane v34, v6;
	v36 =	vmul.bf16 v37, v36;
	v55 =	vunpack.i.u.bf16.f32 v35  }
0x2da: {  	[tilespmem:$0x1FD30] =	vst v0;
	v41 =	vld [tilespmem:s8+$0x82F0];
	v35 =	vunpack.i.l.bf16.f32 v35;
	v40 =	vpack.i.f32.bf16 v62, v62;
	v0 =	vunpack.i.u.bf16.f32 v39  }
0x2db: {  	v49 =	vld [tilespmem:s8+$0x82E0];
	v39 =	vunpack.i.l.bf16.f32 v39;
	v46 =	vmul.bf16 v46, v40;
	v35 =	vadd.f32 v35, v42  }
0x2dc: {  	v62 =	vperm.xlane v34, v7;
	v55 =	vadd.f32 v55, v42;
	v39 =	vadd.f32 v39, v42  }
0x2dd: {  	v40 =	vmul.bf16 v61, v40;
	v61 =	vpack.i.f32.bf16 v63, v63;
	v37 =	vadd.bf16 v46, v52;
	v52 =	vld [tilespmem:s8+$0x8310]  }
0x2de: {  	v0 =	vadd.f32 v0, v42;
	v58 =	vpack.i.f32.bf16 v62, v62;
	v63 =	vmul.bf16 v54, v61;
	v54 =	vld [tilespmem:s8+$0x8300]  }
0x2df: {  	v46 =	vmul.bf16 v56, v61;
	v61 =	vmul.bf16 v41, v58;
	v41 =	vld [tilespmem:s8+$0x8320];
	v36 =	vadd.bf16 v40, v36  }
0x2e0: {  	v42 =	vld [tilespmem:s8+$0x8340];
	v62 =	vperm.xlane v34, v8;
	v49 =	vmul.bf16 v49, v58;
	v37 =	vadd.bf16 v63, v37  }
0x2e1: {  	v5 =	vimm.s32 $0x4;
	v63 =	vperm.xlane v34, v9;
	v36 =	vadd.bf16 v46, v36  }
0x2e2: {  	v58 =	vperm.xlane v34, v10;
	v46 =	vld [tilespmem:s8+$0x8330];
	v37 =	vadd.bf16 v49, v37;
	v49 =	vpack.i.f32.bf16 v62, v62  }
0x2e3: {  	v57 =	vld [tilespmem:s8+$0x8350];
	v40 =	vpack.i.f32.bf16 v63, v63;
	v36 =	vadd.bf16 v61, v36;
	v54 =	vmul.bf16 v54, v49  }
0x2e4: {  	v63 =	vld [tilespmem:s8+$0x8390];
	v49 =	vmul.bf16 v52, v49;
	v41 =	vmul.bf16 v41, v40;
	v52 =	vpack.i.f32.bf16 v58, v58  }
0x2e5: {  	v61 =	vld [tilespmem:s8+$0x8360];
	v56 =	vunpack.i.u.bf16.f32 v37;
	v37 =	vunpack.i.l.bf16.f32 v37;
	v42 =	vmul.bf16 v42, v52  }
0x2e6: {  	v58 =	vld [tilespmem:s8+$0x8370];
	v62 =	vunpack.i.u.bf16.f32 v36;
	v36 =	vunpack.i.l.bf16.f32 v36;
	v41 =	vadd.bf16 v41, v54  }
0x2e7: {  	v53 =	vld [tilespmem:s8+$0x83A0];
	v35 =	vadd.f32 v37, v35;
	v40 =	vmul.bf16 v46, v40;
	v46 =	vperm.xlane v34, v11  }
0x2e8: {  	v52 =	vmul.bf16 v57, v52;
	v54 =	vld [tilespmem:s8+$0x8380];
	v55 =	vadd.f32 v56, v55;
	v36 =	vadd.f32 v36, v39  }
0x2e9: {  	v0 =	vadd.f32 v62, v0;
	v37 =	vadd.bf16 v40, v49;
	v40 =	vpack.i.f32.bf16 v46, v46  }
0x2ea: {  	s6 =	sor.u32 $0x6, s16;
	v39 =	vpack.i.f32.bf16 v51, v51;
	v62 =	vperm.xlane v34, v14;
	v46 =	vmul.bf16 v61, v40;
	v61 =	vld [tilespmem:s8+$0x83B0]  }
0x2eb: {  	s9 =	sadd.s32 s11, s6;
	s18 =	sand.u32 $0xE, s6;
	v41 =	vadd.bf16 v42, v41;
	v49 =	vmul.bf16 v63, v39;
	v40 =	vmul.bf16 v58, v40;
	v58 =	vld [tilespmem:s8+$0x83E0]  }
0x2ec: {  	s9 =	sshll.u32 s9, $0x4;
	v63 =	vpack.i.f32.bf16 v62, v62;
	v62 =	vmov s18;
	v37 =	vadd.bf16 v52, v37;
	v52 =	vld [tilespmem:s8+$0x83C0]  }
0x2ed: {  	s9 =	sand.u32 $0x3FFFFFF0, s9;
	v57 =	vld [tilespmem:s8+$0x83D0];
	v53 =	vmul.bf16 v53, v63;
	v54 =	vmul.bf16 v54, v39;
	v41 =	vadd.bf16 v46, v41  }
0x2ee: {  	v39 =	vld [tilespmem:s9+$0x2000];
	v46 =	vperm.xlane v34, v15;
	v34 =	vperm.xlane v34, v16;
	v37 =	vadd.bf16 v40, v37  }
0x2ef: {  	s9 =	sshll.u32 s6, $0x9;
	v53 =	vadd.bf16 v53, v54;
	v40 =	vunpack.i.u.bf16.f32 v41;
	v56 =	vmul.bf16 v61, v63;
	v61 =	vld [tilespmem:s8+$0x83F0]  }
0x2f0: {  	v41 =	vunpack.i.l.bf16.f32 v41;
	v42 =	vpack.i.f32.bf16 v46, v46;
	v34 =	vpack.i.f32.bf16 v34, v34;
	s8 =	sand.u32 $0x3FFFFE00, s9  }
0x2f1: {  	v63 =	vunpack.i.u.bf16.f32 v37;
	v58 =	vmul.bf16 v58, v34;
	v52 =	vmul.bf16 v52, v42;
	v46 =	vld [tilespmem:s8+$0x8200]  }
0x2f2: {  	v40 =	vadd.f32 v40, v55;
	v42 =	vmul.bf16 v57, v42;
	v55 =	vld [tilespmem:s8+$0x8230];
	v49 =	vadd.bf16 v56, v49  }
0x2f3: {  	v0 =	vadd.f32 v63, v0;
	v63 =	vperm.xlane v39, v3;
	v57 =	vadd.bf16 v52, v53;
	v53 =	vld [tilespmem:s8+$0x8210]  }
0x2f4: {  	v42 =	vadd.bf16 v42, v49;
	v49 =	vld [tilespmem:s8+$0x8220];
	v34 =	vmul.bf16 v61, v34;
	v61 =	vperm.xlane v39, v1  }
0x2f5: {  	v35 =	vadd.f32 v41, v35;
	v37 =	vunpack.i.l.bf16.f32 v37;
	v41 =	vadd.bf16 v58, v57  }
0x2f6: {  	v36 =	vadd.f32 v37, v36;
	v56 =	vld [tilespmem:s8+$0x8240];
	v37 =	vpack.i.f32.bf16 v63, v63;
	v52 =	vpack.i.f32.bf16 v61, v61  }
0x2f7: {  	v57 =	vld [tilespmem:s8+$0x8250];
	v42 =	vadd.bf16 v34, v42;
	v34 =	vunpack.i.u.bf16.f32 v41;
	v54 =	vmul.bf16 v46, v52  }
0x2f8: {  	v41 =	vunpack.i.l.bf16.f32 v41;
	v46 =	vperm.xlane v39, v2;
	v52 =	vmul.bf16 v53, v52  }
0x2f9: {  	v61 =	vld [tilespmem:s8+$0x8260];
	v49 =	vmul.bf16 v49, v37;
	v37 =	vmul.bf16 v55, v37;
	v63 =	vunpack.i.l.bf16.f32 v42  }
0x2fa: {  	v53 =	vld [tilespmem:s8+$0x8270];
	v42 =	vunpack.i.u.bf16.f32 v42;
	v55 =	vpack.i.f32.bf16 v46, v46;
	v46 =	vperm.xlane v39, v4  }
0x2fb: {  	v1 =	vld [tilespmem:$0x1FFE0];
	v49 =	vadd.bf16 v49, v54;
	v54 =	vmul.bf16 v56, v55;
	v52 =	vadd.bf16 v37, v52  }
0x2fc: {  	v55 =	vmul.bf16 v57, v55;
	v37 =	vadd.f32 v41, v35;
	v35 =	vadd.f32 v63, v36  }
0x2fd: {  	v36 =	vadd.f32 v42, v0;
	v42 =	vld [tilespmem:s8+$0x82A0];
	v57 =	vperm.xlane v39, v5;
	v46 =	vpack.i.f32.bf16 v46, v46  }
0x2fe: {  	v5 =	vimm.s32 $0x5;
	v58 =	vadd.bf16 v54, v49;
	v61 =	vmul.bf16 v61, v46;
	v54 =	vld [tilespmem:s8+$0x8280]  }
0x2ff: {  	v52 =	vadd.bf16 v55, v52;
	v53 =	vmul.bf16 v53, v46;
	v49 =	vld [tilespmem:s8+$0x8290];
	v46 =	vperm.xlane v39, v5  }
0x300: {  	v34 =	vadd.f32 v34, v40;
	v40 =	vor.u32 v1, v24;
	v41 =	vadd.bf16 v61, v58;
	v61 =	vld [tilespmem:s8+$0x82C0]  }
0x301: {  	v55 =	vld [tilespmem:s8+$0x82B0];
	v0 =	vadd.bf16 v53, v52;
	v52 =	vperm.xlane v50, v62;
	v58 =	vpack.i.f32.bf16 v46, v46  }
0x302: {  	v57 =	vpack.i.f32.bf16 v57, v57;
	v46 =	vperm.xlane v39, v6;
	v42 =	vmul.bf16 v42, v58  }
0x303: {  	v2 =	vld [tilespmem:s8+$0x82F0];
	v53 =	vunpack.i.u.bf16.f32 v41;
	v41 =	vunpack.i.l.bf16.f32 v41;
	v54 =	vmul.bf16 v54, v57  }
0x304: {  	v62 =	vadd.f32 v41, v52;
	v41 =	vld [tilespmem:s8+$0x82D0];
	v49 =	vmul.bf16 v49, v57;
	v57 =	vpack.i.f32.bf16 v46, v46  }
0x305: {  	v1 =	vld [tilespmem:s8+$0x82E0];
	v46 =	vperm.xlane v39, v7;
	v42 =	vadd.bf16 v42, v54;
	v54 =	vmul.bf16 v61, v57  }
0x306: {  	v56 =	vunpack.i.u.bf16.f32 v0;
	v0 =	vunpack.i.l.bf16.f32 v0;
	v55 =	vmul.bf16 v55, v58;
	v58 =	vld [tilespmem:s8+$0x8300]  }
0x307: {  	v53 =	vadd.f32 v53, v52;
	v42 =	vadd.bf16 v54, v42;
	v54 =	vpack.i.f32.bf16 v46, v46;
	v46 =	vld [tilespmem:$0x1FFF0]  }
0x308: {  	v0 =	vadd.f32 v0, v52;
	v49 =	vadd.bf16 v55, v49;
	v55 =	vld [tilespmem:s8+$0x8320]  }
0x309: {  	v63 =	vld [tilespmem:s8+$0x8310];
	v52 =	vadd.f32 v56, v52;
	v56 =	vperm.xlane v39, v8;
	v41 =	vmul.bf16 v41, v57  }
0x30a: {  	v61 =	vperm.xlane v39, v9;
	v57 =	vld [tilespmem:s8+$0x8330];
	v1 =	vmul.bf16 v1, v54  }
0x30b: {  	v51 =	vpack.i.f32.bf16 v56, v56;
	v2 =	vmul.bf16 v2, v54;
	v49 =	vadd.bf16 v41, v49  }
0x30c: {  	v1 =	vadd.bf16 v1, v42;
	v41 =	vor.u32 v46, v24;
	v46 =	vpack.i.f32.bf16 v61, v61  }
0x30d: {  	v42 =	vmul.bf16 v58, v51;
	v54 =	vmul.bf16 v55, v46;
	v55 =	vld [tilespmem:s8+$0x8350]  }
0x30e: {  	v58 =	vld [tilespmem:s8+$0x8340];
	v2 =	vadd.bf16 v2, v49;
	v49 =	vmul.bf16 v63, v51;
	v51 =	vunpack.i.l.bf16.f32 v1  }
0x30f: {  	v56 =	vmul.bf16 v57, v46;
	v46 =	vperm.xlane v39, v10;
	v61 =	vadd.f32 v51, v62;
	v62 =	vld [tilespmem:s8+$0x8370]  }
0x310: {  	v63 =	vld [tilespmem:s8+$0x8360]  }
0x311: {  	v49 =	vadd.bf16 v56, v49;
	v56 =	vpack.i.f32.bf16 v46, v46;
	v46 =	vperm.xlane v39, v11  }
0x312: {  	v1 =	vunpack.i.u.bf16.f32 v1;
	v51 =	vld [tilespmem:$0x1FE00];
	v55 =	vmul.bf16 v55, v56  }
0x313: {  	v1 =	vadd.f32 v1, v53;
	v58 =	vmul.bf16 v58, v56;
	v56 =	vpack.i.f32.bf16 v46, v46  }
0x314: {  	v53 =	vld [tilespmem:s8+$0x83B0];
	v54 =	vadd.bf16 v54, v42;
	v62 =	vmul.bf16 v62, v56;
	v49 =	vadd.bf16 v55, v49  }
0x315: {  	v57 =	vunpack.i.l.bf16.f32 v2;
	v46 =	vmul.bf16 v63, v56;
	v56 =	vld [tilespmem:s8+$0x83A0]  }
0x316: {  	v54 =	vadd.bf16 v58, v54;
	v58 =	vperm.xlane v39, v14;
	v49 =	vadd.bf16 v62, v49  }
0x317: {  	v0 =	vadd.f32 v57, v0;
	v42 =	vor.u32 v51, v24;
	v51 =	vld [tilespmem:$0x1FEF0]  }
0x318: {  	v63 =	vld [tilespmem:s8+$0x8380];
	v58 =	vpack.i.f32.bf16 v58, v58;
	v54 =	vadd.bf16 v46, v54;
	v46 =	vunpack.i.l.bf16.f32 v49  }
0x319: {  	v53 =	vmul.bf16 v53, v58;
	v0 =	vadd.f32 v46, v0;
	v46 =	vld [tilespmem:$0x1FCE0]  }
0x31a: {  	v57 =	vunpack.i.u.bf16.f32 v54;
	v54 =	vunpack.i.l.bf16.f32 v54;
	v56 =	vmul.bf16 v56, v58;
	v58 =	vld [tilespmem:$0x1FCF0]  }
0x31b: {  	v2 =	vunpack.i.u.bf16.f32 v2;
	v54 =	vadd.f32 v54, v61;
	v61 =	vld [tilespmem:s8+$0x83C0]  }
0x31c: {  	v33 =	vshrl.u32 v33, $0x3;
	v2 =	vadd.f32 v2, v52;
	v52 =	vperm.xlane v39, v12  }
0x31d: {  	v33 =	vshll.u32 v33, v17;
	v62 =	vperm.xlane v39, v15  }
0x31e: {  	v52 =	vpack.i.f32.bf16 v52, v52;
	v55 =	vld [tilespmem:s8+$0x8390];
	v1 =	vadd.f32 v57, v1;
	[tilespmem:v47+s29+$0x0] =	vst.idx.msk $0xffff, v46  }
0x31f: {  	v57 =	vmul.bf16 v63, v52;
	v63 =	vld [tilespmem:s8+$0x83D0];
	[tilespmem:v48+s29+$0x0] =	vst.idx.msk $0xffff, v58;
	v48 =	vbroadcast v33, $0x0;
	v33 =	vpack.i.f32.bf16 v62, v62  }
0x320: {  	v58 =	vor.u32 v51, v24;
	v24 =	vmul.bf16 v61, v33;
	v61 =	vld [tilespmem:$0x1FE10]  }
0x321: {  	v51 =	vld [tilespmem:$0x1FD10];
	_ =	sdelay $0x1  }
0x322: {  	v47 =	vmul.bf16 v55, v52  }
0x323: {  	v62 =	vld [tilespmem:$0x1FD00]  }
0x324: {  	v47 =	vadd.bf16 v53, v47;
	v53 =	vor.u32 v61, v48;
	v61 =	vmul.bf16 v63, v33;
	_ =	sdelay $0x1  }
0x325: {  	v47 =	vadd.bf16 v61, v47;
	v61 =	vld [tilespmem:$0x1FE20]  }
0x326: {  	[tilespmem:v19+s29+$0x0] =	vst.idx.msk $0xffff, v44;
	v55 =	vld [tilespmem:s8+$0x83E0]  }
0x327: {  	[tilespmem:v51+s29+$0x0] =	vst.idx.msk $0xffff, v62;
	v62 =	vld [tilespmem:$0x1FD30]  }
0x328: {  	[tilespmem:v18+s29+$0x0] =	vst.idx.msk $0xffff, v45;
	v56 =	vadd.bf16 v56, v57  }
0x329: {  	[tilespmem:v43+s29+$0x0] =	vst.idx.msk $0xffff, v60;
	v60 =	vld [tilespmem:$0x1FF10];
	s18 =	sor.u32 $0x7, s16;
	v39 =	vperm.xlane v39, v16  }
0x32a: {  	v52 =	vmov s7;
	s7 =	sshll.u32 s18, $0x9;
	v46 =	vadd.bf16 v24, v56;
	v56 =	vor.u32 v61, v48;
	v61 =	vld [tilespmem:$0x1FD20]  }
0x32b: {  	s9 =	sadd.s32 s11, s18;
	v39 =	vpack.i.f32.bf16 v39, v39;
	v57 =	vld [tilespmem:s8+$0x83F0];
	s7 =	sand.u32 $0x3FFFFE00, s7  }
0x32c: {  	v49 =	vunpack.i.u.bf16.f32 v49;
	s8 =	sshll.u32 s9, $0x4;
	v44 =	vld [tilespmem:s7+$0x8230];
	v55 =	vmul.bf16 v55, v39  }
0x32d: {  	v2 =	vadd.f32 v49, v2;
	s8 =	sand.u32 $0x3FFFFFF0, s8;
	v49 =	vld [tilespmem:s7+$0x8240]  }
0x32e: {  	v38 =	vshrl.u32 v38, $0x3;
	v33 =	vld [tilespmem:s8+$0x2000];
	v55 =	vadd.bf16 v55, v46  }
0x32f: {  	v19 =	vshll.u32 v38, v17;
	[tilespmem:v62+s29+$0x0] =	vst.idx.msk $0xffff, v61;
	v62 =	vld [tilespmem:$0x1FE30]  }
0x330: {  	v45 =	vbroadcast v19, $0x0;
	[tilespmem:v40+s29+$0x0] =	vst.idx.msk $0xffff, v23;
	v40 =	vld [tilespmem:s7+$0x8280];
	v39 =	vmul.bf16 v57, v39;
	v19 =	vunpack.i.l.bf16.f32 v55  }
0x331: {  	v24 =	vmov s18;
	v57 =	vld [tilespmem:s7+$0x8200];
	v18 =	vunpack.i.u.bf16.f32 v55;
	v19 =	vadd.f32 v19, v54  }
0x332: {  	v63 =	vimm.s32 $0x0;
	v46 =	vld [tilespmem:s7+$0x8210];
	v18 =	vadd.f32 v18, v1;
	v38 =	vadd.bf16 v39, v47  }
0x333: {  	v39 =	vld [tilespmem:s7+$0x8220];
	v55 =	vperm.xlane v33, v3;
	v3 =	vimm.s32 $0x2;
	[tilespmem:v53+s29+$0x0] =	vst.idx.msk $0xffff, v28;
	v53 =	vperm.xlane v33, v8  }
0x334: {  	[tilespmem:v13+s29+$0x0] =	vst.idx.msk $0xffff, v59;
	v13 =	vunpack.i.l.bf16.f32 v38;
	v61 =	vperm.xlane v33, v63;
	v51 =	vor.u32 v62, v48;
	v62 =	vld [tilespmem:$0x1FF00]  }
0x335: {  	v1 =	vld [tilespmem:s7+$0x8250];
	v23 =	vunpack.i.u.bf16.f32 v38;
	v13 =	vadd.f32 v13, v0;
	v47 =	vpack.i.f32.bf16 v55, v55  }
0x336: {  	v54 =	vld [tilespmem:$0x1FF20];
	v44 =	vmul.bf16 v44, v47;
	v0 =	vpack.i.f32.bf16 v61, v61;
	v61 =	vperm.xlane v33, v3  }
0x337: {  	v55 =	vld [tilespmem:s7+$0x8260];
	v23 =	vadd.f32 v23, v2;
	v43 =	vmul.bf16 v57, v0;
	v0 =	vmul.bf16 v46, v0  }
0x338: {  	[tilespmem:v41+s29+$0x0] =	vst.idx.msk $0xffff, v22;
	v39 =	vmul.bf16 v39, v47;
	v46 =	vld [tilespmem:s7+$0x8270];
	v57 =	vperm.xlane v33, v4;
	v4 =	vimm.s32 $0x4  }
0x339: {  	v0 =	vadd.bf16 v44, v0;
	v44 =	vld [tilespmem:s7+$0x8290];
	v48 =	vor.u32 v62, v48;
	v62 =	vpack.i.f32.bf16 v61, v61  }
0x33a: {  	v2 =	vld [tilespmem:s7+$0x82B0];
	v59 =	vadd.bf16 v39, v43;
	v61 =	vmul.bf16 v49, v62;
	v1 =	vmul.bf16 v1, v62  }
0x33b: {  	v47 =	vor.u32 v60, v45;
	v60 =	vld [tilespmem:$0x1FF30];
	v62 =	vpack.i.f32.bf16 v57, v57;
	v57 =	vperm.xlane v33, v4  }
0x33c: {  	v49 =	vld [tilespmem:s7+$0x82A0];
	v55 =	vmul.bf16 v55, v62;
	v38 =	vadd.bf16 v61, v59;
	v0 =	vadd.bf16 v1, v0  }
0x33d: {  	v1 =	vmul.bf16 v46, v62;
	v59 =	vpack.i.f32.bf16 v57, v57;
	v61 =	vperm.xlane v33, v5;
	v62 =	vld [tilespmem:s7+$0x82C0]  }
0x33e: {  	v22 =	vor.u32 v54, v45;
	v57 =	vperm.xlane v33, v6;
	v39 =	vmul.bf16 v44, v59;
	v44 =	vld [tilespmem:s7+$0x82E0]  }
0x33f: {  	v38 =	vadd.bf16 v55, v38;
	v0 =	vadd.bf16 v1, v0;
	v1 =	vmul.bf16 v40, v59;
	v40 =	vld [tilespmem:s7+$0x82D0]  }
0x340: {  	[tilespmem:v42+s29+$0x0] =	vst.idx.msk $0xffff, v21;
	v43 =	vpack.i.f32.bf16 v61, v61;
	v59 =	vshrl.u32 v52, $0x3;
	v61 =	vpack.i.f32.bf16 v57, v57;
	v57 =	vld [tilespmem:$0x1FE40]  }
0x341: {  	v55 =	vperm.xlane v33, v7;
	v49 =	vmul.bf16 v49, v43;
	v41 =	vshll.u32 v59, v17  }
0x342: {  	[tilespmem:v58+s29+$0x0] =	vst.idx.msk $0xffff, v20;
	v2 =	vmul.bf16 v2, v43;
	v43 =	vor.u32 v60, v45;
	v59 =	vld [tilespmem:$0x1FE50];
	v21 =	vbroadcast v41, $0x0  }
0x343: {  	[tilespmem:v56+s29+$0x0] =	vst.idx.msk $0xffff, v27;
	v60 =	vpack.i.f32.bf16 v55, v55;
	v55 =	vunpack.i.u.bf16.f32 v38;
	v38 =	vunpack.i.l.bf16.f32 v38  }
0x344: {  	v42 =	vld [tilespmem:s7+$0x82F0];
	v1 =	vadd.bf16 v49, v1;
	v62 =	vmul.bf16 v62, v61;
	v2 =	vadd.bf16 v2, v39  }
0x345: {  	v58 =	vld [tilespmem:s7+$0x8300];
	v44 =	vmul.bf16 v44, v60;
	v54 =	vmul.bf16 v40, v61;
	v45 =	vor.u32 v57, v45  }
0x346: {  	v20 =	vld [tilespmem:s7+$0x8310];
	[tilespmem:v47+s29+$0x0] =	vst.idx.msk $0xffff, v32;
	v1 =	vadd.bf16 v62, v1;
	v62 =	vperm.xlane v50, v24;
	v57 =	vunpack.i.u.bf16.f32 v0  }
0x347: {  	[tilespmem:v51+s29+$0x0] =	vst.idx.msk $0xffff, v26;
	v61 =	vld [tilespmem:$0x1FE60];
	v0 =	vunpack.i.l.bf16.f32 v0;
	v24 =	vshrl.u32 v24, $0x3;
	v41 =	vor.u32 v59, v21  }
0x348: {  	v56 =	vld [tilespmem:s7+$0x8340];
	v24 =	vshll.u32 v24, v17;
	v2 =	vadd.bf16 v54, v2;
	v38 =	vadd.f32 v38, v62  }
0x349: {  	v50 =	vld [tilespmem:$0x1FF40];
	v54 =	vmul.bf16 v42, v60;
	v1 =	vadd.bf16 v44, v1;
	v59 =	vadd.f32 v55, v62  }
0x34a: {  	v0 =	vadd.f32 v0, v62;
	v60 =	vadd.f32 v57, v62;
	v62 =	vld [tilespmem:s7+$0x8320];
	v55 =	vperm.xlane v33, v9  }
0x34b: {  	v51 =	vld [tilespmem:$0x1FF50];
	[tilespmem:v48+s29+$0x0] =	vst.idx.msk $0xffff, v25;
	v48 =	vperm.xlane v33, v11;
	v24 =	vbroadcast v24, $0x0;
	v2 =	vadd.bf16 v54, v2  }
0x34c: {  	[tilespmem:v22+s29+$0x0] =	vst.idx.msk $0xffff, v31;
	v57 =	vld [tilespmem:s7+$0x8350];
	v32 =	vpack.i.f32.bf16 v55, v55;
	v40 =	vor.u32 v61, v21;
	v61 =	vunpack.i.u.bf16.f32 v1  }
0x34d: {  	[tilespmem:v43+s29+$0x0] =	vst.idx.msk $0xffff, v30;
	v54 =	vld [tilespmem:s7+$0x8330];
	v1 =	vunpack.i.l.bf16.f32 v1;
	v52 =	vunpack.i.u.bf16.f32 v2;
	v2 =	vunpack.i.l.bf16.f32 v2  }
0x34e: {  	v44 =	vld [tilespmem:$0x1FF70];
	v46 =	vor.u32 v50, v21;
	v27 =	vadd.f32 v61, v59;
	v0 =	vadd.f32 v2, v0  }
0x34f: {  	v59 =	vld [tilespmem:s7+$0x8360];
	v2 =	vpack.i.f32.bf16 v53, v53;
	v25 =	vadd.f32 v52, v60;
	v60 =	vmul.bf16 v62, v32  }
0x350: {  	v21 =	vor.u32 v51, v21;
	v61 =	vld [tilespmem:s7+$0x8370];
	v42 =	vmul.bf16 v58, v2;
	v58 =	vperm.xlane v33, v10  }
0x351: {  	v1 =	vadd.f32 v1, v38;
	v52 =	vld [tilespmem:s7+$0x8380];
	v53 =	vpack.i.f32.bf16 v48, v48;
	v2 =	vmul.bf16 v20, v2  }
0x352: {  	v32 =	vmul.bf16 v54, v32;
	v54 =	vld [tilespmem:s7+$0x8390];
	v62 =	vpack.i.f32.bf16 v58, v58;
	v20 =	vadd.bf16 v60, v42  }
0x353: {  	[tilespmem:v45+s29+$0x0] =	vst.idx.msk $0xffff, v29;
	v58 =	vmov s6;
	v38 =	vmul.bf16 v56, v62;
	v28 =	vmul.bf16 v57, v62;
	v57 =	vld [tilespmem:s7+$0x83A0]  }
0x354: {  	v2 =	vadd.bf16 v32, v2;
	v55 =	vmul.bf16 v59, v53;
	v56 =	vperm.xlane v33, v12;
	v59 =	vld [tilespmem:s7+$0x83B0]  }
0x355: {  	[tilespmem:v41+s29+$0x0] =	vst.idx.msk $0xffff, v37;
	v48 =	vld [tilespmem:$0x1FF60];
	v26 =	vmul.bf16 v61, v53;
	v61 =	vperm.xlane v33, v14;
	v22 =	vshrl.u32 v58, $0x3  }
0x356: {  	v62 =	vld [tilespmem:s7+$0x83C0];
	v22 =	vshll.u32 v22, v17;
	v20 =	vadd.bf16 v38, v20;
	v60 =	vpack.i.f32.bf16 v56, v56  }
0x357: {  	v51 =	vld [tilespmem:$0x1FF90];
	v53 =	vpack.i.f32.bf16 v61, v61;
	v50 =	vmul.bf16 v52, v60;
	v52 =	vmul.bf16 v54, v60  }
0x358: {  	v2 =	vadd.bf16 v28, v2;
	v54 =	vperm.xlane v33, v15;
	v56 =	vmul.bf16 v57, v53;
	v57 =	vld [tilespmem:$0x1FF80]  }
0x359: {  	[tilespmem:v40+s29+$0x0] =	vst.idx.msk $0xffff, v34;
	v22 =	vbroadcast v22, $0x0;
	v28 =	vmul.bf16 v59, v53;
	v59 =	vld [tilespmem:s7+$0x83E0]  }
0x35a: {  	v20 =	vadd.bf16 v55, v20;
	v2 =	vadd.bf16 v26, v2;
	v55 =	vld [tilespmem:s7+$0x83D0];
	v58 =	vpack.i.f32.bf16 v54, v54  }
0x35b: {  	v47 =	vor.u32 v48, v22;
	v48 =	vld [tilespmem:s7+$0x83F0];
	v61 =	vmul.bf16 v62, v58;
	v62 =	vperm.xlane v33, v16  }
0x35c: {  	[tilespmem:v46+s29+$0x0] =	vst.idx.msk $0xffff, v35;
	v54 =	vld [tilespmem:$0x1FFA0];
	v60 =	vunpack.i.l.bf16.f32 v20;
	v26 =	vadd.bf16 v56, v50;
	v28 =	vadd.bf16 v28, v52  }
0x35d: {  	v50 =	vor.u32 v44, v22;
	v30 =	vpack.i.f32.bf16 v62, v62;
	v52 =	vor.u32 v57, v22;
	v57 =	vld [tilespmem:$0x1FFB0]  }
0x35e: {  	[tilespmem:v21+s29+$0x0] =	vst.idx.msk $0xffff, v36;
	v20 =	vunpack.i.u.bf16.f32 v20;
	v56 =	vld [tilespmem:$0x1FFC0];
	v26 =	vadd.bf16 v61, v26;
	v31 =	vmul.bf16 v59, v30  }
0x35f: {  	v1 =	vadd.f32 v60, v1;
	v20 =	vadd.f32 v20, v27;
	v29 =	vmul.bf16 v55, v58;
	v59 =	vld [tilespmem:$0x1FFD0]  }
0x360: {  	[tilespmem:v47+s29+$0x0] =	vst.idx.msk $0xffff, v19;
	v19 =	vunpack.i.l.bf16.f32 v2;
	v22 =	vor.u32 v51, v22;
	v26 =	vadd.bf16 v31, v26  }
0x361: {  	v55 =	vmul.bf16 v48, v30;
	v58 =	vor.u32 v54, v24;
	v53 =	vadd.bf16 v29, v28  }
0x362: {  	v49 =	vld [tilespmem:$0x1FEE0];
	v0 =	vadd.f32 v19, v0;
	[tilespmem:v50+s29+$0x0] =	vst.idx.msk $0xffff, v18;
	v18 =	vunpack.i.l.bf16.f32 v26;
	v19 =	vor.u32 v57, v24  }
0x363: {  	v39 =	vld [tilespmem:$0x1FEA0];
	v27 =	vadd.bf16 v55, v53;
	v1 =	vadd.f32 v18, v1;
	v18 =	vor.u32 v56, v24  }
0x364: {  	p0 =	slt.u32 s16, $0x18;
	v41 =	vld [tilespmem:$0x1FEC0];
	v2 =	vunpack.i.u.bf16.f32 v2;
	[tilespmem:v52+s29+$0x0] =	vst.idx.msk $0xffff, v13;
	v13 =	vunpack.i.u.bf16.f32 v26;
	v60 =	vor.u32 v59, v24  }
.Ltmp1:
0x365: {  	v37 =	vld [tilespmem:$0x1FE80];
	v2 =	vadd.f32 v2, v25;
	v61 =	vunpack.i.l.bf16.f32 v27;
	[tilespmem:v22+s29+$0x0] =	vst.idx.msk $0xffff, v23;
	v13 =	vadd.f32 v13, v20;
	(pc) =	sbr.rel @p0 .LBB2_5-.Ltmp1, $4  }
0x366: {  	v42 =	vld [tilespmem:$0x1FED0];
	v62 =	vunpack.i.u.bf16.f32 v27;
	v0 =	vadd.f32 v61, v0;
	[tilespmem:v58+s29+$0x0] =	vst.idx.msk $0xffff, v1  }
0x367: {  	v40 =	vld [tilespmem:$0x1FEB0];
	v1 =	vadd.f32 v62, v2;
	[tilespmem:v19+s29+$0x0] =	vst.idx.msk $0xffff, v13  }
0x368: {  	s18 =	sadd.s32 $0x8, s16;
	v36 =	vld [tilespmem:$0x1FE70];
	[tilespmem:v18+s29+$0x0] =	vst.idx.msk $0xffff, v0  }
0x369: {  	s16 =	smov.u32 s18;
	v38 =	vld [tilespmem:$0x1FE90];
	v2 =	vimm.s32 $0x3;
	[tilespmem:v60+s29+$0x0] =	vst.idx.msk $0xffff, v1;
	v1 =	vimm.s32 $0x1  }
0x36a: {  	s3 =	sadd.s32 $0x1, s3  }
0x36b: {  	p0 =	sne.s32 s3, $0x8  }
.Ltmp2:
0x36c: {  	_ = 	snop;
	(pc) =	sbr.rel @p0 .LBB2_2-.Ltmp2, $4  }
0x36d: {  	s6 =	sadd.s32 s5, s11  }
0x36e: {  	s6 =	sshrl.u32 s6, $0x3  }
0x36f: {  	v55 =	vld [tilespmem:$0x1FFE0];
	s6 =	sadd.s32 s4, s6  }
0x370: {  	v57 =	vld [tilespmem:$0x1FFF0];
	[hbm4b:s6+s26] =	stream.strided.scatter [tilespmem:s29], [sflag:$0x4], $0x800, s12, s26, $0x38  }
0x371: {  	_ =	swait.ge [sflag:s30], $0x800  }
0x372: {  	[sflag:s30] =	ssyncset.done $0x0  }
0x373: {  	[sflag:s30] =	ssyncadd.s32 $0xFFFFF800  }
0x374: {  	_ =	swait.ge [sflag:s31], $0x800  }
0x375: {  	s1 =	sadd.s32 $0x1, s1;
	s3 =	rddreg [dreg:$0x9]  }
0x376: {  	p0 =	sne.s32 s1, s3  }
.Ltmp3:
0x377: {  	_ = 	snop;
	(pc) =	sbr.rel @p0 .LBB2_1-.Ltmp3, $3  }
0x378: {  	_ =	sdelay $0x1  }
0x379: {  	[sflag:s31] =	ssyncset.done $0x0  }
0x37a: {  	[sflag:s31] =	ssyncadd.s32 $0xFFFFF800  }
0x37b: {  	_ =	sfence.sel $0x180000  }
0x37c: {  	[bflag:$0x0] =	sbarrier.arrive $0xFFFF  }
0x37d: {  	_ =	strace $0x90000047  }
0x37e: {  	s0 =	stileid.u32;
	[bflag:$0x2] =	sbarrier.arrive $0xFFFF  }
0x37f: {  	p0 =	sne.s32 s0, $0x0;
	s0 =	rddreg [dreg:$0x5]  }
0x380: {  	s0 =	sadd.s32 @!p0 $0x100000, s0  }
0x381: {  	[sflag:s0] =	ssyncadd.tile.s32 @!p0 $0x1;
	_ =	shalt  }
.Lfunc_end2:
_tile_overlayer_lowered:
.L_overlay_start_2:
0x382: {  	(tag) =	ssettag $0x2  }
0x383: {  	s0 =	rddreg [dreg:$0x0];
	s2 =	stileid.u32  }
0x384: {  	s1 =	rddreg [dreg:$0x1];
	p0 =	sne.s32 s2, $0x0  }
0x385: {  	s3 =	rddreg [dreg:$0x2];
	[bflag:$0x3] =	sbarrier.arrive $0xFFFF;
	s2 =	simm.s32 @!p0 $0x1C05  }
0x386: {  	[timem:s3], [sflag:s2] =	dma.local @!p0 [hbm:s0], s1  }
0x387: {  	s0 =	simm.s32 @!p0 $0x5  }
0x388: {  	_ =	swait.ge @!p0 [sflag:s0], s1  }
0x389: {  	s1 =	ssub.s32 @!p0 $0x0, s1;
	[sflag:s0] =	ssyncset.done @!p0 $0x0  }
0x38a: {  	[sflag:s0] =	ssyncadd.s32 @!p0 s1  }
0x38b: {  	[bflag:$0x3] =	sbarrier.arrive $0xFFFF  }
0x38c: {  	_ =	shalt  }

</sc_bundles>
